<compile_context>
chip_gen: v7x
topology: tpu7x:2x2x1
jax: 0.10.2.dev20260603
libtpu: 0.0.44.dev20260713+nightly
codegen_flags: <defaults>
</compile_context>

<pallas_src>
import functools

import jax
import jax.numpy as jnp
from jax import lax
from jax.experimental import pallas as pl
from jax.experimental.pallas import tpu as pltpu
from jax.experimental.pallas import tpu_sc as plsc

USER_SIZE = 1000000
ITEM_SIZE = 1000000
EMBED = 64
BATCH = 16384

_info = plsc.get_sparse_core_info()
NC, NS, L = _info.num_cores, _info.num_subcores, _info.num_lanes
NW = NC * NS
BW = BATCH // NW
NBUF = 4
BLK = 128


def _blk_copy(table_hbm, buf_v, slot, col, sem):
    off = pl.multiple_of(col * BLK, BLK)
    return pltpu.async_copy(table_hbm.at[:, pl.ds(off, BLK)],
                            buf_v.at[slot], sem)


def _mf_body(user_idx_hbm, item_idx_hbm, ut_hbm, it_hbm, out_hbm,
             uidx_v, iidx_v, ubuf_v, ibuf_v, out_v,
             us0, us1, us2, us3, is0, is1, is2, is3):
    usems = [us0, us1, us2, us3]
    isems = [is0, is1, is2, is3]
    wid = lax.axis_index("s") * NC + lax.axis_index("c")
    base = wid * BW

    pltpu.sync_copy(user_idx_hbm.at[pl.ds(base, BW)], uidx_v)
    pltpu.sync_copy(item_idx_hbm.at[pl.ds(base, BW)], iidx_v)

    lanes = lax.iota(jnp.int32, L)

    uvec0 = uidx_v[pl.ds(0, L)]
    ivec0 = iidx_v[pl.ds(0, L)]
    for k in range(NBUF):
        _blk_copy(ut_hbm, ubuf_v, k, uvec0[k] >> 7, usems[k])
        _blk_copy(it_hbm, ibuf_v, k, ivec0[k] >> 7, isems[k])

    def row_dot(slot, lu, li):
        lu_vec = jnp.full((L,), lu, jnp.int32)
        li_vec = jnp.full((L,), li, jnp.int32)
        slot_vec = jnp.full((L,), slot, jnp.int32)
        acc = None
        for c in range(EMBED // L):
            e_vec = c * L + lanes
            u = plsc.load_gather(ubuf_v, [slot_vec, e_vec, lu_vec])
            v = plsc.load_gather(ibuf_v, [slot_vec, e_vec, li_vec])
            p = u * v
            acc = p if acc is None else acc + p
        return jnp.sum(acc)

    n_groups = BW // L

    def group(g, carry):
        r0 = g * L
        uvec = uidx_v[pl.ds(r0, L)]
        ivec = iidx_v[pl.ds(r0, L)]
        nx = jnp.minimum((g + 1) * L, BW - L)
        uvec_n = uidx_v[pl.ds(nx, L)]
        ivec_n = iidx_v[pl.ds(nx, L)]
        res = jnp.zeros((L,), jnp.float32)
        for j in range(L):
            s = j % NBUF
            pltpu.make_async_copy(
                ut_hbm.at[:, pl.ds(0, BLK)], ubuf_v.at[s], usems[s]).wait()
            pltpu.make_async_copy(
                it_hbm.at[:, pl.ds(0, BLK)], ibuf_v.at[s], isems[s]).wait()
            d = row_dot(s, uvec[j] & (BLK - 1), ivec[j] & (BLK - 1))
            res = jnp.where(lanes == j, d, res)
            fence = jnp.where(d == d, 0, 1)
            if j + NBUF < L:
                _blk_copy(ut_hbm, ubuf_v, s,
                          (uvec[j + NBUF] >> 7) + fence, usems[s])
                _blk_copy(it_hbm, ibuf_v, s,
                          (ivec[j + NBUF] >> 7) + fence, isems[s])
            else:

                @pl.when(g < n_groups - 1)
                def _():
                    jn = j + NBUF - L
                    _blk_copy(ut_hbm, ubuf_v, s,
                              (uvec_n[jn] >> 7) + fence, usems[s])
                    _blk_copy(it_hbm, ibuf_v, s,
                              (ivec_n[jn] >> 7) + fence, isems[s])

        out_v[pl.ds(r0, L)] = res
        return carry

    lax.fori_loop(0, n_groups, group, 0)

    pltpu.sync_copy(out_v, out_hbm.at[pl.ds(base, BW)])


def kernel(user_batch, item_batch, user_table, item_table):
    mesh = plsc.VectorSubcoreMesh(core_axis_name="c", subcore_axis_name="s")
    k = functools.partial(
        pl.kernel,
        mesh=mesh,
        out_type=jax.ShapeDtypeStruct((BATCH,), jnp.float32),
        compiler_params=pltpu.CompilerParams(needs_layout_passes=False),
        scratch_types=[
            pltpu.VMEM((BW,), jnp.int32),
            pltpu.VMEM((BW,), jnp.int32),
            pltpu.VMEM((NBUF, EMBED, BLK), jnp.float32),
            pltpu.VMEM((NBUF, EMBED, BLK), jnp.float32),
            pltpu.VMEM((BW,), jnp.float32),
        ] + [pltpu.SemaphoreType.DMA] * (2 * NBUF),
    )(_mf_body)
    return k(user_batch, item_batch, user_table.T, item_table.T)

# --- scband reference (transcript-rebuilt; emitter-appended) ---
"""Pipeline reference for scband-mf-50276887167061 (READ-ONLY COPY).

The authoritative reference and input builder live on the scoring server;
editing this copy changes nothing except your own understanding.
"""

import jax, jax.numpy as jnp
import numpy as np

USER_SIZE = 1000000
ITEM_SIZE = 1000000
EMBED_SIZE = 64
BATCH = 16384


def setup_inputs(seed: int = 0) -> dict:
    key = jax.random.key(seed)
    k1, k2, k3, k4 = jax.random.split(key, 4)
    user_batch = jax.random.randint(k1, (BATCH,), 0, USER_SIZE, dtype=jnp.int64 if jax.config.jax_enable_x64 else jnp.int32).astype(jnp.int32)
    item_batch = jax.random.randint(k2, (BATCH,), 0, ITEM_SIZE, dtype=jnp.int32)
    # he_uniform: limit = sqrt(6 / fan_in); for embeddings Keras uses fan_in = input_dim... approximate with small uniform
    limit = float(np.sqrt(6.0 / EMBED_SIZE))
    user_table = jax.random.uniform(k3, (USER_SIZE, EMBED_SIZE), minval=-limit, maxval=limit, dtype=jnp.float32)
    item_table = jax.random.uniform(k4, (ITEM_SIZE, EMBED_SIZE), minval=-limit, maxval=limit, dtype=jnp.float32)
    return {
        "user_batch": user_batch,
        "item_batch": item_batch,
        "user_table": user_table,
        "item_table": item_table,
    }


def reference(user_batch, item_batch, user_table, item_table):
    # embedding lookup (gather) for users and items
    user_embeddings = jnp.take(user_table, user_batch, axis=0)  # [B, D]
    item_embeddings = jnp.take(item_table, item_batch, axis=0)  # [B, D]
    # elementwise multiply + reduce_sum over last axis -> dot product per row
    return jnp.sum(user_embeddings * item_embeddings, axis=-1)  # [B]

if __name__ == "__main__":
    import jax
    _d = setup_inputs()
    print(jax.jit(kernel)(*tuple(_d.values())))

</pallas_src>

<mosaic_0001>
#map = affine_map<(d0, d1) -> (0)>
#map1 = affine_map<(d0, d1) -> (0, 0)>
module attributes {stable_mosaic.version = 14 : i64} {
  func.func @_mf_body(%arg0: i32, %arg1: i32, %arg2: memref<16384xi32, #tpu.memory_space<hbm>>, %arg3: memref<16384xi32, #tpu.memory_space<hbm>>, %arg4: memref<64x1000000xf32, #tpu.memory_space<hbm>>, %arg5: memref<64x1000000xf32, #tpu.memory_space<hbm>>, %arg6: memref<16384xf32, #tpu.memory_space<hbm>>, %arg7: memref<512xi32, #tpu.memory_space<vmem>>, %arg8: memref<512xi32, #tpu.memory_space<vmem>>, %arg9: memref<4x64x128xf32, #tpu.memory_space<vmem>>, %arg10: memref<4x64x128xf32, #tpu.memory_space<vmem>>, %arg11: memref<512xf32, #tpu.memory_space<vmem>>, %arg12: memref<!tpu.dma_semaphore, #tpu.memory_space<semaphore_mem>>, %arg13: memref<!tpu.dma_semaphore, #tpu.memory_space<semaphore_mem>>, %arg14: memref<!tpu.dma_semaphore, #tpu.memory_space<semaphore_mem>>, %arg15: memref<!tpu.dma_semaphore, #tpu.memory_space<semaphore_mem>>, %arg16: memref<!tpu.dma_semaphore, #tpu.memory_space<semaphore_mem>>, %arg17: memref<!tpu.dma_semaphore, #tpu.memory_space<semaphore_mem>>, %arg18: memref<!tpu.dma_semaphore, #tpu.memory_space<semaphore_mem>>, %arg19: memref<!tpu.dma_semaphore, #tpu.memory_space<semaphore_mem>>) attributes {dimension_semantics = [#tpu.dimension_semantics<core_parallel>, #tpu.dimension_semantics<subcore_parallel>], iteration_bounds = array<i64: 2, 16>, scalar_prefetch = 0 : i64, scratch_operands = 13 : i64, tpu.core_type = #tpu.core_type<sc_vector_subcore>, window_params = [{transform_indices = #map}, {transform_indices = #map}, {transform_indices = #map1}, {transform_indices = #map1}, {transform_indices = #map}]} {
    %mul3A = arith.constant 2 : i32
    %mul3A_0 = arith.muli %arg1, %mul3A : i32
    %add3A = arith.addi %mul3A_0, %arg0 : i32
    %mul3A_1 = arith.constant 512 : i32
    %mul3A_2 = arith.muli %add3A, %mul3A_1 : i32
    "tpu.region"() ({
      %run_scoped3A = tpu.sem_alloc : memref<!tpu.dma_semaphore, #tpu.memory_space<semaphore_mem>>
      %dma_start3A_166 = tpu.memref_slice %arg2[%mul3A_2] : memref<16384xi32, #tpu.memory_space<hbm>> -> memref<512xi32, #tpu.memory_space<hbm>>
      %dma_start3A_167 = tpu.memref_slice %arg2[%mul3A_2] : memref<16384xi32, #tpu.memory_space<hbm>> -> memref<512xi32, #tpu.memory_space<hbm>>
      tpu.enqueue_dma source(%dma_start3A_167 : memref<512xi32, #tpu.memory_space<hbm>>) target(%arg7 : memref<512xi32, #tpu.memory_space<vmem>>) target_semaphore(%run_scoped3A : memref<!tpu.dma_semaphore, #tpu.memory_space<semaphore_mem>>)
      %dma_wait3A = tpu.memref_slice %arg2[%mul3A_2] : memref<16384xi32, #tpu.memory_space<hbm>> -> memref<512xi32, #tpu.memory_space<hbm>>
      %dma_wait3A_168 = tpu.memref_slice %arg2[%mul3A_2] : memref<16384xi32, #tpu.memory_space<hbm>> -> memref<512xi32, #tpu.memory_space<hbm>>
      tpu.wait_dma2 semaphore(%run_scoped3A : memref<!tpu.dma_semaphore, #tpu.memory_space<semaphore_mem>>) src(%dma_wait3A_168 : memref<512xi32, #tpu.memory_space<hbm>>) dst(%arg7 : memref<512xi32, #tpu.memory_space<vmem>>)
      tpu.yield
    }) : () -> ()
    "tpu.region"() ({
      %run_scoped3A = tpu.sem_alloc : memref<!tpu.dma_semaphore, #tpu.memory_space<semaphore_mem>>
      %dma_start3A_166 = tpu.memref_slice %arg3[%mul3A_2] : memref<16384xi32, #tpu.memory_space<hbm>> -> memref<512xi32, #tpu.memory_space<hbm>>
      %dma_start3A_167 = tpu.memref_slice %arg3[%mul3A_2] : memref<16384xi32, #tpu.memory_space<hbm>> -> memref<512xi32, #tpu.memory_space<hbm>>
      tpu.enqueue_dma source(%dma_start3A_167 : memref<512xi32, #tpu.memory_space<hbm>>) target(%arg8 : memref<512xi32, #tpu.memory_space<vmem>>) target_semaphore(%run_scoped3A : memref<!tpu.dma_semaphore, #tpu.memory_space<semaphore_mem>>)
      %dma_wait3A = tpu.memref_slice %arg3[%mul3A_2] : memref<16384xi32, #tpu.memory_space<hbm>> -> memref<512xi32, #tpu.memory_space<hbm>>
      %dma_wait3A_168 = tpu.memref_slice %arg3[%mul3A_2] : memref<16384xi32, #tpu.memory_space<hbm>> -> memref<512xi32, #tpu.memory_space<hbm>>
      tpu.wait_dma2 semaphore(%run_scoped3A : memref<!tpu.dma_semaphore, #tpu.memory_space<semaphore_mem>>) src(%dma_wait3A_168 : memref<512xi32, #tpu.memory_space<hbm>>) dst(%arg8 : memref<512xi32, #tpu.memory_space<vmem>>)
      tpu.yield
    }) : () -> ()
    %iota3A = tpu.iota {dimensions = array<i32: 0>} : vector<16xi32>
    %get3A = arith.constant 0 : index
    %get3A_3 = tpu.vector_load %arg7[%get3A] {strides = array<i32>} : memref<512xi32, #tpu.memory_space<vmem>>, vector<16xi32>,
    %get3A_4 = arith.constant 0 : index
    %get3A_5 = tpu.vector_load %arg8[%get3A_4] {strides = array<i32>} : memref<512xi32, #tpu.memory_space<vmem>>, vector<16xi32>,
    %slice3A = vector.extract_strided_slice %get3A_3 {offsets = [0], sizes = [1], strides = [1]} : vector<16xi32> to vector<1xi32>
    %squeeze3A = vector.extract %slice3A[0] : i32 from vector<1xi32>
    %shift_right_arithmetic3A = arith.constant 7 : i32
    %shift_right_arithmetic3A_6 = arith.shrsi %squeeze3A, %shift_right_arithmetic3A : i32
    %mul3A_7 = arith.constant 128 : i32
    %mul3A_8 = arith.muli %shift_right_arithmetic3A_6, %mul3A_7 : i32
    %multiple_of3A = tpu.assume_multiple %mul3A_8, 128 : i32
    %dma_start3A = arith.constant 0 : i32
    %dma_start3A_9 = arith.constant 0 : i32
    %dma_start3A_10 = arith.constant 0 : i32
    %dma_start3A_11 = tpu.memref_slice %arg9[%dma_start3A, %dma_start3A_9, %dma_start3A_10] : memref<4x64x128xf32, #tpu.memory_space<vmem>> -> memref<1x64x128xf32, #tpu.memory_space<vmem>>
    %dma_start3A_12 = tpu.memref_squeeze %dma_start3A_11 : memref<1x64x128xf32, #tpu.memory_space<vmem>> -> memref<64x128xf32, #tpu.memory_space<vmem>>
    %dma_start3A_13 = arith.constant 0 : i32
    %dma_start3A_14 = tpu.memref_slice %arg4[%dma_start3A_13, %multiple_of3A] : memref<64x1000000xf32, #tpu.memory_space<hbm>> -> memref<64x128xf32, #tpu.memory_space<hbm>>
    %dma_start3A_15 = arith.constant 0 : i32
    %dma_start3A_16 = arith.constant 0 : i32
    %dma_start3A_17 = tpu.memref_slice %arg9[%dma_start3A, %dma_start3A_15, %dma_start3A_16] : memref<4x64x128xf32, #tpu.memory_space<vmem>> -> memref<1x64x128xf32, #tpu.memory_space<vmem>>
    %dma_start3A_18 = tpu.memref_squeeze %dma_start3A_17 : memref<1x64x128xf32, #tpu.memory_space<vmem>> -> memref<64x128xf32, #tpu.memory_space<vmem>>
    %dma_start3A_19 = arith.constant 0 : i32
    %dma_start3A_20 = tpu.memref_slice %arg4[%dma_start3A_19, %multiple_of3A] : memref<64x1000000xf32, #tpu.memory_space<hbm>> -> memref<64x128xf32, #tpu.memory_space<hbm>>
    tpu.enqueue_dma source(%dma_start3A_20 : memref<64x128xf32, #tpu.memory_space<hbm>>) target(%dma_start3A_18 : memref<64x128xf32, #tpu.memory_space<vmem>>) target_semaphore(%arg12 : memref<!tpu.dma_semaphore, #tpu.memory_space<semaphore_mem>>)
    %slice3A_21 = vector.extract_strided_slice %get3A_5 {offsets = [0], sizes = [1], strides = [1]} : vector<16xi32> to vector<1xi32>
    %squeeze3A_22 = vector.extract %slice3A_21[0] : i32 from vector<1xi32>
    %shift_right_arithmetic3A_23 = arith.constant 7 : i32
    %shift_right_arithmetic3A_24 = arith.shrsi %squeeze3A_22, %shift_right_arithmetic3A_23 : i32
    %mul3A_25 = arith.constant 128 : i32
    %mul3A_26 = arith.muli %shift_right_arithmetic3A_24, %mul3A_25 : i32
    %multiple_of3A_27 = tpu.assume_multiple %mul3A_26, 128 : i32
    %dma_start3A_28 = arith.constant 0 : i32
    %dma_start3A_29 = arith.constant 0 : i32
    %dma_start3A_30 = arith.constant 0 : i32
    %dma_start3A_31 = tpu.memref_slice %arg10[%dma_start3A_28, %dma_start3A_29, %dma_start3A_30] : memref<4x64x128xf32, #tpu.memory_space<vmem>> -> memref<1x64x128xf32, #tpu.memory_space<vmem>>
    %dma_start3A_32 = tpu.memref_squeeze %dma_start3A_31 : memref<1x64x128xf32, #tpu.memory_space<vmem>> -> memref<64x128xf32, #tpu.memory_space<vmem>>
    %dma_start3A_33 = arith.constant 0 : i32
    %dma_start3A_34 = tpu.memref_slice %arg5[%dma_start3A_33, %multiple_of3A_27] : memref<64x1000000xf32, #tpu.memory_space<hbm>> -> memref<64x128xf32, #tpu.memory_space<hbm>>
    %dma_start3A_35 = arith.constant 0 : i32
    %dma_start3A_36 = arith.constant 0 : i32
    %dma_start3A_37 = tpu.memref_slice %arg10[%dma_start3A_28, %dma_start3A_35, %dma_start3A_36] : memref<4x64x128xf32, #tpu.memory_space<vmem>> -> memref<1x64x128xf32, #tpu.memory_space<vmem>>
    %dma_start3A_38 = tpu.memref_squeeze %dma_start3A_37 : memref<1x64x128xf32, #tpu.memory_space<vmem>> -> memref<64x128xf32, #tpu.memory_space<vmem>>
    %dma_start3A_39 = arith.constant 0 : i32
    %dma_start3A_40 = tpu.memref_slice %arg5[%dma_start3A_39, %multiple_of3A_27] : memref<64x1000000xf32, #tpu.memory_space<hbm>> -> memref<64x128xf32, #tpu.memory_space<hbm>>
    tpu.enqueue_dma source(%dma_start3A_40 : memref<64x128xf32, #tpu.memory_space<hbm>>) target(%dma_start3A_38 : memref<64x128xf32, #tpu.memory_space<vmem>>) target_semaphore(%arg16 : memref<!tpu.dma_semaphore, #tpu.memory_space<semaphore_mem>>)
    %slice3A_41 = vector.extract_strided_slice %get3A_3 {offsets = [1], sizes = [1], strides = [1]} : vector<16xi32> to vector<1xi32>
    %squeeze3A_42 = vector.extract %slice3A_41[0] : i32 from vector<1xi32>
    %shift_right_arithmetic3A_43 = arith.constant 7 : i32
    %shift_right_arithmetic3A_44 = arith.shrsi %squeeze3A_42, %shift_right_arithmetic3A_43 : i32
    %mul3A_45 = arith.constant 128 : i32
    %mul3A_46 = arith.muli %shift_right_arithmetic3A_44, %mul3A_45 : i32
    %multiple_of3A_47 = tpu.assume_multiple %mul3A_46, 128 : i32
    %dma_start3A_48 = arith.constant 1 : i32
    %dma_start3A_49 = arith.constant 0 : i32
    %dma_start3A_50 = arith.constant 0 : i32
    %dma_start3A_51 = tpu.memref_slice %arg9[%dma_start3A_48, %dma_start3A_49, %dma_start3A_50] : memref<4x64x128xf32, #tpu.memory_space<vmem>> -> memref<1x64x128xf32, #tpu.memory_space<vmem>>
    %dma_start3A_52 = tpu.memref_squeeze %dma_start3A_51 : memref<1x64x128xf32, #tpu.memory_space<vmem>> -> memref<64x128xf32, #tpu.memory_space<vmem>>
    %dma_start3A_53 = arith.constant 0 : i32
    %dma_start3A_54 = tpu.memref_slice %arg4[%dma_start3A_53, %multiple_of3A_47] : memref<64x1000000xf32, #tpu.memory_space<hbm>> -> memref<64x128xf32, #tpu.memory_space<hbm>>
    %dma_start3A_55 = arith.constant 0 : i32
    %dma_start3A_56 = arith.constant 0 : i32
    %dma_start3A_57 = tpu.memref_slice %arg9[%dma_start3A_48, %dma_start3A_55, %dma_start3A_56] : memref<4x64x128xf32, #tpu.memory_space<vmem>> -> memref<1x64x128xf32, #tpu.memory_space<vmem>>
    %dma_start3A_58 = tpu.memref_squeeze %dma_start3A_57 : memref<1x64x128xf32, #tpu.memory_space<vmem>> -> memref<64x128xf32, #tpu.memory_space<vmem>>
    %dma_start3A_59 = arith.constant 0 : i32
    %dma_start3A_60 = tpu.memref_slice %arg4[%dma_start3A_59, %multiple_of3A_47] : memref<64x1000000xf32, #tpu.memory_space<hbm>> -> memref<64x128xf32, #tpu.memory_space<hbm>>
    tpu.enqueue_dma source(%dma_start3A_60 : memref<64x128xf32, #tpu.memory_space<hbm>>) target(%dma_start3A_58 : memref<64x128xf32, #tpu.memory_space<vmem>>) target_semaphore(%arg13 : memref<!tpu.dma_semaphore, #tpu.memory_space<semaphore_mem>>)
    %slice3A_61 = vector.extract_strided_slice %get3A_5 {offsets = [1], sizes = [1], strides = [1]} : vector<16xi32> to vector<1xi32>
    %squeeze3A_62 = vector.extract %slice3A_61[0] : i32 from vector<1xi32>
    %shift_right_arithmetic3A_63 = arith.constant 7 : i32
    %shift_right_arithmetic3A_64 = arith.shrsi %squeeze3A_62, %shift_right_arithmetic3A_63 : i32
    %mul3A_65 = arith.constant 128 : i32
    %mul3A_66 = arith.muli %shift_right_arithmetic3A_64, %mul3A_65 : i32
    %multiple_of3A_67 = tpu.assume_multiple %mul3A_66, 128 : i32
    %dma_start3A_68 = arith.constant 1 : i32
    %dma_start3A_69 = arith.constant 0 : i32
    %dma_start3A_70 = arith.constant 0 : i32
    %dma_start3A_71 = tpu.memref_slice %arg10[%dma_start3A_68, %dma_start3A_69, %dma_start3A_70] : memref<4x64x128xf32, #tpu.memory_space<vmem>> -> memref<1x64x128xf32, #tpu.memory_space<vmem>>
    %dma_start3A_72 = tpu.memref_squeeze %dma_start3A_71 : memref<1x64x128xf32, #tpu.memory_space<vmem>> -> memref<64x128xf32, #tpu.memory_space<vmem>>
    %dma_start3A_73 = arith.constant 0 : i32
    %dma_start3A_74 = tpu.memref_slice %arg5[%dma_start3A_73, %multiple_of3A_67] : memref<64x1000000xf32, #tpu.memory_space<hbm>> -> memref<64x128xf32, #tpu.memory_space<hbm>>
    %dma_start3A_75 = arith.constant 0 : i32
    %dma_start3A_76 = arith.constant 0 : i32
    %dma_start3A_77 = tpu.memref_slice %arg10[%dma_start3A_68, %dma_start3A_75, %dma_start3A_76] : memref<4x64x128xf32, #tpu.memory_space<vmem>> -> memref<1x64x128xf32, #tpu.memory_space<vmem>>
    %dma_start3A_78 = tpu.memref_squeeze %dma_start3A_77 : memref<1x64x128xf32, #tpu.memory_space<vmem>> -> memref<64x128xf32, #tpu.memory_space<vmem>>
    %dma_start3A_79 = arith.constant 0 : i32
    %dma_start3A_80 = tpu.memref_slice %arg5[%dma_start3A_79, %multiple_of3A_67] : memref<64x1000000xf32, #tpu.memory_space<hbm>> -> memref<64x128xf32, #tpu.memory_space<hbm>>
    tpu.enqueue_dma source(%dma_start3A_80 : memref<64x128xf32, #tpu.memory_space<hbm>>) target(%dma_start3A_78 : memref<64x128xf32, #tpu.memory_space<vmem>>) target_semaphore(%arg17 : memref<!tpu.dma_semaphore, #tpu.memory_space<semaphore_mem>>)
    %slice3A_81 = vector.extract_strided_slice %get3A_3 {offsets = [2], sizes = [1], strides = [1]} : vector<16xi32> to vector<1xi32>
    %squeeze3A_82 = vector.extract %slice3A_81[0] : i32 from vector<1xi32>
    %shift_right_arithmetic3A_83 = arith.constant 7 : i32
    %shift_right_arithmetic3A_84 = arith.shrsi %squeeze3A_82, %shift_right_arithmetic3A_83 : i32
    %mul3A_85 = arith.constant 128 : i32
    %mul3A_86 = arith.muli %shift_right_arithmetic3A_84, %mul3A_85 : i32
    %multiple_of3A_87 = tpu.assume_multiple %mul3A_86, 128 : i32
    %dma_start3A_88 = arith.constant 2 : i32
    %dma_start3A_89 = arith.constant 0 : i32
    %dma_start3A_90 = arith.constant 0 : i32
    %dma_start3A_91 = tpu.memref_slice %arg9[%dma_start3A_88, %dma_start3A_89, %dma_start3A_90] : memref<4x64x128xf32, #tpu.memory_space<vmem>> -> memref<1x64x128xf32, #tpu.memory_space<vmem>>
    %dma_start3A_92 = tpu.memref_squeeze %dma_start3A_91 : memref<1x64x128xf32, #tpu.memory_space<vmem>> -> memref<64x128xf32, #tpu.memory_space<vmem>>
    %dma_start3A_93 = arith.constant 0 : i32
    %dma_start3A_94 = tpu.memref_slice %arg4[%dma_start3A_93, %multiple_of3A_87] : memref<64x1000000xf32, #tpu.memory_space<hbm>> -> memref<64x128xf32, #tpu.memory_space<hbm>>
    %dma_start3A_95 = arith.constant 0 : i32
    %dma_start3A_96 = arith.constant 0 : i32
    %dma_start3A_97 = tpu.memref_slice %arg9[%dma_start3A_88, %dma_start3A_95, %dma_start3A_96] : memref<4x64x128xf32, #tpu.memory_space<vmem>> -> memref<1x64x128xf32, #tpu.memory_space<vmem>>
    %dma_start3A_98 = tpu.memref_squeeze %dma_start3A_97 : memref<1x64x128xf32, #tpu.memory_space<vmem>> -> memref<64x128xf32, #tpu.memory_space<vmem>>
    %dma_start3A_99 = arith.constant 0 : i32
    %dma_start3A_100 = tpu.memref_slice %arg4[%dma_start3A_99, %multiple_of3A_87] : memref<64x1000000xf32, #tpu.memory_space<hbm>> -> memref<64x128xf32, #tpu.memory_space<hbm>>
    tpu.enqueue_dma source(%dma_start3A_100 : memref<64x128xf32, #tpu.memory_space<hbm>>) target(%dma_start3A_98 : memref<64x128xf32, #tpu.memory_space<vmem>>) target_semaphore(%arg14 : memref<!tpu.dma_semaphore, #tpu.memory_space<semaphore_mem>>)
    %slice3A_101 = vector.extract_strided_slice %get3A_5 {offsets = [2], sizes = [1], strides = [1]} : vector<16xi32> to vector<1xi32>
    %squeeze3A_102 = vector.extract %slice3A_101[0] : i32 from vector<1xi32>
    %shift_right_arithmetic3A_103 = arith.constant 7 : i32
    %shift_right_arithmetic3A_104 = arith.shrsi %squeeze3A_102, %shift_right_arithmetic3A_103 : i32
    %mul3A_105 = arith.constant 128 : i32
    %mul3A_106 = arith.muli %shift_right_arithmetic3A_104, %mul3A_105 : i32
    %multiple_of3A_107 = tpu.assume_multiple %mul3A_106, 128 : i32
    %dma_start3A_108 = arith.constant 2 : i32
    %dma_start3A_109 = arith.constant 0 : i32
    %dma_start3A_110 = arith.constant 0 : i32
    %dma_start3A_111 = tpu.memref_slice %arg10[%dma_start3A_108, %dma_start3A_109, %dma_start3A_110] : memref<4x64x128xf32, #tpu.memory_space<vmem>> -> memref<1x64x128xf32, #tpu.memory_space<vmem>>
    %dma_start3A_112 = tpu.memref_squeeze %dma_start3A_111 : memref<1x64x128xf32, #tpu.memory_space<vmem>> -> memref<64x128xf32, #tpu.memory_space<vmem>>
    %dma_start3A_113 = arith.constant 0 : i32
    %dma_start3A_114 = tpu.memref_slice %arg5[%dma_start3A_113, %multiple_of3A_107] : memref<64x1000000xf32, #tpu.memory_space<hbm>> -> memref<64x128xf32, #tpu.memory_space<hbm>>
    %dma_start3A_115 = arith.constant 0 : i32
    %dma_start3A_116 = arith.constant 0 : i32
    %dma_start3A_117 = tpu.memref_slice %arg10[%dma_start3A_108, %dma_start3A_115, %dma_start3A_116] : memref<4x64x128xf32, #tpu.memory_space<vmem>> -> memref<1x64x128xf32, #tpu.memory_space<vmem>>
    %dma_start3A_118 = tpu.memref_squeeze %dma_start3A_117 : memref<1x64x128xf32, #tpu.memory_space<vmem>> -> memref<64x128xf32, #tpu.memory_space<vmem>>
    %dma_start3A_119 = arith.constant 0 : i32
    %dma_start3A_120 = tpu.memref_slice %arg5[%dma_start3A_119, %multiple_of3A_107] : memref<64x1000000xf32, #tpu.memory_space<hbm>> -> memref<64x128xf32, #tpu.memory_space<hbm>>
    tpu.enqueue_dma source(%dma_start3A_120 : memref<64x128xf32, #tpu.memory_space<hbm>>) target(%dma_start3A_118 : memref<64x128xf32, #tpu.memory_space<vmem>>) target_semaphore(%arg18 : memref<!tpu.dma_semaphore, #tpu.memory_space<semaphore_mem>>)
    %slice3A_121 = vector.extract_strided_slice %get3A_3 {offsets = [3], sizes = [1], strides = [1]} : vector<16xi32> to vector<1xi32>
    %squeeze3A_122 = vector.extract %slice3A_121[0] : i32 from vector<1xi32>
    %shift_right_arithmetic3A_123 = arith.constant 7 : i32
    %shift_right_arithmetic3A_124 = arith.shrsi %squeeze3A_122, %shift_right_arithmetic3A_123 : i32
    %mul3A_125 = arith.constant 128 : i32
    %mul3A_126 = arith.muli %shift_right_arithmetic3A_124, %mul3A_125 : i32
    %multiple_of3A_127 = tpu.assume_multiple %mul3A_126, 128 : i32
    %dma_start3A_128 = arith.constant 3 : i32
    %dma_start3A_129 = arith.constant 0 : i32
    %dma_start3A_130 = arith.constant 0 : i32
    %dma_start3A_131 = tpu.memref_slice %arg9[%dma_start3A_128, %dma_start3A_129, %dma_start3A_130] : memref<4x64x128xf32, #tpu.memory_space<vmem>> -> memref<1x64x128xf32, #tpu.memory_space<vmem>>
    %dma_start3A_132 = tpu.memref_squeeze %dma_start3A_131 : memref<1x64x128xf32, #tpu.memory_space<vmem>> -> memref<64x128xf32, #tpu.memory_space<vmem>>
    %dma_start3A_133 = arith.constant 0 : i32
    %dma_start3A_134 = tpu.memref_slice %arg4[%dma_start3A_133, %multiple_of3A_127] : memref<64x1000000xf32, #tpu.memory_space<hbm>> -> memref<64x128xf32, #tpu.memory_space<hbm>>
    %dma_start3A_135 = arith.constant 0 : i32
    %dma_start3A_136 = arith.constant 0 : i32
    %dma_start3A_137 = tpu.memref_slice %arg9[%dma_start3A_128, %dma_start3A_135, %dma_start3A_136] : memref<4x64x128xf32, #tpu.memory_space<vmem>> -> memref<1x64x128xf32, #tpu.memory_space<vmem>>
    %dma_start3A_138 = tpu.memref_squeeze %dma_start3A_137 : memref<1x64x128xf32, #tpu.memory_space<vmem>> -> memref<64x128xf32, #tpu.memory_space<vmem>>
    %dma_start3A_139 = arith.constant 0 : i32
    %dma_start3A_140 = tpu.memref_slice %arg4[%dma_start3A_139, %multiple_of3A_127] : memref<64x1000000xf32, #tpu.memory_space<hbm>> -> memref<64x128xf32, #tpu.memory_space<hbm>>
    tpu.enqueue_dma source(%dma_start3A_140 : memref<64x128xf32, #tpu.memory_space<hbm>>) target(%dma_start3A_138 : memref<64x128xf32, #tpu.memory_space<vmem>>) target_semaphore(%arg15 : memref<!tpu.dma_semaphore, #tpu.memory_space<semaphore_mem>>)
    %slice3A_141 = vector.extract_strided_slice %get3A_5 {offsets = [3], sizes = [1], strides = [1]} : vector<16xi32> to vector<1xi32>
    %squeeze3A_142 = vector.extract %slice3A_141[0] : i32 from vector<1xi32>
    %shift_right_arithmetic3A_143 = arith.constant 7 : i32
    %shift_right_arithmetic3A_144 = arith.shrsi %squeeze3A_142, %shift_right_arithmetic3A_143 : i32
    %mul3A_145 = arith.constant 128 : i32
    %mul3A_146 = arith.muli %shift_right_arithmetic3A_144, %mul3A_145 : i32
    %multiple_of3A_147 = tpu.assume_multiple %mul3A_146, 128 : i32
    %dma_start3A_148 = arith.constant 3 : i32
    %dma_start3A_149 = arith.constant 0 : i32
    %dma_start3A_150 = arith.constant 0 : i32
    %dma_start3A_151 = tpu.memref_slice %arg10[%dma_start3A_148, %dma_start3A_149, %dma_start3A_150] : memref<4x64x128xf32, #tpu.memory_space<vmem>> -> memref<1x64x128xf32, #tpu.memory_space<vmem>>
    %dma_start3A_152 = tpu.memref_squeeze %dma_start3A_151 : memref<1x64x128xf32, #tpu.memory_space<vmem>> -> memref<64x128xf32, #tpu.memory_space<vmem>>
    %dma_start3A_153 = arith.constant 0 : i32
    %dma_start3A_154 = tpu.memref_slice %arg5[%dma_start3A_153, %multiple_of3A_147] : memref<64x1000000xf32, #tpu.memory_space<hbm>> -> memref<64x128xf32, #tpu.memory_space<hbm>>
    %dma_start3A_155 = arith.constant 0 : i32
    %dma_start3A_156 = arith.constant 0 : i32
    %dma_start3A_157 = tpu.memref_slice %arg10[%dma_start3A_148, %dma_start3A_155, %dma_start3A_156] : memref<4x64x128xf32, #tpu.memory_space<vmem>> -> memref<1x64x128xf32, #tpu.memory_space<vmem>>
    %dma_start3A_158 = tpu.memref_squeeze %dma_start3A_157 : memref<1x64x128xf32, #tpu.memory_space<vmem>> -> memref<64x128xf32, #tpu.memory_space<vmem>>
    %dma_start3A_159 = arith.constant 0 : i32
    %dma_start3A_160 = tpu.memref_slice %arg5[%dma_start3A_159, %multiple_of3A_147] : memref<64x1000000xf32, #tpu.memory_space<hbm>> -> memref<64x128xf32, #tpu.memory_space<hbm>>
    tpu.enqueue_dma source(%dma_start3A_160 : memref<64x128xf32, #tpu.memory_space<hbm>>) target(%dma_start3A_158 : memref<64x128xf32, #tpu.memory_space<vmem>>) target_semaphore(%arg19 : memref<!tpu.dma_semaphore, #tpu.memory_space<semaphore_mem>>)
    %scan3A = arith.constant 0 : i32
    %scan3A_161 = arith.constant 0 : i32
    %scan3A_162 = arith.constant 32 : i32
    %scan3A_163 = arith.addi %scan3A_161, %scan3A_162 : i32
    %scan3A_164 = arith.constant 1 : i32
    scf.for %scan3A_166 = %scan3A_161 to %scan3A_163 step %scan3A_164  : i32 {
      %mul3A_167 = arith.constant 16 : i32
      %mul3A_168 = arith.muli %scan3A_166, %mul3A_167 : i32
      %get3A_169 = arith.index_cast %mul3A_168 : i32 to index
      %get3A_170 = tpu.vector_load %arg7[%get3A_169] {strides = array<i32>} : memref<512xi32, #tpu.memory_space<vmem>>, vector<16xi32>,
      %get3A_171 = arith.index_cast %mul3A_168 : i32 to index
      %get3A_172 = tpu.vector_load %arg8[%get3A_171] {strides = array<i32>} : memref<512xi32, #tpu.memory_space<vmem>>, vector<16xi32>,
      %add3A_173 = arith.constant 1 : i32
      %add3A_174 = arith.addi %scan3A_166, %add3A_173 : i32
      %mul3A_175 = arith.constant 16 : i32
      %mul3A_176 = arith.muli %add3A_174, %mul3A_175 : i32
      %min3A = arith.constant 496 : i32
      %min3A_177 = arith.minsi %mul3A_176, %min3A : i32
      %get3A_178 = arith.index_cast %min3A_177 : i32 to index
      %get3A_179 = tpu.vector_load %arg7[%get3A_178] {strides = array<i32>} : memref<512xi32, #tpu.memory_space<vmem>>, vector<16xi32>,
      %get3A_180 = arith.index_cast %min3A_177 : i32 to index
      %get3A_181 = tpu.vector_load %arg8[%get3A_180] {strides = array<i32>} : memref<512xi32, #tpu.memory_space<vmem>>, vector<16xi32>,
      %broadcast_in_dim3A = arith.constant 0.000000e+00 : f32
      %broadcast_in_dim3A_182 = vector.broadcast %broadcast_in_dim3A : f32 to vector<16xf32>
      %dma_wait3A = arith.constant 0 : i32
      %dma_wait3A_183 = arith.constant 0 : i32
      %dma_wait3A_184 = arith.constant 0 : i32
      %dma_wait3A_185 = tpu.memref_slice %arg9[%dma_wait3A, %dma_wait3A_183, %dma_wait3A_184] : memref<4x64x128xf32, #tpu.memory_space<vmem>> -> memref<1x64x128xf32, #tpu.memory_space<vmem>>
      %dma_wait3A_186 = tpu.memref_squeeze %dma_wait3A_185 : memref<1x64x128xf32, #tpu.memory_space<vmem>> -> memref<64x128xf32, #tpu.memory_space<vmem>>
      %dma_wait3A_187 = arith.constant 0 : i32
      %dma_wait3A_188 = arith.constant 0 : i32
      %dma_wait3A_189 = tpu.memref_slice %arg4[%dma_wait3A_187, %dma_wait3A_188] : memref<64x1000000xf32, #tpu.memory_space<hbm>> -> memref<64x128xf32, #tpu.memory_space<hbm>>
      %dma_wait3A_190 = arith.constant 0 : i32
      %dma_wait3A_191 = arith.constant 0 : i32
      %dma_wait3A_192 = tpu.memref_slice %arg9[%dma_wait3A, %dma_wait3A_190, %dma_wait3A_191] : memref<4x64x128xf32, #tpu.memory_space<vmem>> -> memref<1x64x128xf32, #tpu.memory_space<vmem>>
      %dma_wait3A_193 = tpu.memref_squeeze %dma_wait3A_192 : memref<1x64x128xf32, #tpu.memory_space<vmem>> -> memref<64x128xf32, #tpu.memory_space<vmem>>
      %dma_wait3A_194 = arith.constant 0 : i32
      %dma_wait3A_195 = arith.constant 0 : i32
      %dma_wait3A_196 = tpu.memref_slice %arg4[%dma_wait3A_194, %dma_wait3A_195] : memref<64x1000000xf32, #tpu.memory_space<hbm>> -> memref<64x128xf32, #tpu.memory_space<hbm>>
      tpu.wait_dma2 semaphore(%arg12 : memref<!tpu.dma_semaphore, #tpu.memory_space<semaphore_mem>>) src(%dma_wait3A_196 : memref<64x128xf32, #tpu.memory_space<hbm>>) dst(%dma_wait3A_193 : memref<64x128xf32, #tpu.memory_space<vmem>>)
      %dma_wait3A_197 = arith.constant 0 : i32
      %dma_wait3A_198 = arith.constant 0 : i32
      %dma_wait3A_199 = arith.constant 0 : i32
      %dma_wait3A_200 = tpu.memref_slice %arg10[%dma_wait3A_197, %dma_wait3A_198, %dma_wait3A_199] : memref<4x64x128xf32, #tpu.memory_space<vmem>> -> memref<1x64x128xf32, #tpu.memory_space<vmem>>
      %dma_wait3A_201 = tpu.memref_squeeze %dma_wait3A_200 : memref<1x64x128xf32, #tpu.memory_space<vmem>> -> memref<64x128xf32, #tpu.memory_space<vmem>>
      %dma_wait3A_202 = arith.constant 0 : i32
      %dma_wait3A_203 = arith.constant 0 : i32
      %dma_wait3A_204 = tpu.memref_slice %arg5[%dma_wait3A_202, %dma_wait3A_203] : memref<64x1000000xf32, #tpu.memory_space<hbm>> -> memref<64x128xf32, #tpu.memory_space<hbm>>
      %dma_wait3A_205 = arith.constant 0 : i32
      %dma_wait3A_206 = arith.constant 0 : i32
      %dma_wait3A_207 = tpu.memref_slice %arg10[%dma_wait3A_197, %dma_wait3A_205, %dma_wait3A_206] : memref<4x64x128xf32, #tpu.memory_space<vmem>> -> memref<1x64x128xf32, #tpu.memory_space<vmem>>
      %dma_wait3A_208 = tpu.memref_squeeze %dma_wait3A_207 : memref<1x64x128xf32, #tpu.memory_space<vmem>> -> memref<64x128xf32, #tpu.memory_space<vmem>>
      %dma_wait3A_209 = arith.constant 0 : i32
      %dma_wait3A_210 = arith.constant 0 : i32
      %dma_wait3A_211 = tpu.memref_slice %arg5[%dma_wait3A_209, %dma_wait3A_210] : memref<64x1000000xf32, #tpu.memory_space<hbm>> -> memref<64x128xf32, #tpu.memory_space<hbm>>
      tpu.wait_dma2 semaphore(%arg16 : memref<!tpu.dma_semaphore, #tpu.memory_space<semaphore_mem>>) src(%dma_wait3A_211 : memref<64x128xf32, #tpu.memory_space<hbm>>) dst(%dma_wait3A_208 : memref<64x128xf32, #tpu.memory_space<vmem>>)
      %slice3A_212 = vector.extract_strided_slice %get3A_170 {offsets = [0], sizes = [1], strides = [1]} : vector<16xi32> to vector<1xi32>
      %squeeze3A_213 = vector.extract %slice3A_212[0] : i32 from vector<1xi32>
      %and3A = arith.constant 127 : i32
      %and3A_214 = arith.andi %squeeze3A_213, %and3A : i32
      %slice3A_215 = vector.extract_strided_slice %get3A_172 {offsets = [0], sizes = [1], strides = [1]} : vector<16xi32> to vector<1xi32>
      %squeeze3A_216 = vector.extract %slice3A_215[0] : i32 from vector<1xi32>
      %and3A_217 = arith.constant 127 : i32
      %and3A_218 = arith.andi %squeeze3A_216, %and3A_217 : i32
      %broadcast_in_dim3A_219 = vector.broadcast %and3A_214 : i32 to vector<16xi32>
      %broadcast_in_dim3A_220 = vector.broadcast %and3A_218 : i32 to vector<16xi32>
      %broadcast_in_dim3A_221 = arith.constant 0 : i32
      %broadcast_in_dim3A_222 = vector.broadcast %broadcast_in_dim3A_221 : i32 to vector<16xi32>
      %add3A_223 = arith.constant 0 : i32
      %add3A_224 = vector.broadcast %add3A_223 : i32 to vector<16xi32>
      %add3A_225 = arith.addi %add3A_224, %iota3A : vector<16xi32>
      %gather3A = tpu.vector_load_idx %arg9[%broadcast_in_dim3A_222, %add3A_225, %broadcast_in_dim3A_219] : memref<4x64x128xf32, #tpu.memory_space<vmem>>[vector<16xi32>, vector<16xi32>, vector<16xi32>], vector<16xf32>,
      %gather3A_226 = tpu.vector_load_idx %arg10[%broadcast_in_dim3A_222, %add3A_225, %broadcast_in_dim3A_220] : memref<4x64x128xf32, #tpu.memory_space<vmem>>[vector<16xi32>, vector<16xi32>, vector<16xi32>], vector<16xf32>,
      %mul3A_227 = arith.mulf %gather3A, %gather3A_226 : vector<16xf32>
      %add3A_228 = arith.constant 16 : i32
      %add3A_229 = vector.broadcast %add3A_228 : i32 to vector<16xi32>
      %add3A_230 = arith.addi %add3A_229, %iota3A : vector<16xi32>
      %gather3A_231 = tpu.vector_load_idx %arg9[%broadcast_in_dim3A_222, %add3A_230, %broadcast_in_dim3A_219] : memref<4x64x128xf32, #tpu.memory_space<vmem>>[vector<16xi32>, vector<16xi32>, vector<16xi32>], vector<16xf32>,
      %gather3A_232 = tpu.vector_load_idx %arg10[%broadcast_in_dim3A_222, %add3A_230, %broadcast_in_dim3A_220] : memref<4x64x128xf32, #tpu.memory_space<vmem>>[vector<16xi32>, vector<16xi32>, vector<16xi32>], vector<16xf32>,
      %mul3A_233 = arith.mulf %gather3A_231, %gather3A_232 : vector<16xf32>
      %add3A_234 = arith.addf %mul3A_227, %mul3A_233 : vector<16xf32>
      %add3A_235 = arith.constant 32 : i32
      %add3A_236 = vector.broadcast %add3A_235 : i32 to vector<16xi32>
      %add3A_237 = arith.addi %add3A_236, %iota3A : vector<16xi32>
      %gather3A_238 = tpu.vector_load_idx %arg9[%broadcast_in_dim3A_222, %add3A_237, %broadcast_in_dim3A_219] : memref<4x64x128xf32, #tpu.memory_space<vmem>>[vector<16xi32>, vector<16xi32>, vector<16xi32>], vector<16xf32>,
      %gather3A_239 = tpu.vector_load_idx %arg10[%broadcast_in_dim3A_222, %add3A_237, %broadcast_in_dim3A_220] : memref<4x64x128xf32, #tpu.memory_space<vmem>>[vector<16xi32>, vector<16xi32>, vector<16xi32>], vector<16xf32>,
      %mul3A_240 = arith.mulf %gather3A_238, %gather3A_239 : vector<16xf32>
      %add3A_241 = arith.addf %add3A_234, %mul3A_240 : vector<16xf32>
      %add3A_242 = arith.constant 48 : i32
      %add3A_243 = vector.broadcast %add3A_242 : i32 to vector<16xi32>
      %add3A_244 = arith.addi %add3A_243, %iota3A : vector<16xi32>
      %gather3A_245 = tpu.vector_load_idx %arg9[%broadcast_in_dim3A_222, %add3A_244, %broadcast_in_dim3A_219] : memref<4x64x128xf32, #tpu.memory_space<vmem>>[vector<16xi32>, vector<16xi32>, vector<16xi32>], vector<16xf32>,
      %gather3A_246 = tpu.vector_load_idx %arg10[%broadcast_in_dim3A_222, %add3A_244, %broadcast_in_dim3A_220] : memref<4x64x128xf32, #tpu.memory_space<vmem>>[vector<16xi32>, vector<16xi32>, vector<16xi32>], vector<16xf32>,
      %mul3A_247 = arith.mulf %gather3A_245, %gather3A_246 : vector<16xf32>
      %add3A_248 = arith.addf %add3A_241, %mul3A_247 : vector<16xf32>
      %reduce_sum3A = arith.constant true
      %reduce_sum3A_249 = vector.broadcast %reduce_sum3A : i1 to vector<16xi1>
      %reduce_sum3A_250 = tpu.scan <sum>, %add3A_248 masked %reduce_sum3A_249 : vector<16xf32>, vector<16xi1> -> vector<16xf32>
      %reduce_sum3A_251 = vector.extract %reduce_sum3A_250[15] : f32 from vector<16xf32>
      %eq3A = arith.constant 0 : i32
      %eq3A_252 = vector.broadcast %eq3A : i32 to vector<16xi32>
      %eq3A_253 = arith.cmpi eq, %iota3A, %eq3A_252 : vector<16xi32>
      %broadcast_in_dim3A_254 = vector.broadcast %reduce_sum3A_251 : f32 to vector<16xf32>
      %select_n3A = arith.select %eq3A_253, %broadcast_in_dim3A_254, %broadcast_in_dim3A_182 : vector<16xi1>, vector<16xf32>
      %eq3A_255 = arith.cmpf oeq, %reduce_sum3A_251, %reduce_sum3A_251 : f32
      %jit3A = arith.constant 0 : i32
      %jit3A_256 = arith.constant 1 : i32
      %select_n3A_257 = arith.select %eq3A_255, %jit3A, %jit3A_256 : i32
      %slice3A_258 = vector.extract_strided_slice %get3A_170 {offsets = [4], sizes = [1], strides = [1]} : vector<16xi32> to vector<1xi32>
      %squeeze3A_259 = vector.extract %slice3A_258[0] : i32 from vector<1xi32>
      %shift_right_arithmetic3A_260 = arith.constant 7 : i32
      %shift_right_arithmetic3A_261 = arith.shrsi %squeeze3A_259, %shift_right_arithmetic3A_260 : i32
      %add3A_262 = arith.addi %shift_right_arithmetic3A_261, %select_n3A_257 : i32
      %mul3A_263 = arith.constant 128 : i32
      %mul3A_264 = arith.muli %add3A_262, %mul3A_263 : i32
      %multiple_of3A_265 = tpu.assume_multiple %mul3A_264, 128 : i32
      %dma_start3A_266 = arith.constant 0 : i32
      %dma_start3A_267 = arith.constant 0 : i32
      %dma_start3A_268 = arith.constant 0 : i32
      %dma_start3A_269 = tpu.memref_slice %arg9[%dma_start3A_266, %dma_start3A_267, %dma_start3A_268] : memref<4x64x128xf32, #tpu.memory_space<vmem>> -> memref<1x64x128xf32, #tpu.memory_space<vmem>>
      %dma_start3A_270 = tpu.memref_squeeze %dma_start3A_269 : memref<1x64x128xf32, #tpu.memory_space<vmem>> -> memref<64x128xf32, #tpu.memory_space<vmem>>
      %dma_start3A_271 = arith.constant 0 : i32
      %dma_start3A_272 = tpu.memref_slice %arg4[%dma_start3A_271, %multiple_of3A_265] : memref<64x1000000xf32, #tpu.memory_space<hbm>> -> memref<64x128xf32, #tpu.memory_space<hbm>>
      %dma_start3A_273 = arith.constant 0 : i32
      %dma_start3A_274 = arith.constant 0 : i32
      %dma_start3A_275 = tpu.memref_slice %arg9[%dma_start3A_266, %dma_start3A_273, %dma_start3A_274] : memref<4x64x128xf32, #tpu.memory_space<vmem>> -> memref<1x64x128xf32, #tpu.memory_space<vmem>>
      %dma_start3A_276 = tpu.memref_squeeze %dma_start3A_275 : memref<1x64x128xf32, #tpu.memory_space<vmem>> -> memref<64x128xf32, #tpu.memory_space<vmem>>
      %dma_start3A_277 = arith.constant 0 : i32
      %dma_start3A_278 = tpu.memref_slice %arg4[%dma_start3A_277, %multiple_of3A_265] : memref<64x1000000xf32, #tpu.memory_space<hbm>> -> memref<64x128xf32, #tpu.memory_space<hbm>>
      tpu.enqueue_dma source(%dma_start3A_278 : memref<64x128xf32, #tpu.memory_space<hbm>>) target(%dma_start3A_276 : memref<64x128xf32, #tpu.memory_space<vmem>>) target_semaphore(%arg12 : memref<!tpu.dma_semaphore, #tpu.memory_space<semaphore_mem>>)
      %slice3A_279 = vector.extract_strided_slice %get3A_172 {offsets = [4], sizes = [1], strides = [1]} : vector<16xi32> to vector<1xi32>
      %squeeze3A_280 = vector.extract %slice3A_279[0] : i32 from vector<1xi32>
      %shift_right_arithmetic3A_281 = arith.constant 7 : i32
      %shift_right_arithmetic3A_282 = arith.shrsi %squeeze3A_280, %shift_right_arithmetic3A_281 : i32
      %add3A_283 = arith.addi %shift_right_arithmetic3A_282, %select_n3A_257 : i32
      %mul3A_284 = arith.constant 128 : i32
      %mul3A_285 = arith.muli %add3A_283, %mul3A_284 : i32
      %multiple_of3A_286 = tpu.assume_multiple %mul3A_285, 128 : i32
      %dma_start3A_287 = arith.constant 0 : i32
      %dma_start3A_288 = arith.constant 0 : i32
      %dma_start3A_289 = arith.constant 0 : i32
      %dma_start3A_290 = tpu.memref_slice %arg10[%dma_start3A_287, %dma_start3A_288, %dma_start3A_289] : memref<4x64x128xf32, #tpu.memory_space<vmem>> -> memref<1x64x128xf32, #tpu.memory_space<vmem>>
      %dma_start3A_291 = tpu.memref_squeeze %dma_start3A_290 : memref<1x64x128xf32, #tpu.memory_space<vmem>> -> memref<64x128xf32, #tpu.memory_space<vmem>>
      %dma_start3A_292 = arith.constant 0 : i32
      %dma_start3A_293 = tpu.memref_slice %arg5[%dma_start3A_292, %multiple_of3A_286] : memref<64x1000000xf32, #tpu.memory_space<hbm>> -> memref<64x128xf32, #tpu.memory_space<hbm>>
      %dma_start3A_294 = arith.constant 0 : i32
      %dma_start3A_295 = arith.constant 0 : i32
      %dma_start3A_296 = tpu.memref_slice %arg10[%dma_start3A_287, %dma_start3A_294, %dma_start3A_295] : memref<4x64x128xf32, #tpu.memory_space<vmem>> -> memref<1x64x128xf32, #tpu.memory_space<vmem>>
      %dma_start3A_297 = tpu.memref_squeeze %dma_start3A_296 : memref<1x64x128xf32, #tpu.memory_space<vmem>> -> memref<64x128xf32, #tpu.memory_space<vmem>>
      %dma_start3A_298 = arith.constant 0 : i32
      %dma_start3A_299 = tpu.memref_slice %arg5[%dma_start3A_298, %multiple_of3A_286] : memref<64x1000000xf32, #tpu.memory_space<hbm>> -> memref<64x128xf32, #tpu.memory_space<hbm>>
      tpu.enqueue_dma source(%dma_start3A_299 : memref<64x128xf32, #tpu.memory_space<hbm>>) target(%dma_start3A_297 : memref<64x128xf32, #tpu.memory_space<vmem>>) target_semaphore(%arg16 : memref<!tpu.dma_semaphore, #tpu.memory_space<semaphore_mem>>)
      %dma_wait3A_300 = arith.constant 1 : i32
      %dma_wait3A_301 = arith.constant 0 : i32
      %dma_wait3A_302 = arith.constant 0 : i32
      %dma_wait3A_303 = tpu.memref_slice %arg9[%dma_wait3A_300, %dma_wait3A_301, %dma_wait3A_302] : memref<4x64x128xf32, #tpu.memory_space<vmem>> -> memref<1x64x128xf32, #tpu.memory_space<vmem>>
      %dma_wait3A_304 = tpu.memref_squeeze %dma_wait3A_303 : memref<1x64x128xf32, #tpu.memory_space<vmem>> -> memref<64x128xf32, #tpu.memory_space<vmem>>
      %dma_wait3A_305 = arith.constant 0 : i32
      %dma_wait3A_306 = arith.constant 0 : i32
      %dma_wait3A_307 = tpu.memref_slice %arg4[%dma_wait3A_305, %dma_wait3A_306] : memref<64x1000000xf32, #tpu.memory_space<hbm>> -> memref<64x128xf32, #tpu.memory_space<hbm>>
      %dma_wait3A_308 = arith.constant 0 : i32
      %dma_wait3A_309 = arith.constant 0 : i32
      %dma_wait3A_310 = tpu.memref_slice %arg9[%dma_wait3A_300, %dma_wait3A_308, %dma_wait3A_309] : memref<4x64x128xf32, #tpu.memory_space<vmem>> -> memref<1x64x128xf32, #tpu.memory_space<vmem>>
      %dma_wait3A_311 = tpu.memref_squeeze %dma_wait3A_310 : memref<1x64x128xf32, #tpu.memory_space<vmem>> -> memref<64x128xf32, #tpu.memory_space<vmem>>
      %dma_wait3A_312 = arith.constant 0 : i32
      %dma_wait3A_313 = arith.constant 0 : i32
      %dma_wait3A_314 = tpu.memref_slice %arg4[%dma_wait3A_312, %dma_wait3A_313] : memref<64x1000000xf32, #tpu.memory_space<hbm>> -> memref<64x128xf32, #tpu.memory_space<hbm>>
      tpu.wait_dma2 semaphore(%arg13 : memref<!tpu.dma_semaphore, #tpu.memory_space<semaphore_mem>>) src(%dma_wait3A_314 : memref<64x128xf32, #tpu.memory_space<hbm>>) dst(%dma_wait3A_311 : memref<64x128xf32, #tpu.memory_space<vmem>>)
      %dma_wait3A_315 = arith.constant 1 : i32
      %dma_wait3A_316 = arith.constant 0 : i32
      %dma_wait3A_317 = arith.constant 0 : i32
      %dma_wait3A_318 = tpu.memref_slice %arg10[%dma_wait3A_315, %dma_wait3A_316, %dma_wait3A_317] : memref<4x64x128xf32, #tpu.memory_space<vmem>> -> memref<1x64x128xf32, #tpu.memory_space<vmem>>
      %dma_wait3A_319 = tpu.memref_squeeze %dma_wait3A_318 : memref<1x64x128xf32, #tpu.memory_space<vmem>> -> memref<64x128xf32, #tpu.memory_space<vmem>>
      %dma_wait3A_320 = arith.constant 0 : i32
      %dma_wait3A_321 = arith.constant 0 : i32
      %dma_wait3A_322 = tpu.memref_slice %arg5[%dma_wait3A_320, %dma_wait3A_321] : memref<64x1000000xf32, #tpu.memory_space<hbm>> -> memref<64x128xf32, #tpu.memory_space<hbm>>
      %dma_wait3A_323 = arith.constant 0 : i32
      %dma_wait3A_324 = arith.constant 0 : i32
      %dma_wait3A_325 = tpu.memref_slice %arg10[%dma_wait3A_315, %dma_wait3A_323, %dma_wait3A_324] : memref<4x64x128xf32, #tpu.memory_space<vmem>> -> memref<1x64x128xf32, #tpu.memory_space<vmem>>
      %dma_wait3A_326 = tpu.memref_squeeze %dma_wait3A_325 : memref<1x64x128xf32, #tpu.memory_space<vmem>> -> memref<64x128xf32, #tpu.memory_space<vmem>>
      %dma_wait3A_327 = arith.constant 0 : i32
      %dma_wait3A_328 = arith.constant 0 : i32
      %dma_wait3A_329 = tpu.memref_slice %arg5[%dma_wait3A_327, %dma_wait3A_328] : memref<64x1000000xf32, #tpu.memory_space<hbm>> -> memref<64x128xf32, #tpu.memory_space<hbm>>
      tpu.wait_dma2 semaphore(%arg17 : memref<!tpu.dma_semaphore, #tpu.memory_space<semaphore_mem>>) src(%dma_wait3A_329 : memref<64x128xf32, #tpu.memory_space<hbm>>) dst(%dma_wait3A_326 : memref<64x128xf32, #tpu.memory_space<vmem>>)
      %slice3A_330 = vector.extract_strided_slice %get3A_170 {offsets = [1], sizes = [1], strides = [1]} : vector<16xi32> to vector<1xi32>
      %squeeze3A_331 = vector.extract %slice3A_330[0] : i32 from vector<1xi32>
      %and3A_332 = arith.constant 127 : i32
      %and3A_333 = arith.andi %squeeze3A_331, %and3A_332 : i32
      %slice3A_334 = vector.extract_strided_slice %get3A_172 {offsets = [1], sizes = [1], strides = [1]} : vector<16xi32> to vector<1xi32>
      %squeeze3A_335 = vector.extract %slice3A_334[0] : i32 from vector<1xi32>
      %and3A_336 = arith.constant 127 : i32
      %and3A_337 = arith.andi %squeeze3A_335, %and3A_336 : i32
      %broadcast_in_dim3A_338 = vector.broadcast %and3A_333 : i32 to vector<16xi32>
      %broadcast_in_dim3A_339 = vector.broadcast %and3A_337 : i32 to vector<16xi32>
      %broadcast_in_dim3A_340 = arith.constant 1 : i32
      %broadcast_in_dim3A_341 = vector.broadcast %broadcast_in_dim3A_340 : i32 to vector<16xi32>
      %add3A_342 = arith.constant 0 : i32
      %add3A_343 = vector.broadcast %add3A_342 : i32 to vector<16xi32>
      %add3A_344 = arith.addi %add3A_343, %iota3A : vector<16xi32>
      %gather3A_345 = tpu.vector_load_idx %arg9[%broadcast_in_dim3A_341, %add3A_344, %broadcast_in_dim3A_338] : memref<4x64x128xf32, #tpu.memory_space<vmem>>[vector<16xi32>, vector<16xi32>, vector<16xi32>], vector<16xf32>,
      %gather3A_346 = tpu.vector_load_idx %arg10[%broadcast_in_dim3A_341, %add3A_344, %broadcast_in_dim3A_339] : memref<4x64x128xf32, #tpu.memory_space<vmem>>[vector<16xi32>, vector<16xi32>, vector<16xi32>], vector<16xf32>,
      %mul3A_347 = arith.mulf %gather3A_345, %gather3A_346 : vector<16xf32>
      %add3A_348 = arith.constant 16 : i32
      %add3A_349 = vector.broadcast %add3A_348 : i32 to vector<16xi32>
      %add3A_350 = arith.addi %add3A_349, %iota3A : vector<16xi32>
      %gather3A_351 = tpu.vector_load_idx %arg9[%broadcast_in_dim3A_341, %add3A_350, %broadcast_in_dim3A_338] : memref<4x64x128xf32, #tpu.memory_space<vmem>>[vector<16xi32>, vector<16xi32>, vector<16xi32>], vector<16xf32>,
      %gather3A_352 = tpu.vector_load_idx %arg10[%broadcast_in_dim3A_341, %add3A_350, %broadcast_in_dim3A_339] : memref<4x64x128xf32, #tpu.memory_space<vmem>>[vector<16xi32>, vector<16xi32>, vector<16xi32>], vector<16xf32>,
      %mul3A_353 = arith.mulf %gather3A_351, %gather3A_352 : vector<16xf32>
      %add3A_354 = arith.addf %mul3A_347, %mul3A_353 : vector<16xf32>
      %add3A_355 = arith.constant 32 : i32
      %add3A_356 = vector.broadcast %add3A_355 : i32 to vector<16xi32>
      %add3A_357 = arith.addi %add3A_356, %iota3A : vector<16xi32>
      %gather3A_358 = tpu.vector_load_idx %arg9[%broadcast_in_dim3A_341, %add3A_357, %broadcast_in_dim3A_338] : memref<4x64x128xf32, #tpu.memory_space<vmem>>[vector<16xi32>, vector<16xi32>, vector<16xi32>], vector<16xf32>,
      %gather3A_359 = tpu.vector_load_idx %arg10[%broadcast_in_dim3A_341, %add3A_357, %broadcast_in_dim3A_339] : memref<4x64x128xf32, #tpu.memory_space<vmem>>[vector<16xi32>, vector<16xi32>, vector<16xi32>], vector<16xf32>,
      %mul3A_360 = arith.mulf %gather3A_358, %gather3A_359 : vector<16xf32>
      %add3A_361 = arith.addf %add3A_354, %mul3A_360 : vector<16xf32>
      %add3A_362 = arith.constant 48 : i32
      %add3A_363 = vector.broadcast %add3A_362 : i32 to vector<16xi32>
      %add3A_364 = arith.addi %add3A_363, %iota3A : vector<16xi32>
      %gather3A_365 = tpu.vector_load_idx %arg9[%broadcast_in_dim3A_341, %add3A_364, %broadcast_in_dim3A_338] : memref<4x64x128xf32, #tpu.memory_space<vmem>>[vector<16xi32>, vector<16xi32>, vector<16xi32>], vector<16xf32>,
      %gather3A_366 = tpu.vector_load_idx %arg10[%broadcast_in_dim3A_341, %add3A_364, %broadcast_in_dim3A_339] : memref<4x64x128xf32, #tpu.memory_space<vmem>>[vector<16xi32>, vector<16xi32>, vector<16xi32>], vector<16xf32>,
      %mul3A_367 = arith.mulf %gather3A_365, %gather3A_366 : vector<16xf32>
      %add3A_368 = arith.addf %add3A_361, %mul3A_367 : vector<16xf32>
      %reduce_sum3A_369 = arith.constant true
      %reduce_sum3A_370 = vector.broadcast %reduce_sum3A_369 : i1 to vector<16xi1>
      %reduce_sum3A_371 = tpu.scan <sum>, %add3A_368 masked %reduce_sum3A_370 : vector<16xf32>, vector<16xi1> -> vector<16xf32>
      %reduce_sum3A_372 = vector.extract %reduce_sum3A_371[15] : f32 from vector<16xf32>
      %eq3A_373 = arith.constant 1 : i32
      %eq3A_374 = vector.broadcast %eq3A_373 : i32 to vector<16xi32>
      %eq3A_375 = arith.cmpi eq, %iota3A, %eq3A_374 : vector<16xi32>
      %broadcast_in_dim3A_376 = vector.broadcast %reduce_sum3A_372 : f32 to vector<16xf32>
      %select_n3A_377 = arith.select %eq3A_375, %broadcast_in_dim3A_376, %select_n3A : vector<16xi1>, vector<16xf32>
      %eq3A_378 = arith.cmpf oeq, %reduce_sum3A_372, %reduce_sum3A_372 : f32
      %jit3A_379 = arith.constant 0 : i32
      %jit3A_380 = arith.constant 1 : i32
      %select_n3A_381 = arith.select %eq3A_378, %jit3A_379, %jit3A_380 : i32
      %slice3A_382 = vector.extract_strided_slice %get3A_170 {offsets = [5], sizes = [1], strides = [1]} : vector<16xi32> to vector<1xi32>
      %squeeze3A_383 = vector.extract %slice3A_382[0] : i32 from vector<1xi32>
      %shift_right_arithmetic3A_384 = arith.constant 7 : i32
      %shift_right_arithmetic3A_385 = arith.shrsi %squeeze3A_383, %shift_right_arithmetic3A_384 : i32
      %add3A_386 = arith.addi %shift_right_arithmetic3A_385, %select_n3A_381 : i32
      %mul3A_387 = arith.constant 128 : i32
      %mul3A_388 = arith.muli %add3A_386, %mul3A_387 : i32
      %multiple_of3A_389 = tpu.assume_multiple %mul3A_388, 128 : i32
      %dma_start3A_390 = arith.constant 1 : i32
      %dma_start3A_391 = arith.constant 0 : i32
      %dma_start3A_392 = arith.constant 0 : i32
      %dma_start3A_393 = tpu.memref_slice %arg9[%dma_start3A_390, %dma_start3A_391, %dma_start3A_392] : memref<4x64x128xf32, #tpu.memory_space<vmem>> -> memref<1x64x128xf32, #tpu.memory_space<vmem>>
      %dma_start3A_394 = tpu.memref_squeeze %dma_start3A_393 : memref<1x64x128xf32, #tpu.memory_space<vmem>> -> memref<64x128xf32, #tpu.memory_space<vmem>>
      %dma_start3A_395 = arith.constant 0 : i32
      %dma_start3A_396 = tpu.memref_slice %arg4[%dma_start3A_395, %multiple_of3A_389] : memref<64x1000000xf32, #tpu.memory_space<hbm>> -> memref<64x128xf32, #tpu.memory_space<hbm>>
      %dma_start3A_397 = arith.constant 0 : i32
      %dma_start3A_398 = arith.constant 0 : i32
      %dma_start3A_399 = tpu.memref_slice %arg9[%dma_start3A_390, %dma_start3A_397, %dma_start3A_398] : memref<4x64x128xf32, #tpu.memory_space<vmem>> -> memref<1x64x128xf32, #tpu.memory_space<vmem>>
      %dma_start3A_400 = tpu.memref_squeeze %dma_start3A_399 : memref<1x64x128xf32, #tpu.memory_space<vmem>> -> memref<64x128xf32, #tpu.memory_space<vmem>>
      %dma_start3A_401 = arith.constant 0 : i32
      %dma_start3A_402 = tpu.memref_slice %arg4[%dma_start3A_401, %multiple_of3A_389] : memref<64x1000000xf32, #tpu.memory_space<hbm>> -> memref<64x128xf32, #tpu.memory_space<hbm>>
      tpu.enqueue_dma source(%dma_start3A_402 : memref<64x128xf32, #tpu.memory_space<hbm>>) target(%dma_start3A_400 : memref<64x128xf32, #tpu.memory_space<vmem>>) target_semaphore(%arg13 : memref<!tpu.dma_semaphore, #tpu.memory_space<semaphore_mem>>)
      %slice3A_403 = vector.extract_strided_slice %get3A_172 {offsets = [5], sizes = [1], strides = [1]} : vector<16xi32> to vector<1xi32>
      %squeeze3A_404 = vector.extract %slice3A_403[0] : i32 from vector<1xi32>
      %shift_right_arithmetic3A_405 = arith.constant 7 : i32
      %shift_right_arithmetic3A_406 = arith.shrsi %squeeze3A_404, %shift_right_arithmetic3A_405 : i32
      %add3A_407 = arith.addi %shift_right_arithmetic3A_406, %select_n3A_381 : i32
      %mul3A_408 = arith.constant 128 : i32
      %mul3A_409 = arith.muli %add3A_407, %mul3A_408 : i32
      %multiple_of3A_410 = tpu.assume_multiple %mul3A_409, 128 : i32
      %dma_start3A_411 = arith.constant 1 : i32
      %dma_start3A_412 = arith.constant 0 : i32
      %dma_start3A_413 = arith.constant 0 : i32
      %dma_start3A_414 = tpu.memref_slice %arg10[%dma_start3A_411, %dma_start3A_412, %dma_start3A_413] : memref<4x64x128xf32, #tpu.memory_space<vmem>> -> memref<1x64x128xf32, #tpu.memory_space<vmem>>
      %dma_start3A_415 = tpu.memref_squeeze %dma_start3A_414 : memref<1x64x128xf32, #tpu.memory_space<vmem>> -> memref<64x128xf32, #tpu.memory_space<vmem>>
      %dma_start3A_416 = arith.constant 0 : i32
      %dma_start3A_417 = tpu.memref_slice %arg5[%dma_start3A_416, %multiple_of3A_410] : memref<64x1000000xf32, #tpu.memory_space<hbm>> -> memref<64x128xf32, #tpu.memory_space<hbm>>
      %dma_start3A_418 = arith.constant 0 : i32
      %dma_start3A_419 = arith.constant 0 : i32
      %dma_start3A_420 = tpu.memref_slice %arg10[%dma_start3A_411, %dma_start3A_418, %dma_start3A_419] : memref<4x64x128xf32, #tpu.memory_space<vmem>> -> memref<1x64x128xf32, #tpu.memory_space<vmem>>
      %dma_start3A_421 = tpu.memref_squeeze %dma_start3A_420 : memref<1x64x128xf32, #tpu.memory_space<vmem>> -> memref<64x128xf32, #tpu.memory_space<vmem>>
      %dma_start3A_422 = arith.constant 0 : i32
      %dma_start3A_423 = tpu.memref_slice %arg5[%dma_start3A_422, %multiple_of3A_410] : memref<64x1000000xf32, #tpu.memory_space<hbm>> -> memref<64x128xf32, #tpu.memory_space<hbm>>
      tpu.enqueue_dma source(%dma_start3A_423 : memref<64x128xf32, #tpu.memory_space<hbm>>) target(%dma_start3A_421 : memref<64x128xf32, #tpu.memory_space<vmem>>) target_semaphore(%arg17 : memref<!tpu.dma_semaphore, #tpu.memory_space<semaphore_mem>>)
      %dma_wait3A_424 = arith.constant 2 : i32
      %dma_wait3A_425 = arith.constant 0 : i32
      %dma_wait3A_426 = arith.constant 0 : i32
      %dma_wait3A_427 = tpu.memref_slice %arg9[%dma_wait3A_424, %dma_wait3A_425, %dma_wait3A_426] : memref<4x64x128xf32, #tpu.memory_space<vmem>> -> memref<1x64x128xf32, #tpu.memory_space<vmem>>
      %dma_wait3A_428 = tpu.memref_squeeze %dma_wait3A_427 : memref<1x64x128xf32, #tpu.memory_space<vmem>> -> memref<64x128xf32, #tpu.memory_space<vmem>>
      %dma_wait3A_429 = arith.constant 0 : i32
      %dma_wait3A_430 = arith.constant 0 : i32
      %dma_wait3A_431 = tpu.memref_slice %arg4[%dma_wait3A_429, %dma_wait3A_430] : memref<64x1000000xf32, #tpu.memory_space<hbm>> -> memref<64x128xf32, #tpu.memory_space<hbm>>
      %dma_wait3A_432 = arith.constant 0 : i32
      %dma_wait3A_433 = arith.constant 0 : i32
      %dma_wait3A_434 = tpu.memref_slice %arg9[%dma_wait3A_424, %dma_wait3A_432, %dma_wait3A_433] : memref<4x64x128xf32, #tpu.memory_space<vmem>> -> memref<1x64x128xf32, #tpu.memory_space<vmem>>
      %dma_wait3A_435 = tpu.memref_squeeze %dma_wait3A_434 : memref<1x64x128xf32, #tpu.memory_space<vmem>> -> memref<64x128xf32, #tpu.memory_space<vmem>>
      %dma_wait3A_436 = arith.constant 0 : i32
      %dma_wait3A_437 = arith.constant 0 : i32
      %dma_wait3A_438 = tpu.memref_slice %arg4[%dma_wait3A_436, %dma_wait3A_437] : memref<64x1000000xf32, #tpu.memory_space<hbm>> -> memref<64x128xf32, #tpu.memory_space<hbm>>
      tpu.wait_dma2 semaphore(%arg14 : memref<!tpu.dma_semaphore, #tpu.memory_space<semaphore_mem>>) src(%dma_wait3A_438 : memref<64x128xf32, #tpu.memory_space<hbm>>) dst(%dma_wait3A_435 : memref<64x128xf32, #tpu.memory_space<vmem>>)
      %dma_wait3A_439 = arith.constant 2 : i32
      %dma_wait3A_440 = arith.constant 0 : i32
      %dma_wait3A_441 = arith.constant 0 : i32
      %dma_wait3A_442 = tpu.memref_slice %arg10[%dma_wait3A_439, %dma_wait3A_440, %dma_wait3A_441] : memref<4x64x128xf32, #tpu.memory_space<vmem>> -> memref<1x64x128xf32, #tpu.memory_space<vmem>>
      %dma_wait3A_443 = tpu.memref_squeeze %dma_wait3A_442 : memref<1x64x128xf32, #tpu.memory_space<vmem>> -> memref<64x128xf32, #tpu.memory_space<vmem>>
      %dma_wait3A_444 = arith.constant 0 : i32
      %dma_wait3A_445 = arith.constant 0 : i32
      %dma_wait3A_446 = tpu.memref_slice %arg5[%dma_wait3A_444, %dma_wait3A_445] : memref<64x1000000xf32, #tpu.memory_space<hbm>> -> memref<64x128xf32, #tpu.memory_space<hbm>>
      %dma_wait3A_447 = arith.constant 0 : i32
      %dma_wait3A_448 = arith.constant 0 : i32
      %dma_wait3A_449 = tpu.memref_slice %arg10[%dma_wait3A_439, %dma_wait3A_447, %dma_wait3A_448] : memref<4x64x128xf32, #tpu.memory_space<vmem>> -> memref<1x64x128xf32, #tpu.memory_space<vmem>>
      %dma_wait3A_450 = tpu.memref_squeeze %dma_wait3A_449 : memref<1x64x128xf32, #tpu.memory_space<vmem>> -> memref<64x128xf32, #tpu.memory_space<vmem>>
      %dma_wait3A_451 = arith.constant 0 : i32
      %dma_wait3A_452 = arith.constant 0 : i32
      %dma_wait3A_453 = tpu.memref_slice %arg5[%dma_wait3A_451, %dma_wait3A_452] : memref<64x1000000xf32, #tpu.memory_space<hbm>> -> memref<64x128xf32, #tpu.memory_space<hbm>>
      tpu.wait_dma2 semaphore(%arg18 : memref<!tpu.dma_semaphore, #tpu.memory_space<semaphore_mem>>) src(%dma_wait3A_453 : memref<64x128xf32, #tpu.memory_space<hbm>>) dst(%dma_wait3A_450 : memref<64x128xf32, #tpu.memory_space<vmem>>)
      %slice3A_454 = vector.extract_strided_slice %get3A_170 {offsets = [2], sizes = [1], strides = [1]} : vector<16xi32> to vector<1xi32>
      %squeeze3A_455 = vector.extract %slice3A_454[0] : i32 from vector<1xi32>
      %and3A_456 = arith.constant 127 : i32
      %and3A_457 = arith.andi %squeeze3A_455, %and3A_456 : i32
      %slice3A_458 = vector.extract_strided_slice %get3A_172 {offsets = [2], sizes = [1], strides = [1]} : vector<16xi32> to vector<1xi32>
      %squeeze3A_459 = vector.extract %slice3A_458[0] : i32 from vector<1xi32>
      %and3A_460 = arith.constant 127 : i32
      %and3A_461 = arith.andi %squeeze3A_459, %and3A_460 : i32
      %broadcast_in_dim3A_462 = vector.broadcast %and3A_457 : i32 to vector<16xi32>
      %broadcast_in_dim3A_463 = vector.broadcast %and3A_461 : i32 to vector<16xi32>
      %broadcast_in_dim3A_464 = arith.constant 2 : i32
      %broadcast_in_dim3A_465 = vector.broadcast %broadcast_in_dim3A_464 : i32 to vector<16xi32>
      %add3A_466 = arith.constant 0 : i32
      %add3A_467 = vector.broadcast %add3A_466 : i32 to vector<16xi32>
      %add3A_468 = arith.addi %add3A_467, %iota3A : vector<16xi32>
      %gather3A_469 = tpu.vector_load_idx %arg9[%broadcast_in_dim3A_465, %add3A_468, %broadcast_in_dim3A_462] : memref<4x64x128xf32, #tpu.memory_space<vmem>>[vector<16xi32>, vector<16xi32>, vector<16xi32>], vector<16xf32>,
      %gather3A_470 = tpu.vector_load_idx %arg10[%broadcast_in_dim3A_465, %add3A_468, %broadcast_in_dim3A_463] : memref<4x64x128xf32, #tpu.memory_space<vmem>>[vector<16xi32>, vector<16xi32>, vector<16xi32>], vector<16xf32>,
      %mul3A_471 = arith.mulf %gather3A_469, %gather3A_470 : vector<16xf32>
      %add3A_472 = arith.constant 16 : i32
      %add3A_473 = vector.broadcast %add3A_472 : i32 to vector<16xi32>
      %add3A_474 = arith.addi %add3A_473, %iota3A : vector<16xi32>
      %gather3A_475 = tpu.vector_load_idx %arg9[%broadcast_in_dim3A_465, %add3A_474, %broadcast_in_dim3A_462] : memref<4x64x128xf32, #tpu.memory_space<vmem>>[vector<16xi32>, vector<16xi32>, vector<16xi32>], vector<16xf32>,
      %gather3A_476 = tpu.vector_load_idx %arg10[%broadcast_in_dim3A_465, %add3A_474, %broadcast_in_dim3A_463] : memref<4x64x128xf32, #tpu.memory_space<vmem>>[vector<16xi32>, vector<16xi32>, vector<16xi32>], vector<16xf32>,
      %mul3A_477 = arith.mulf %gather3A_475, %gather3A_476 : vector<16xf32>
      %add3A_478 = arith.addf %mul3A_471, %mul3A_477 : vector<16xf32>
      %add3A_479 = arith.constant 32 : i32
      %add3A_480 = vector.broadcast %add3A_479 : i32 to vector<16xi32>
      %add3A_481 = arith.addi %add3A_480, %iota3A : vector<16xi32>
      %gather3A_482 = tpu.vector_load_idx %arg9[%broadcast_in_dim3A_465, %add3A_481, %broadcast_in_dim3A_462] : memref<4x64x128xf32, #tpu.memory_space<vmem>>[vector<16xi32>, vector<16xi32>, vector<16xi32>], vector<16xf32>,
      %gather3A_483 = tpu.vector_load_idx %arg10[%broadcast_in_dim3A_465, %add3A_481, %broadcast_in_dim3A_463] : memref<4x64x128xf32, #tpu.memory_space<vmem>>[vector<16xi32>, vector<16xi32>, vector<16xi32>], vector<16xf32>,
      %mul3A_484 = arith.mulf %gather3A_482, %gather3A_483 : vector<16xf32>
      %add3A_485 = arith.addf %add3A_478, %mul3A_484 : vector<16xf32>
      %add3A_486 = arith.constant 48 : i32
      %add3A_487 = vector.broadcast %add3A_486 : i32 to vector<16xi32>
      %add3A_488 = arith.addi %add3A_487, %iota3A : vector<16xi32>
      %gather3A_489 = tpu.vector_load_idx %arg9[%broadcast_in_dim3A_465, %add3A_488, %broadcast_in_dim3A_462] : memref<4x64x128xf32, #tpu.memory_space<vmem>>[vector<16xi32>, vector<16xi32>, vector<16xi32>], vector<16xf32>,
      %gather3A_490 = tpu.vector_load_idx %arg10[%broadcast_in_dim3A_465, %add3A_488, %broadcast_in_dim3A_463] : memref<4x64x128xf32, #tpu.memory_space<vmem>>[vector<16xi32>, vector<16xi32>, vector<16xi32>], vector<16xf32>,
      %mul3A_491 = arith.mulf %gather3A_489, %gather3A_490 : vector<16xf32>
      %add3A_492 = arith.addf %add3A_485, %mul3A_491 : vector<16xf32>
      %reduce_sum3A_493 = arith.constant true
      %reduce_sum3A_494 = vector.broadcast %reduce_sum3A_493 : i1 to vector<16xi1>
      %reduce_sum3A_495 = tpu.scan <sum>, %add3A_492 masked %reduce_sum3A_494 : vector<16xf32>, vector<16xi1> -> vector<16xf32>
      %reduce_sum3A_496 = vector.extract %reduce_sum3A_495[15] : f32 from vector<16xf32>
      %eq3A_497 = arith.constant 2 : i32
      %eq3A_498 = vector.broadcast %eq3A_497 : i32 to vector<16xi32>
      %eq3A_499 = arith.cmpi eq, %iota3A, %eq3A_498 : vector<16xi32>
      %broadcast_in_dim3A_500 = vector.broadcast %reduce_sum3A_496 : f32 to vector<16xf32>
      %select_n3A_501 = arith.select %eq3A_499, %broadcast_in_dim3A_500, %select_n3A_377 : vector<16xi1>, vector<16xf32>
      %eq3A_502 = arith.cmpf oeq, %reduce_sum3A_496, %reduce_sum3A_496 : f32
      %jit3A_503 = arith.constant 0 : i32
      %jit3A_504 = arith.constant 1 : i32
      %select_n3A_505 = arith.select %eq3A_502, %jit3A_503, %jit3A_504 : i32
      %slice3A_506 = vector.extract_strided_slice %get3A_170 {offsets = [6], sizes = [1], strides = [1]} : vector<16xi32> to vector<1xi32>
      %squeeze3A_507 = vector.extract %slice3A_506[0] : i32 from vector<1xi32>
      %shift_right_arithmetic3A_508 = arith.constant 7 : i32
      %shift_right_arithmetic3A_509 = arith.shrsi %squeeze3A_507, %shift_right_arithmetic3A_508 : i32
      %add3A_510 = arith.addi %shift_right_arithmetic3A_509, %select_n3A_505 : i32
      %mul3A_511 = arith.constant 128 : i32
      %mul3A_512 = arith.muli %add3A_510, %mul3A_511 : i32
      %multiple_of3A_513 = tpu.assume_multiple %mul3A_512, 128 : i32
      %dma_start3A_514 = arith.constant 2 : i32
      %dma_start3A_515 = arith.constant 0 : i32
      %dma_start3A_516 = arith.constant 0 : i32
      %dma_start3A_517 = tpu.memref_slice %arg9[%dma_start3A_514, %dma_start3A_515, %dma_start3A_516] : memref<4x64x128xf32, #tpu.memory_space<vmem>> -> memref<1x64x128xf32, #tpu.memory_space<vmem>>
      %dma_start3A_518 = tpu.memref_squeeze %dma_start3A_517 : memref<1x64x128xf32, #tpu.memory_space<vmem>> -> memref<64x128xf32, #tpu.memory_space<vmem>>
      %dma_start3A_519 = arith.constant 0 : i32
      %dma_start3A_520 = tpu.memref_slice %arg4[%dma_start3A_519, %multiple_of3A_513] : memref<64x1000000xf32, #tpu.memory_space<hbm>> -> memref<64x128xf32, #tpu.memory_space<hbm>>
      %dma_start3A_521 = arith.constant 0 : i32
      %dma_start3A_522 = arith.constant 0 : i32
      %dma_start3A_523 = tpu.memref_slice %arg9[%dma_start3A_514, %dma_start3A_521, %dma_start3A_522] : memref<4x64x128xf32, #tpu.memory_space<vmem>> -> memref<1x64x128xf32, #tpu.memory_space<vmem>>
      %dma_start3A_524 = tpu.memref_squeeze %dma_start3A_523 : memref<1x64x128xf32, #tpu.memory_space<vmem>> -> memref<64x128xf32, #tpu.memory_space<vmem>>
      %dma_start3A_525 = arith.constant 0 : i32
      %dma_start3A_526 = tpu.memref_slice %arg4[%dma_start3A_525, %multiple_of3A_513] : memref<64x1000000xf32, #tpu.memory_space<hbm>> -> memref<64x128xf32, #tpu.memory_space<hbm>>
      tpu.enqueue_dma source(%dma_start3A_526 : memref<64x128xf32, #tpu.memory_space<hbm>>) target(%dma_start3A_524 : memref<64x128xf32, #tpu.memory_space<vmem>>) target_semaphore(%arg14 : memref<!tpu.dma_semaphore, #tpu.memory_space<semaphore_mem>>)
      %slice3A_527 = vector.extract_strided_slice %get3A_172 {offsets = [6], sizes = [1], strides = [1]} : vector<16xi32> to vector<1xi32>
      %squeeze3A_528 = vector.extract %slice3A_527[0] : i32 from vector<1xi32>
      %shift_right_arithmetic3A_529 = arith.constant 7 : i32
      %shift_right_arithmetic3A_530 = arith.shrsi %squeeze3A_528, %shift_right_arithmetic3A_529 : i32
      %add3A_531 = arith.addi %shift_right_arithmetic3A_530, %select_n3A_505 : i32
      %mul3A_532 = arith.constant 128 : i32
      %mul3A_533 = arith.muli %add3A_531, %mul3A_532 : i32
      %multiple_of3A_534 = tpu.assume_multiple %mul3A_533, 128 : i32
      %dma_start3A_535 = arith.constant 2 : i32
      %dma_start3A_536 = arith.constant 0 : i32
      %dma_start3A_537 = arith.constant 0 : i32
      %dma_start3A_538 = tpu.memref_slice %arg10[%dma_start3A_535, %dma_start3A_536, %dma_start3A_537] : memref<4x64x128xf32, #tpu.memory_space<vmem>> -> memref<1x64x128xf32, #tpu.memory_space<vmem>>
      %dma_start3A_539 = tpu.memref_squeeze %dma_start3A_538 : memref<1x64x128xf32, #tpu.memory_space<vmem>> -> memref<64x128xf32, #tpu.memory_space<vmem>>
      %dma_start3A_540 = arith.constant 0 : i32
      %dma_start3A_541 = tpu.memref_slice %arg5[%dma_start3A_540, %multiple_of3A_534] : memref<64x1000000xf32, #tpu.memory_space<hbm>> -> memref<64x128xf32, #tpu.memory_space<hbm>>
      %dma_start3A_542 = arith.constant 0 : i32
      %dma_start3A_543 = arith.constant 0 : i32
      %dma_start3A_544 = tpu.memref_slice %arg10[%dma_start3A_535, %dma_start3A_542, %dma_start3A_543] : memref<4x64x128xf32, #tpu.memory_space<vmem>> -> memref<1x64x128xf32, #tpu.memory_space<vmem>>
      %dma_start3A_545 = tpu.memref_squeeze %dma_start3A_544 : memref<1x64x128xf32, #tpu.memory_space<vmem>> -> memref<64x128xf32, #tpu.memory_space<vmem>>
      %dma_start3A_546 = arith.constant 0 : i32
      %dma_start3A_547 = tpu.memref_slice %arg5[%dma_start3A_546, %multiple_of3A_534] : memref<64x1000000xf32, #tpu.memory_space<hbm>> -> memref<64x128xf32, #tpu.memory_space<hbm>>
      tpu.enqueue_dma source(%dma_start3A_547 : memref<64x128xf32, #tpu.memory_space<hbm>>) target(%dma_start3A_545 : memref<64x128xf32, #tpu.memory_space<vmem>>) target_semaphore(%arg18 : memref<!tpu.dma_semaphore, #tpu.memory_space<semaphore_mem>>)
      %dma_wait3A_548 = arith.constant 3 : i32
      %dma_wait3A_549 = arith.constant 0 : i32
      %dma_wait3A_550 = arith.constant 0 : i32
      %dma_wait3A_551 = tpu.memref_slice %arg9[%dma_wait3A_548, %dma_wait3A_549, %dma_wait3A_550] : memref<4x64x128xf32, #tpu.memory_space<vmem>> -> memref<1x64x128xf32, #tpu.memory_space<vmem>>
      %dma_wait3A_552 = tpu.memref_squeeze %dma_wait3A_551 : memref<1x64x128xf32, #tpu.memory_space<vmem>> -> memref<64x128xf32, #tpu.memory_space<vmem>>
      %dma_wait3A_553 = arith.constant 0 : i32
      %dma_wait3A_554 = arith.constant 0 : i32
      %dma_wait3A_555 = tpu.memref_slice %arg4[%dma_wait3A_553, %dma_wait3A_554] : memref<64x1000000xf32, #tpu.memory_space<hbm>> -> memref<64x128xf32, #tpu.memory_space<hbm>>
      %dma_wait3A_556 = arith.constant 0 : i32
      %dma_wait3A_557 = arith.constant 0 : i32
      %dma_wait3A_558 = tpu.memref_slice %arg9[%dma_wait3A_548, %dma_wait3A_556, %dma_wait3A_557] : memref<4x64x128xf32, #tpu.memory_space<vmem>> -> memref<1x64x128xf32, #tpu.memory_space<vmem>>
      %dma_wait3A_559 = tpu.memref_squeeze %dma_wait3A_558 : memref<1x64x128xf32, #tpu.memory_space<vmem>> -> memref<64x128xf32, #tpu.memory_space<vmem>>
      %dma_wait3A_560 = arith.constant 0 : i32
      %dma_wait3A_561 = arith.constant 0 : i32
      %dma_wait3A_562 = tpu.memref_slice %arg4[%dma_wait3A_560, %dma_wait3A_561] : memref<64x1000000xf32, #tpu.memory_space<hbm>> -> memref<64x128xf32, #tpu.memory_space<hbm>>
      tpu.wait_dma2 semaphore(%arg15 : memref<!tpu.dma_semaphore, #tpu.memory_space<semaphore_mem>>) src(%dma_wait3A_562 : memref<64x128xf32, #tpu.memory_space<hbm>>) dst(%dma_wait3A_559 : memref<64x128xf32, #tpu.memory_space<vmem>>)
      %dma_wait3A_563 = arith.constant 3 : i32
      %dma_wait3A_564 = arith.constant 0 : i32
      %dma_wait3A_565 = arith.constant 0 : i32
      %dma_wait3A_566 = tpu.memref_slice %arg10[%dma_wait3A_563, %dma_wait3A_564, %dma_wait3A_565] : memref<4x64x128xf32, #tpu.memory_space<vmem>> -> memref<1x64x128xf32, #tpu.memory_space<vmem>>
      %dma_wait3A_567 = tpu.memref_squeeze %dma_wait3A_566 : memref<1x64x128xf32, #tpu.memory_space<vmem>> -> memref<64x128xf32, #tpu.memory_space<vmem>>
      %dma_wait3A_568 = arith.constant 0 : i32
      %dma_wait3A_569 = arith.constant 0 : i32
      %dma_wait3A_570 = tpu.memref_slice %arg5[%dma_wait3A_568, %dma_wait3A_569] : memref<64x1000000xf32, #tpu.memory_space<hbm>> -> memref<64x128xf32, #tpu.memory_space<hbm>>
      %dma_wait3A_571 = arith.constant 0 : i32
      %dma_wait3A_572 = arith.constant 0 : i32
      %dma_wait3A_573 = tpu.memref_slice %arg10[%dma_wait3A_563, %dma_wait3A_571, %dma_wait3A_572] : memref<4x64x128xf32, #tpu.memory_space<vmem>> -> memref<1x64x128xf32, #tpu.memory_space<vmem>>
      %dma_wait3A_574 = tpu.memref_squeeze %dma_wait3A_573 : memref<1x64x128xf32, #tpu.memory_space<vmem>> -> memref<64x128xf32, #tpu.memory_space<vmem>>
      %dma_wait3A_575 = arith.constant 0 : i32
      %dma_wait3A_576 = arith.constant 0 : i32
      %dma_wait3A_577 = tpu.memref_slice %arg5[%dma_wait3A_575, %dma_wait3A_576] : memref<64x1000000xf32, #tpu.memory_space<hbm>> -> memref<64x128xf32, #tpu.memory_space<hbm>>
      tpu.wait_dma2 semaphore(%arg19 : memref<!tpu.dma_semaphore, #tpu.memory_space<semaphore_mem>>) src(%dma_wait3A_577 : memref<64x128xf32, #tpu.memory_space<hbm>>) dst(%dma_wait3A_574 : memref<64x128xf32, #tpu.memory_space<vmem>>)
      %slice3A_578 = vector.extract_strided_slice %get3A_170 {offsets = [3], sizes = [1], strides = [1]} : vector<16xi32> to vector<1xi32>
      %squeeze3A_579 = vector.extract %slice3A_578[0] : i32 from vector<1xi32>
      %and3A_580 = arith.constant 127 : i32
      %and3A_581 = arith.andi %squeeze3A_579, %and3A_580 : i32
      %slice3A_582 = vector.extract_strided_slice %get3A_172 {offsets = [3], sizes = [1], strides = [1]} : vector<16xi32> to vector<1xi32>
      %squeeze3A_583 = vector.extract %slice3A_582[0] : i32 from vector<1xi32>
      %and3A_584 = arith.constant 127 : i32
      %and3A_585 = arith.andi %squeeze3A_583, %and3A_584 : i32
      %broadcast_in_dim3A_586 = vector.broadcast %and3A_581 : i32 to vector<16xi32>
      %broadcast_in_dim3A_587 = vector.broadcast %and3A_585 : i32 to vector<16xi32>
      %broadcast_in_dim3A_588 = arith.constant 3 : i32
      %broadcast_in_dim3A_589 = vector.broadcast %broadcast_in_dim3A_588 : i32 to vector<16xi32>
      %add3A_590 = arith.constant 0 : i32
      %add3A_591 = vector.broadcast %add3A_590 : i32 to vector<16xi32>
      %add3A_592 = arith.addi %add3A_591, %iota3A : vector<16xi32>
      %gather3A_593 = tpu.vector_load_idx %arg9[%broadcast_in_dim3A_589, %add3A_592, %broadcast_in_dim3A_586] : memref<4x64x128xf32, #tpu.memory_space<vmem>>[vector<16xi32>, vector<16xi32>, vector<16xi32>], vector<16xf32>,
      %gather3A_594 = tpu.vector_load_idx %arg10[%broadcast_in_dim3A_589, %add3A_592, %broadcast_in_dim3A_587] : memref<4x64x128xf32, #tpu.memory_space<vmem>>[vector<16xi32>, vector<16xi32>, vector<16xi32>], vector<16xf32>,
      %mul3A_595 = arith.mulf %gather3A_593, %gather3A_594 : vector<16xf32>
      %add3A_596 = arith.constant 16 : i32
      %add3A_597 = vector.broadcast %add3A_596 : i32 to vector<16xi32>
      %add3A_598 = arith.addi %add3A_597, %iota3A : vector<16xi32>
      %gather3A_599 = tpu.vector_load_idx %arg9[%broadcast_in_dim3A_589, %add3A_598, %broadcast_in_dim3A_586] : memref<4x64x128xf32, #tpu.memory_space<vmem>>[vector<16xi32>, vector<16xi32>, vector<16xi32>], vector<16xf32>,
      %gather3A_600 = tpu.vector_load_idx %arg10[%broadcast_in_dim3A_589, %add3A_598, %broadcast_in_dim3A_587] : memref<4x64x128xf32, #tpu.memory_space<vmem>>[vector<16xi32>, vector<16xi32>, vector<16xi32>], vector<16xf32>,
      %mul3A_601 = arith.mulf %gather3A_599, %gather3A_600 : vector<16xf32>
      %add3A_602 = arith.addf %mul3A_595, %mul3A_601 : vector<16xf32>
      %add3A_603 = arith.constant 32 : i32
      %add3A_604 = vector.broadcast %add3A_603 : i32 to vector<16xi32>
      %add3A_605 = arith.addi %add3A_604, %iota3A : vector<16xi32>
      %gather3A_606 = tpu.vector_load_idx %arg9[%broadcast_in_dim3A_589, %add3A_605, %broadcast_in_dim3A_586] : memref<4x64x128xf32, #tpu.memory_space<vmem>>[vector<16xi32>, vector<16xi32>, vector<16xi32>], vector<16xf32>,
      %gather3A_607 = tpu.vector_load_idx %arg10[%broadcast_in_dim3A_589, %add3A_605, %broadcast_in_dim3A_587] : memref<4x64x128xf32, #tpu.memory_space<vmem>>[vector<16xi32>, vector<16xi32>, vector<16xi32>], vector<16xf32>,
      %mul3A_608 = arith.mulf %gather3A_606, %gather3A_607 : vector<16xf32>
      %add3A_609 = arith.addf %add3A_602, %mul3A_608 : vector<16xf32>
      %add3A_610 = arith.constant 48 : i32
      %add3A_611 = vector.broadcast %add3A_610 : i32 to vector<16xi32>
      %add3A_612 = arith.addi %add3A_611, %iota3A : vector<16xi32>
      %gather3A_613 = tpu.vector_load_idx %arg9[%broadcast_in_dim3A_589, %add3A_612, %broadcast_in_dim3A_586] : memref<4x64x128xf32, #tpu.memory_space<vmem>>[vector<16xi32>, vector<16xi32>, vector<16xi32>], vector<16xf32>,
      %gather3A_614 = tpu.vector_load_idx %arg10[%broadcast_in_dim3A_589, %add3A_612, %broadcast_in_dim3A_587] : memref<4x64x128xf32, #tpu.memory_space<vmem>>[vector<16xi32>, vector<16xi32>, vector<16xi32>], vector<16xf32>,
      %mul3A_615 = arith.mulf %gather3A_613, %gather3A_614 : vector<16xf32>
      %add3A_616 = arith.addf %add3A_609, %mul3A_615 : vector<16xf32>
      %reduce_sum3A_617 = arith.constant true
      %reduce_sum3A_618 = vector.broadcast %reduce_sum3A_617 : i1 to vector<16xi1>
      %reduce_sum3A_619 = tpu.scan <sum>, %add3A_616 masked %reduce_sum3A_618 : vector<16xf32>, vector<16xi1> -> vector<16xf32>
      %reduce_sum3A_620 = vector.extract %reduce_sum3A_619[15] : f32 from vector<16xf32>
      %eq3A_621 = arith.constant 3 : i32
      %eq3A_622 = vector.broadcast %eq3A_621 : i32 to vector<16xi32>
      %eq3A_623 = arith.cmpi eq, %iota3A, %eq3A_622 : vector<16xi32>
      %broadcast_in_dim3A_624 = vector.broadcast %reduce_sum3A_620 : f32 to vector<16xf32>
      %select_n3A_625 = arith.select %eq3A_623, %broadcast_in_dim3A_624, %select_n3A_501 : vector<16xi1>, vector<16xf32>
      %eq3A_626 = arith.cmpf oeq, %reduce_sum3A_620, %reduce_sum3A_620 : f32
      %jit3A_627 = arith.constant 0 : i32
      %jit3A_628 = arith.constant 1 : i32
      %select_n3A_629 = arith.select %eq3A_626, %jit3A_627, %jit3A_628 : i32
      %slice3A_630 = vector.extract_strided_slice %get3A_170 {offsets = [7], sizes = [1], strides = [1]} : vector<16xi32> to vector<1xi32>
      %squeeze3A_631 = vector.extract %slice3A_630[0] : i32 from vector<1xi32>
      %shift_right_arithmetic3A_632 = arith.constant 7 : i32
      %shift_right_arithmetic3A_633 = arith.shrsi %squeeze3A_631, %shift_right_arithmetic3A_632 : i32
      %add3A_634 = arith.addi %shift_right_arithmetic3A_633, %select_n3A_629 : i32
      %mul3A_635 = arith.constant 128 : i32
      %mul3A_636 = arith.muli %add3A_634, %mul3A_635 : i32
      %multiple_of3A_637 = tpu.assume_multiple %mul3A_636, 128 : i32
      %dma_start3A_638 = arith.constant 3 : i32
      %dma_start3A_639 = arith.constant 0 : i32
      %dma_start3A_640 = arith.constant 0 : i32
      %dma_start3A_641 = tpu.memref_slice %arg9[%dma_start3A_638, %dma_start3A_639, %dma_start3A_640] : memref<4x64x128xf32, #tpu.memory_space<vmem>> -> memref<1x64x128xf32, #tpu.memory_space<vmem>>
      %dma_start3A_642 = tpu.memref_squeeze %dma_start3A_641 : memref<1x64x128xf32, #tpu.memory_space<vmem>> -> memref<64x128xf32, #tpu.memory_space<vmem>>
      %dma_start3A_643 = arith.constant 0 : i32
      %dma_start3A_644 = tpu.memref_slice %arg4[%dma_start3A_643, %multiple_of3A_637] : memref<64x1000000xf32, #tpu.memory_space<hbm>> -> memref<64x128xf32, #tpu.memory_space<hbm>>
      %dma_start3A_645 = arith.constant 0 : i32
      %dma_start3A_646 = arith.constant 0 : i32
      %dma_start3A_647 = tpu.memref_slice %arg9[%dma_start3A_638, %dma_start3A_645, %dma_start3A_646] : memref<4x64x128xf32, #tpu.memory_space<vmem>> -> memref<1x64x128xf32, #tpu.memory_space<vmem>>
      %dma_start3A_648 = tpu.memref_squeeze %dma_start3A_647 : memref<1x64x128xf32, #tpu.memory_space<vmem>> -> memref<64x128xf32, #tpu.memory_space<vmem>>
      %dma_start3A_649 = arith.constant 0 : i32
      %dma_start3A_650 = tpu.memref_slice %arg4[%dma_start3A_649, %multiple_of3A_637] : memref<64x1000000xf32, #tpu.memory_space<hbm>> -> memref<64x128xf32, #tpu.memory_space<hbm>>
      tpu.enqueue_dma source(%dma_start3A_650 : memref<64x128xf32, #tpu.memory_space<hbm>>) target(%dma_start3A_648 : memref<64x128xf32, #tpu.memory_space<vmem>>) target_semaphore(%arg15 : memref<!tpu.dma_semaphore, #tpu.memory_space<semaphore_mem>>)
      %slice3A_651 = vector.extract_strided_slice %get3A_172 {offsets = [7], sizes = [1], strides = [1]} : vector<16xi32> to vector<1xi32>
      %squeeze3A_652 = vector.extract %slice3A_651[0] : i32 from vector<1xi32>
      %shift_right_arithmetic3A_653 = arith.constant 7 : i32
      %shift_right_arithmetic3A_654 = arith.shrsi %squeeze3A_652, %shift_right_arithmetic3A_653 : i32
      %add3A_655 = arith.addi %shift_right_arithmetic3A_654, %select_n3A_629 : i32
      %mul3A_656 = arith.constant 128 : i32
      %mul3A_657 = arith.muli %add3A_655, %mul3A_656 : i32
      %multiple_of3A_658 = tpu.assume_multiple %mul3A_657, 128 : i32
      %dma_start3A_659 = arith.constant 3 : i32
      %dma_start3A_660 = arith.constant 0 : i32
      %dma_start3A_661 = arith.constant 0 : i32
      %dma_start3A_662 = tpu.memref_slice %arg10[%dma_start3A_659, %dma_start3A_660, %dma_start3A_661] : memref<4x64x128xf32, #tpu.memory_space<vmem>> -> memref<1x64x128xf32, #tpu.memory_space<vmem>>
      %dma_start3A_663 = tpu.memref_squeeze %dma_start3A_662 : memref<1x64x128xf32, #tpu.memory_space<vmem>> -> memref<64x128xf32, #tpu.memory_space<vmem>>
      %dma_start3A_664 = arith.constant 0 : i32
      %dma_start3A_665 = tpu.memref_slice %arg5[%dma_start3A_664, %multiple_of3A_658] : memref<64x1000000xf32, #tpu.memory_space<hbm>> -> memref<64x128xf32, #tpu.memory_space<hbm>>
      %dma_start3A_666 = arith.constant 0 : i32
      %dma_start3A_667 = arith.constant 0 : i32
      %dma_start3A_668 = tpu.memref_slice %arg10[%dma_start3A_659, %dma_start3A_666, %dma_start3A_667] : memref<4x64x128xf32, #tpu.memory_space<vmem>> -> memref<1x64x128xf32, #tpu.memory_space<vmem>>
      %dma_start3A_669 = tpu.memref_squeeze %dma_start3A_668 : memref<1x64x128xf32, #tpu.memory_space<vmem>> -> memref<64x128xf32, #tpu.memory_space<vmem>>
      %dma_start3A_670 = arith.constant 0 : i32
      %dma_start3A_671 = tpu.memref_slice %arg5[%dma_start3A_670, %multiple_of3A_658] : memref<64x1000000xf32, #tpu.memory_space<hbm>> -> memref<64x128xf32, #tpu.memory_space<hbm>>
      tpu.enqueue_dma source(%dma_start3A_671 : memref<64x128xf32, #tpu.memory_space<hbm>>) target(%dma_start3A_669 : memref<64x128xf32, #tpu.memory_space<vmem>>) target_semaphore(%arg19 : memref<!tpu.dma_semaphore, #tpu.memory_space<semaphore_mem>>)
      %dma_wait3A_672 = arith.constant 0 : i32
      %dma_wait3A_673 = arith.constant 0 : i32
      %dma_wait3A_674 = arith.constant 0 : i32
      %dma_wait3A_675 = tpu.memref_slice %arg9[%dma_wait3A_672, %dma_wait3A_673, %dma_wait3A_674] : memref<4x64x128xf32, #tpu.memory_space<vmem>> -> memref<1x64x128xf32, #tpu.memory_space<vmem>>
      %dma_wait3A_676 = tpu.memref_squeeze %dma_wait3A_675 : memref<1x64x128xf32, #tpu.memory_space<vmem>> -> memref<64x128xf32, #tpu.memory_space<vmem>>
      %dma_wait3A_677 = arith.constant 0 : i32
      %dma_wait3A_678 = arith.constant 0 : i32
      %dma_wait3A_679 = tpu.memref_slice %arg4[%dma_wait3A_677, %dma_wait3A_678] : memref<64x1000000xf32, #tpu.memory_space<hbm>> -> memref<64x128xf32, #tpu.memory_space<hbm>>
      %dma_wait3A_680 = arith.constant 0 : i32
      %dma_wait3A_681 = arith.constant 0 : i32
      %dma_wait3A_682 = tpu.memref_slice %arg9[%dma_wait3A_672, %dma_wait3A_680, %dma_wait3A_681] : memref<4x64x128xf32, #tpu.memory_space<vmem>> -> memref<1x64x128xf32, #tpu.memory_space<vmem>>
      %dma_wait3A_683 = tpu.memref_squeeze %dma_wait3A_682 : memref<1x64x128xf32, #tpu.memory_space<vmem>> -> memref<64x128xf32, #tpu.memory_space<vmem>>
      %dma_wait3A_684 = arith.constant 0 : i32
      %dma_wait3A_685 = arith.constant 0 : i32
      %dma_wait3A_686 = tpu.memref_slice %arg4[%dma_wait3A_684, %dma_wait3A_685] : memref<64x1000000xf32, #tpu.memory_space<hbm>> -> memref<64x128xf32, #tpu.memory_space<hbm>>
      tpu.wait_dma2 semaphore(%arg12 : memref<!tpu.dma_semaphore, #tpu.memory_space<semaphore_mem>>) src(%dma_wait3A_686 : memref<64x128xf32, #tpu.memory_space<hbm>>) dst(%dma_wait3A_683 : memref<64x128xf32, #tpu.memory_space<vmem>>)
      %dma_wait3A_687 = arith.constant 0 : i32
      %dma_wait3A_688 = arith.constant 0 : i32
      %dma_wait3A_689 = arith.constant 0 : i32
      %dma_wait3A_690 = tpu.memref_slice %arg10[%dma_wait3A_687, %dma_wait3A_688, %dma_wait3A_689] : memref<4x64x128xf32, #tpu.memory_space<vmem>> -> memref<1x64x128xf32, #tpu.memory_space<vmem>>
      %dma_wait3A_691 = tpu.memref_squeeze %dma_wait3A_690 : memref<1x64x128xf32, #tpu.memory_space<vmem>> -> memref<64x128xf32, #tpu.memory_space<vmem>>
      %dma_wait3A_692 = arith.constant 0 : i32
      %dma_wait3A_693 = arith.constant 0 : i32
      %dma_wait3A_694 = tpu.memref_slice %arg5[%dma_wait3A_692, %dma_wait3A_693] : memref<64x1000000xf32, #tpu.memory_space<hbm>> -> memref<64x128xf32, #tpu.memory_space<hbm>>
      %dma_wait3A_695 = arith.constant 0 : i32
      %dma_wait3A_696 = arith.constant 0 : i32
      %dma_wait3A_697 = tpu.memref_slice %arg10[%dma_wait3A_687, %dma_wait3A_695, %dma_wait3A_696] : memref<4x64x128xf32, #tpu.memory_space<vmem>> -> memref<1x64x128xf32, #tpu.memory_space<vmem>>
      %dma_wait3A_698 = tpu.memref_squeeze %dma_wait3A_697 : memref<1x64x128xf32, #tpu.memory_space<vmem>> -> memref<64x128xf32, #tpu.memory_space<vmem>>
      %dma_wait3A_699 = arith.constant 0 : i32
      %dma_wait3A_700 = arith.constant 0 : i32
      %dma_wait3A_701 = tpu.memref_slice %arg5[%dma_wait3A_699, %dma_wait3A_700] : memref<64x1000000xf32, #tpu.memory_space<hbm>> -> memref<64x128xf32, #tpu.memory_space<hbm>>
      tpu.wait_dma2 semaphore(%arg16 : memref<!tpu.dma_semaphore, #tpu.memory_space<semaphore_mem>>) src(%dma_wait3A_701 : memref<64x128xf32, #tpu.memory_space<hbm>>) dst(%dma_wait3A_698 : memref<64x128xf32, #tpu.memory_space<vmem>>)
      %slice3A_702 = vector.extract_strided_slice %get3A_170 {offsets = [4], sizes = [1], strides = [1]} : vector<16xi32> to vector<1xi32>
      %squeeze3A_703 = vector.extract %slice3A_702[0] : i32 from vector<1xi32>
      %and3A_704 = arith.constant 127 : i32
      %and3A_705 = arith.andi %squeeze3A_703, %and3A_704 : i32
      %slice3A_706 = vector.extract_strided_slice %get3A_172 {offsets = [4], sizes = [1], strides = [1]} : vector<16xi32> to vector<1xi32>
      %squeeze3A_707 = vector.extract %slice3A_706[0] : i32 from vector<1xi32>
      %and3A_708 = arith.constant 127 : i32
      %and3A_709 = arith.andi %squeeze3A_707, %and3A_708 : i32
      %broadcast_in_dim3A_710 = vector.broadcast %and3A_705 : i32 to vector<16xi32>
      %broadcast_in_dim3A_711 = vector.broadcast %and3A_709 : i32 to vector<16xi32>
      %broadcast_in_dim3A_712 = arith.constant 0 : i32
      %broadcast_in_dim3A_713 = vector.broadcast %broadcast_in_dim3A_712 : i32 to vector<16xi32>
      %add3A_714 = arith.constant 0 : i32
      %add3A_715 = vector.broadcast %add3A_714 : i32 to vector<16xi32>
      %add3A_716 = arith.addi %add3A_715, %iota3A : vector<16xi32>
      %gather3A_717 = tpu.vector_load_idx %arg9[%broadcast_in_dim3A_713, %add3A_716, %broadcast_in_dim3A_710] : memref<4x64x128xf32, #tpu.memory_space<vmem>>[vector<16xi32>, vector<16xi32>, vector<16xi32>], vector<16xf32>,
      %gather3A_718 = tpu.vector_load_idx %arg10[%broadcast_in_dim3A_713, %add3A_716, %broadcast_in_dim3A_711] : memref<4x64x128xf32, #tpu.memory_space<vmem>>[vector<16xi32>, vector<16xi32>, vector<16xi32>], vector<16xf32>,
      %mul3A_719 = arith.mulf %gather3A_717, %gather3A_718 : vector<16xf32>
      %add3A_720 = arith.constant 16 : i32
      %add3A_721 = vector.broadcast %add3A_720 : i32 to vector<16xi32>
      %add3A_722 = arith.addi %add3A_721, %iota3A : vector<16xi32>
      %gather3A_723 = tpu.vector_load_idx %arg9[%broadcast_in_dim3A_713, %add3A_722, %broadcast_in_dim3A_710] : memref<4x64x128xf32, #tpu.memory_space<vmem>>[vector<16xi32>, vector<16xi32>, vector<16xi32>], vector<16xf32>,
      %gather3A_724 = tpu.vector_load_idx %arg10[%broadcast_in_dim3A_713, %add3A_722, %broadcast_in_dim3A_711] : memref<4x64x128xf32, #tpu.memory_space<vmem>>[vector<16xi32>, vector<16xi32>, vector<16xi32>], vector<16xf32>,
      %mul3A_725 = arith.mulf %gather3A_723, %gather3A_724 : vector<16xf32>
      %add3A_726 = arith.addf %mul3A_719, %mul3A_725 : vector<16xf32>
      %add3A_727 = arith.constant 32 : i32
      %add3A_728 = vector.broadcast %add3A_727 : i32 to vector<16xi32>
      %add3A_729 = arith.addi %add3A_728, %iota3A : vector<16xi32>
      %gather3A_730 = tpu.vector_load_idx %arg9[%broadcast_in_dim3A_713, %add3A_729, %broadcast_in_dim3A_710] : memref<4x64x128xf32, #tpu.memory_space<vmem>>[vector<16xi32>, vector<16xi32>, vector<16xi32>], vector<16xf32>,
      %gather3A_731 = tpu.vector_load_idx %arg10[%broadcast_in_dim3A_713, %add3A_729, %broadcast_in_dim3A_711] : memref<4x64x128xf32, #tpu.memory_space<vmem>>[vector<16xi32>, vector<16xi32>, vector<16xi32>], vector<16xf32>,
      %mul3A_732 = arith.mulf %gather3A_730, %gather3A_731 : vector<16xf32>
      %add3A_733 = arith.addf %add3A_726, %mul3A_732 : vector<16xf32>
      %add3A_734 = arith.constant 48 : i32
      %add3A_735 = vector.broadcast %add3A_734 : i32 to vector<16xi32>
      %add3A_736 = arith.addi %add3A_735, %iota3A : vector<16xi32>
      %gather3A_737 = tpu.vector_load_idx %arg9[%broadcast_in_dim3A_713, %add3A_736, %broadcast_in_dim3A_710] : memref<4x64x128xf32, #tpu.memory_space<vmem>>[vector<16xi32>, vector<16xi32>, vector<16xi32>], vector<16xf32>,
      %gather3A_738 = tpu.vector_load_idx %arg10[%broadcast_in_dim3A_713, %add3A_736, %broadcast_in_dim3A_711] : memref<4x64x128xf32, #tpu.memory_space<vmem>>[vector<16xi32>, vector<16xi32>, vector<16xi32>], vector<16xf32>,
      %mul3A_739 = arith.mulf %gather3A_737, %gather3A_738 : vector<16xf32>
      %add3A_740 = arith.addf %add3A_733, %mul3A_739 : vector<16xf32>
      %reduce_sum3A_741 = arith.constant true
      %reduce_sum3A_742 = vector.broadcast %reduce_sum3A_741 : i1 to vector<16xi1>
      %reduce_sum3A_743 = tpu.scan <sum>, %add3A_740 masked %reduce_sum3A_742 : vector<16xf32>, vector<16xi1> -> vector<16xf32>
      %reduce_sum3A_744 = vector.extract %reduce_sum3A_743[15] : f32 from vector<16xf32>
      %eq3A_745 = arith.constant 4 : i32
      %eq3A_746 = vector.broadcast %eq3A_745 : i32 to vector<16xi32>
      %eq3A_747 = arith.cmpi eq, %iota3A, %eq3A_746 : vector<16xi32>
      %broadcast_in_dim3A_748 = vector.broadcast %reduce_sum3A_744 : f32 to vector<16xf32>
      %select_n3A_749 = arith.select %eq3A_747, %broadcast_in_dim3A_748, %select_n3A_625 : vector<16xi1>, vector<16xf32>
      %eq3A_750 = arith.cmpf oeq, %reduce_sum3A_744, %reduce_sum3A_744 : f32
      %jit3A_751 = arith.constant 0 : i32
      %jit3A_752 = arith.constant 1 : i32
      %select_n3A_753 = arith.select %eq3A_750, %jit3A_751, %jit3A_752 : i32
      %slice3A_754 = vector.extract_strided_slice %get3A_170 {offsets = [8], sizes = [1], strides = [1]} : vector<16xi32> to vector<1xi32>
      %squeeze3A_755 = vector.extract %slice3A_754[0] : i32 from vector<1xi32>
      %shift_right_arithmetic3A_756 = arith.constant 7 : i32
      %shift_right_arithmetic3A_757 = arith.shrsi %squeeze3A_755, %shift_right_arithmetic3A_756 : i32
      %add3A_758 = arith.addi %shift_right_arithmetic3A_757, %select_n3A_753 : i32
      %mul3A_759 = arith.constant 128 : i32
      %mul3A_760 = arith.muli %add3A_758, %mul3A_759 : i32
      %multiple_of3A_761 = tpu.assume_multiple %mul3A_760, 128 : i32
      %dma_start3A_762 = arith.constant 0 : i32
      %dma_start3A_763 = arith.constant 0 : i32
      %dma_start3A_764 = arith.constant 0 : i32
      %dma_start3A_765 = tpu.memref_slice %arg9[%dma_start3A_762, %dma_start3A_763, %dma_start3A_764] : memref<4x64x128xf32, #tpu.memory_space<vmem>> -> memref<1x64x128xf32, #tpu.memory_space<vmem>>
      %dma_start3A_766 = tpu.memref_squeeze %dma_start3A_765 : memref<1x64x128xf32, #tpu.memory_space<vmem>> -> memref<64x128xf32, #tpu.memory_space<vmem>>
      %dma_start3A_767 = arith.constant 0 : i32
      %dma_start3A_768 = tpu.memref_slice %arg4[%dma_start3A_767, %multiple_of3A_761] : memref<64x1000000xf32, #tpu.memory_space<hbm>> -> memref<64x128xf32, #tpu.memory_space<hbm>>
      %dma_start3A_769 = arith.constant 0 : i32
      %dma_start3A_770 = arith.constant 0 : i32
      %dma_start3A_771 = tpu.memref_slice %arg9[%dma_start3A_762, %dma_start3A_769, %dma_start3A_770] : memref<4x64x128xf32, #tpu.memory_space<vmem>> -> memref<1x64x128xf32, #tpu.memory_space<vmem>>
      %dma_start3A_772 = tpu.memref_squeeze %dma_start3A_771 : memref<1x64x128xf32, #tpu.memory_space<vmem>> -> memref<64x128xf32, #tpu.memory_space<vmem>>
      %dma_start3A_773 = arith.constant 0 : i32
      %dma_start3A_774 = tpu.memref_slice %arg4[%dma_start3A_773, %multiple_of3A_761] : memref<64x1000000xf32, #tpu.memory_space<hbm>> -> memref<64x128xf32, #tpu.memory_space<hbm>>
      tpu.enqueue_dma source(%dma_start3A_774 : memref<64x128xf32, #tpu.memory_space<hbm>>) target(%dma_start3A_772 : memref<64x128xf32, #tpu.memory_space<vmem>>) target_semaphore(%arg12 : memref<!tpu.dma_semaphore, #tpu.memory_space<semaphore_mem>>)
      %slice3A_775 = vector.extract_strided_slice %get3A_172 {offsets = [8], sizes = [1], strides = [1]} : vector<16xi32> to vector<1xi32>
      %squeeze3A_776 = vector.extract %slice3A_775[0] : i32 from vector<1xi32>
      %shift_right_arithmetic3A_777 = arith.constant 7 : i32
      %shift_right_arithmetic3A_778 = arith.shrsi %squeeze3A_776, %shift_right_arithmetic3A_777 : i32
      %add3A_779 = arith.addi %shift_right_arithmetic3A_778, %select_n3A_753 : i32
      %mul3A_780 = arith.constant 128 : i32
      %mul3A_781 = arith.muli %add3A_779, %mul3A_780 : i32
      %multiple_of3A_782 = tpu.assume_multiple %mul3A_781, 128 : i32
      %dma_start3A_783 = arith.constant 0 : i32
      %dma_start3A_784 = arith.constant 0 : i32
      %dma_start3A_785 = arith.constant 0 : i32
      %dma_start3A_786 = tpu.memref_slice %arg10[%dma_start3A_783, %dma_start3A_784, %dma_start3A_785] : memref<4x64x128xf32, #tpu.memory_space<vmem>> -> memref<1x64x128xf32, #tpu.memory_space<vmem>>
      %dma_start3A_787 = tpu.memref_squeeze %dma_start3A_786 : memref<1x64x128xf32, #tpu.memory_space<vmem>> -> memref<64x128xf32, #tpu.memory_space<vmem>>
      %dma_start3A_788 = arith.constant 0 : i32
      %dma_start3A_789 = tpu.memref_slice %arg5[%dma_start3A_788, %multiple_of3A_782] : memref<64x1000000xf32, #tpu.memory_space<hbm>> -> memref<64x128xf32, #tpu.memory_space<hbm>>
      %dma_start3A_790 = arith.constant 0 : i32
      %dma_start3A_791 = arith.constant 0 : i32
      %dma_start3A_792 = tpu.memref_slice %arg10[%dma_start3A_783, %dma_start3A_790, %dma_start3A_791] : memref<4x64x128xf32, #tpu.memory_space<vmem>> -> memref<1x64x128xf32, #tpu.memory_space<vmem>>
      %dma_start3A_793 = tpu.memref_squeeze %dma_start3A_792 : memref<1x64x128xf32, #tpu.memory_space<vmem>> -> memref<64x128xf32, #tpu.memory_space<vmem>>
      %dma_start3A_794 = arith.constant 0 : i32
      %dma_start3A_795 = tpu.memref_slice %arg5[%dma_start3A_794, %multiple_of3A_782] : memref<64x1000000xf32, #tpu.memory_space<hbm>> -> memref<64x128xf32, #tpu.memory_space<hbm>>
      tpu.enqueue_dma source(%dma_start3A_795 : memref<64x128xf32, #tpu.memory_space<hbm>>) target(%dma_start3A_793 : memref<64x128xf32, #tpu.memory_space<vmem>>) target_semaphore(%arg16 : memref<!tpu.dma_semaphore, #tpu.memory_space<semaphore_mem>>)
      %dma_wait3A_796 = arith.constant 1 : i32
      %dma_wait3A_797 = arith.constant 0 : i32
      %dma_wait3A_798 = arith.constant 0 : i32
      %dma_wait3A_799 = tpu.memref_slice %arg9[%dma_wait3A_796, %dma_wait3A_797, %dma_wait3A_798] : memref<4x64x128xf32, #tpu.memory_space<vmem>> -> memref<1x64x128xf32, #tpu.memory_space<vmem>>
      %dma_wait3A_800 = tpu.memref_squeeze %dma_wait3A_799 : memref<1x64x128xf32, #tpu.memory_space<vmem>> -> memref<64x128xf32, #tpu.memory_space<vmem>>
      %dma_wait3A_801 = arith.constant 0 : i32
      %dma_wait3A_802 = arith.constant 0 : i32
      %dma_wait3A_803 = tpu.memref_slice %arg4[%dma_wait3A_801, %dma_wait3A_802] : memref<64x1000000xf32, #tpu.memory_space<hbm>> -> memref<64x128xf32, #tpu.memory_space<hbm>>
      %dma_wait3A_804 = arith.constant 0 : i32
      %dma_wait3A_805 = arith.constant 0 : i32
      %dma_wait3A_806 = tpu.memref_slice %arg9[%dma_wait3A_796, %dma_wait3A_804, %dma_wait3A_805] : memref<4x64x128xf32, #tpu.memory_space<vmem>> -> memref<1x64x128xf32, #tpu.memory_space<vmem>>
      %dma_wait3A_807 = tpu.memref_squeeze %dma_wait3A_806 : memref<1x64x128xf32, #tpu.memory_space<vmem>> -> memref<64x128xf32, #tpu.memory_space<vmem>>
      %dma_wait3A_808 = arith.constant 0 : i32
      %dma_wait3A_809 = arith.constant 0 : i32
      %dma_wait3A_810 = tpu.memref_slice %arg4[%dma_wait3A_808, %dma_wait3A_809] : memref<64x1000000xf32, #tpu.memory_space<hbm>> -> memref<64x128xf32, #tpu.memory_space<hbm>>
      tpu.wait_dma2 semaphore(%arg13 : memref<!tpu.dma_semaphore, #tpu.memory_space<semaphore_mem>>) src(%dma_wait3A_810 : memref<64x128xf32, #tpu.memory_space<hbm>>) dst(%dma_wait3A_807 : memref<64x128xf32, #tpu.memory_space<vmem>>)
      %dma_wait3A_811 = arith.constant 1 : i32
      %dma_wait3A_812 = arith.constant 0 : i32
      %dma_wait3A_813 = arith.constant 0 : i32
      %dma_wait3A_814 = tpu.memref_slice %arg10[%dma_wait3A_811, %dma_wait3A_812, %dma_wait3A_813] : memref<4x64x128xf32, #tpu.memory_space<vmem>> -> memref<1x64x128xf32, #tpu.memory_space<vmem>>
      %dma_wait3A_815 = tpu.memref_squeeze %dma_wait3A_814 : memref<1x64x128xf32, #tpu.memory_space<vmem>> -> memref<64x128xf32, #tpu.memory_space<vmem>>
      %dma_wait3A_816 = arith.constant 0 : i32
      %dma_wait3A_817 = arith.constant 0 : i32
      %dma_wait3A_818 = tpu.memref_slice %arg5[%dma_wait3A_816, %dma_wait3A_817] : memref<64x1000000xf32, #tpu.memory_space<hbm>> -> memref<64x128xf32, #tpu.memory_space<hbm>>
      %dma_wait3A_819 = arith.constant 0 : i32
      %dma_wait3A_820 = arith.constant 0 : i32
      %dma_wait3A_821 = tpu.memref_slice %arg10[%dma_wait3A_811, %dma_wait3A_819, %dma_wait3A_820] : memref<4x64x128xf32, #tpu.memory_space<vmem>> -> memref<1x64x128xf32, #tpu.memory_space<vmem>>
      %dma_wait3A_822 = tpu.memref_squeeze %dma_wait3A_821 : memref<1x64x128xf32, #tpu.memory_space<vmem>> -> memref<64x128xf32, #tpu.memory_space<vmem>>
      %dma_wait3A_823 = arith.constant 0 : i32
      %dma_wait3A_824 = arith.constant 0 : i32
      %dma_wait3A_825 = tpu.memref_slice %arg5[%dma_wait3A_823, %dma_wait3A_824] : memref<64x1000000xf32, #tpu.memory_space<hbm>> -> memref<64x128xf32, #tpu.memory_space<hbm>>
      tpu.wait_dma2 semaphore(%arg17 : memref<!tpu.dma_semaphore, #tpu.memory_space<semaphore_mem>>) src(%dma_wait3A_825 : memref<64x128xf32, #tpu.memory_space<hbm>>) dst(%dma_wait3A_822 : memref<64x128xf32, #tpu.memory_space<vmem>>)
      %slice3A_826 = vector.extract_strided_slice %get3A_170 {offsets = [5], sizes = [1], strides = [1]} : vector<16xi32> to vector<1xi32>
      %squeeze3A_827 = vector.extract %slice3A_826[0] : i32 from vector<1xi32>
      %and3A_828 = arith.constant 127 : i32
      %and3A_829 = arith.andi %squeeze3A_827, %and3A_828 : i32
      %slice3A_830 = vector.extract_strided_slice %get3A_172 {offsets = [5], sizes = [1], strides = [1]} : vector<16xi32> to vector<1xi32>
      %squeeze3A_831 = vector.extract %slice3A_830[0] : i32 from vector<1xi32>
      %and3A_832 = arith.constant 127 : i32
      %and3A_833 = arith.andi %squeeze3A_831, %and3A_832 : i32
      %broadcast_in_dim3A_834 = vector.broadcast %and3A_829 : i32 to vector<16xi32>
      %broadcast_in_dim3A_835 = vector.broadcast %and3A_833 : i32 to vector<16xi32>
      %broadcast_in_dim3A_836 = arith.constant 1 : i32
      %broadcast_in_dim3A_837 = vector.broadcast %broadcast_in_dim3A_836 : i32 to vector<16xi32>
      %add3A_838 = arith.constant 0 : i32
      %add3A_839 = vector.broadcast %add3A_838 : i32 to vector<16xi32>
      %add3A_840 = arith.addi %add3A_839, %iota3A : vector<16xi32>
      %gather3A_841 = tpu.vector_load_idx %arg9[%broadcast_in_dim3A_837, %add3A_840, %broadcast_in_dim3A_834] : memref<4x64x128xf32, #tpu.memory_space<vmem>>[vector<16xi32>, vector<16xi32>, vector<16xi32>], vector<16xf32>,
      %gather3A_842 = tpu.vector_load_idx %arg10[%broadcast_in_dim3A_837, %add3A_840, %broadcast_in_dim3A_835] : memref<4x64x128xf32, #tpu.memory_space<vmem>>[vector<16xi32>, vector<16xi32>, vector<16xi32>], vector<16xf32>,
      %mul3A_843 = arith.mulf %gather3A_841, %gather3A_842 : vector<16xf32>
      %add3A_844 = arith.constant 16 : i32
      %add3A_845 = vector.broadcast %add3A_844 : i32 to vector<16xi32>
      %add3A_846 = arith.addi %add3A_845, %iota3A : vector<16xi32>
      %gather3A_847 = tpu.vector_load_idx %arg9[%broadcast_in_dim3A_837, %add3A_846, %broadcast_in_dim3A_834] : memref<4x64x128xf32, #tpu.memory_space<vmem>>[vector<16xi32>, vector<16xi32>, vector<16xi32>], vector<16xf32>,
      %gather3A_848 = tpu.vector_load_idx %arg10[%broadcast_in_dim3A_837, %add3A_846, %broadcast_in_dim3A_835] : memref<4x64x128xf32, #tpu.memory_space<vmem>>[vector<16xi32>, vector<16xi32>, vector<16xi32>], vector<16xf32>,
      %mul3A_849 = arith.mulf %gather3A_847, %gather3A_848 : vector<16xf32>
      %add3A_850 = arith.addf %mul3A_843, %mul3A_849 : vector<16xf32>
      %add3A_851 = arith.constant 32 : i32
      %add3A_852 = vector.broadcast %add3A_851 : i32 to vector<16xi32>
      %add3A_853 = arith.addi %add3A_852, %iota3A : vector<16xi32>
      %gather3A_854 = tpu.vector_load_idx %arg9[%broadcast_in_dim3A_837, %add3A_853, %broadcast_in_dim3A_834] : memref<4x64x128xf32, #tpu.memory_space<vmem>>[vector<16xi32>, vector<16xi32>, vector<16xi32>], vector<16xf32>,
      %gather3A_855 = tpu.vector_load_idx %arg10[%broadcast_in_dim3A_837, %add3A_853, %broadcast_in_dim3A_835] : memref<4x64x128xf32, #tpu.memory_space<vmem>>[vector<16xi32>, vector<16xi32>, vector<16xi32>], vector<16xf32>,
      %mul3A_856 = arith.mulf %gather3A_854, %gather3A_855 : vector<16xf32>
      %add3A_857 = arith.addf %add3A_850, %mul3A_856 : vector<16xf32>
      %add3A_858 = arith.constant 48 : i32
      %add3A_859 = vector.broadcast %add3A_858 : i32 to vector<16xi32>
      %add3A_860 = arith.addi %add3A_859, %iota3A : vector<16xi32>
      %gather3A_861 = tpu.vector_load_idx %arg9[%broadcast_in_dim3A_837, %add3A_860, %broadcast_in_dim3A_834] : memref<4x64x128xf32, #tpu.memory_space<vmem>>[vector<16xi32>, vector<16xi32>, vector<16xi32>], vector<16xf32>,
      %gather3A_862 = tpu.vector_load_idx %arg10[%broadcast_in_dim3A_837, %add3A_860, %broadcast_in_dim3A_835] : memref<4x64x128xf32, #tpu.memory_space<vmem>>[vector<16xi32>, vector<16xi32>, vector<16xi32>], vector<16xf32>,
      %mul3A_863 = arith.mulf %gather3A_861, %gather3A_862 : vector<16xf32>
      %add3A_864 = arith.addf %add3A_857, %mul3A_863 : vector<16xf32>
      %reduce_sum3A_865 = arith.constant true
      %reduce_sum3A_866 = vector.broadcast %reduce_sum3A_865 : i1 to vector<16xi1>
      %reduce_sum3A_867 = tpu.scan <sum>, %add3A_864 masked %reduce_sum3A_866 : vector<16xf32>, vector<16xi1> -> vector<16xf32>
      %reduce_sum3A_868 = vector.extract %reduce_sum3A_867[15] : f32 from vector<16xf32>
      %eq3A_869 = arith.constant 5 : i32
      %eq3A_870 = vector.broadcast %eq3A_869 : i32 to vector<16xi32>
      %eq3A_871 = arith.cmpi eq, %iota3A, %eq3A_870 : vector<16xi32>
      %broadcast_in_dim3A_872 = vector.broadcast %reduce_sum3A_868 : f32 to vector<16xf32>
      %select_n3A_873 = arith.select %eq3A_871, %broadcast_in_dim3A_872, %select_n3A_749 : vector<16xi1>, vector<16xf32>
      %eq3A_874 = arith.cmpf oeq, %reduce_sum3A_868, %reduce_sum3A_868 : f32
      %jit3A_875 = arith.constant 0 : i32
      %jit3A_876 = arith.constant 1 : i32
      %select_n3A_877 = arith.select %eq3A_874, %jit3A_875, %jit3A_876 : i32
      %slice3A_878 = vector.extract_strided_slice %get3A_170 {offsets = [9], sizes = [1], strides = [1]} : vector<16xi32> to vector<1xi32>
      %squeeze3A_879 = vector.extract %slice3A_878[0] : i32 from vector<1xi32>
      %shift_right_arithmetic3A_880 = arith.constant 7 : i32
      %shift_right_arithmetic3A_881 = arith.shrsi %squeeze3A_879, %shift_right_arithmetic3A_880 : i32
      %add3A_882 = arith.addi %shift_right_arithmetic3A_881, %select_n3A_877 : i32
      %mul3A_883 = arith.constant 128 : i32
      %mul3A_884 = arith.muli %add3A_882, %mul3A_883 : i32
      %multiple_of3A_885 = tpu.assume_multiple %mul3A_884, 128 : i32
      %dma_start3A_886 = arith.constant 1 : i32
      %dma_start3A_887 = arith.constant 0 : i32
      %dma_start3A_888 = arith.constant 0 : i32
      %dma_start3A_889 = tpu.memref_slice %arg9[%dma_start3A_886, %dma_start3A_887, %dma_start3A_888] : memref<4x64x128xf32, #tpu.memory_space<vmem>> -> memref<1x64x128xf32, #tpu.memory_space<vmem>>
      %dma_start3A_890 = tpu.memref_squeeze %dma_start3A_889 : memref<1x64x128xf32, #tpu.memory_space<vmem>> -> memref<64x128xf32, #tpu.memory_space<vmem>>
      %dma_start3A_891 = arith.constant 0 : i32
      %dma_start3A_892 = tpu.memref_slice %arg4[%dma_start3A_891, %multiple_of3A_885] : memref<64x1000000xf32, #tpu.memory_space<hbm>> -> memref<64x128xf32, #tpu.memory_space<hbm>>
      %dma_start3A_893 = arith.constant 0 : i32
      %dma_start3A_894 = arith.constant 0 : i32
      %dma_start3A_895 = tpu.memref_slice %arg9[%dma_start3A_886, %dma_start3A_893, %dma_start3A_894] : memref<4x64x128xf32, #tpu.memory_space<vmem>> -> memref<1x64x128xf32, #tpu.memory_space<vmem>>
      %dma_start3A_896 = tpu.memref_squeeze %dma_start3A_895 : memref<1x64x128xf32, #tpu.memory_space<vmem>> -> memref<64x128xf32, #tpu.memory_space<vmem>>
      %dma_start3A_897 = arith.constant 0 : i32
      %dma_start3A_898 = tpu.memref_slice %arg4[%dma_start3A_897, %multiple_of3A_885] : memref<64x1000000xf32, #tpu.memory_space<hbm>> -> memref<64x128xf32, #tpu.memory_space<hbm>>
      tpu.enqueue_dma source(%dma_start3A_898 : memref<64x128xf32, #tpu.memory_space<hbm>>) target(%dma_start3A_896 : memref<64x128xf32, #tpu.memory_space<vmem>>) target_semaphore(%arg13 : memref<!tpu.dma_semaphore, #tpu.memory_space<semaphore_mem>>)
      %slice3A_899 = vector.extract_strided_slice %get3A_172 {offsets = [9], sizes = [1], strides = [1]} : vector<16xi32> to vector<1xi32>
      %squeeze3A_900 = vector.extract %slice3A_899[0] : i32 from vector<1xi32>
      %shift_right_arithmetic3A_901 = arith.constant 7 : i32
      %shift_right_arithmetic3A_902 = arith.shrsi %squeeze3A_900, %shift_right_arithmetic3A_901 : i32
      %add3A_903 = arith.addi %shift_right_arithmetic3A_902, %select_n3A_877 : i32
      %mul3A_904 = arith.constant 128 : i32
      %mul3A_905 = arith.muli %add3A_903, %mul3A_904 : i32
      %multiple_of3A_906 = tpu.assume_multiple %mul3A_905, 128 : i32
      %dma_start3A_907 = arith.constant 1 : i32
      %dma_start3A_908 = arith.constant 0 : i32
      %dma_start3A_909 = arith.constant 0 : i32
      %dma_start3A_910 = tpu.memref_slice %arg10[%dma_start3A_907, %dma_start3A_908, %dma_start3A_909] : memref<4x64x128xf32, #tpu.memory_space<vmem>> -> memref<1x64x128xf32, #tpu.memory_space<vmem>>
      %dma_start3A_911 = tpu.memref_squeeze %dma_start3A_910 : memref<1x64x128xf32, #tpu.memory_space<vmem>> -> memref<64x128xf32, #tpu.memory_space<vmem>>
      %dma_start3A_912 = arith.constant 0 : i32
      %dma_start3A_913 = tpu.memref_slice %arg5[%dma_start3A_912, %multiple_of3A_906] : memref<64x1000000xf32, #tpu.memory_space<hbm>> -> memref<64x128xf32, #tpu.memory_space<hbm>>
      %dma_start3A_914 = arith.constant 0 : i32
      %dma_start3A_915 = arith.constant 0 : i32
      %dma_start3A_916 = tpu.memref_slice %arg10[%dma_start3A_907, %dma_start3A_914, %dma_start3A_915] : memref<4x64x128xf32, #tpu.memory_space<vmem>> -> memref<1x64x128xf32, #tpu.memory_space<vmem>>
      %dma_start3A_917 = tpu.memref_squeeze %dma_start3A_916 : memref<1x64x128xf32, #tpu.memory_space<vmem>> -> memref<64x128xf32, #tpu.memory_space<vmem>>
      %dma_start3A_918 = arith.constant 0 : i32
      %dma_start3A_919 = tpu.memref_slice %arg5[%dma_start3A_918, %multiple_of3A_906] : memref<64x1000000xf32, #tpu.memory_space<hbm>> -> memref<64x128xf32, #tpu.memory_space<hbm>>
      tpu.enqueue_dma source(%dma_start3A_919 : memref<64x128xf32, #tpu.memory_space<hbm>>) target(%dma_start3A_917 : memref<64x128xf32, #tpu.memory_space<vmem>>) target_semaphore(%arg17 : memref<!tpu.dma_semaphore, #tpu.memory_space<semaphore_mem>>)
      %dma_wait3A_920 = arith.constant 2 : i32
      %dma_wait3A_921 = arith.constant 0 : i32
      %dma_wait3A_922 = arith.constant 0 : i32
      %dma_wait3A_923 = tpu.memref_slice %arg9[%dma_wait3A_920, %dma_wait3A_921, %dma_wait3A_922] : memref<4x64x128xf32, #tpu.memory_space<vmem>> -> memref<1x64x128xf32, #tpu.memory_space<vmem>>
      %dma_wait3A_924 = tpu.memref_squeeze %dma_wait3A_923 : memref<1x64x128xf32, #tpu.memory_space<vmem>> -> memref<64x128xf32, #tpu.memory_space<vmem>>
      %dma_wait3A_925 = arith.constant 0 : i32
      %dma_wait3A_926 = arith.constant 0 : i32
      %dma_wait3A_927 = tpu.memref_slice %arg4[%dma_wait3A_925, %dma_wait3A_926] : memref<64x1000000xf32, #tpu.memory_space<hbm>> -> memref<64x128xf32, #tpu.memory_space<hbm>>
      %dma_wait3A_928 = arith.constant 0 : i32
      %dma_wait3A_929 = arith.constant 0 : i32
      %dma_wait3A_930 = tpu.memref_slice %arg9[%dma_wait3A_920, %dma_wait3A_928, %dma_wait3A_929] : memref<4x64x128xf32, #tpu.memory_space<vmem>> -> memref<1x64x128xf32, #tpu.memory_space<vmem>>
      %dma_wait3A_931 = tpu.memref_squeeze %dma_wait3A_930 : memref<1x64x128xf32, #tpu.memory_space<vmem>> -> memref<64x128xf32, #tpu.memory_space<vmem>>
      %dma_wait3A_932 = arith.constant 0 : i32
      %dma_wait3A_933 = arith.constant 0 : i32
      %dma_wait3A_934 = tpu.memref_slice %arg4[%dma_wait3A_932, %dma_wait3A_933] : memref<64x1000000xf32, #tpu.memory_space<hbm>> -> memref<64x128xf32, #tpu.memory_space<hbm>>
      tpu.wait_dma2 semaphore(%arg14 : memref<!tpu.dma_semaphore, #tpu.memory_space<semaphore_mem>>) src(%dma_wait3A_934 : memref<64x128xf32, #tpu.memory_space<hbm>>) dst(%dma_wait3A_931 : memref<64x128xf32, #tpu.memory_space<vmem>>)
      %dma_wait3A_935 = arith.constant 2 : i32
      %dma_wait3A_936 = arith.constant 0 : i32
      %dma_wait3A_937 = arith.constant 0 : i32
      %dma_wait3A_938 = tpu.memref_slice %arg10[%dma_wait3A_935, %dma_wait3A_936, %dma_wait3A_937] : memref<4x64x128xf32, #tpu.memory_space<vmem>> -> memref<1x64x128xf32, #tpu.memory_space<vmem>>
      %dma_wait3A_939 = tpu.memref_squeeze %dma_wait3A_938 : memref<1x64x128xf32, #tpu.memory_space<vmem>> -> memref<64x128xf32, #tpu.memory_space<vmem>>
      %dma_wait3A_940 = arith.constant 0 : i32
      %dma_wait3A_941 = arith.constant 0 : i32
      %dma_wait3A_942 = tpu.memref_slice %arg5[%dma_wait3A_940, %dma_wait3A_941] : memref<64x1000000xf32, #tpu.memory_space<hbm>> -> memref<64x128xf32, #tpu.memory_space<hbm>>
      %dma_wait3A_943 = arith.constant 0 : i32
      %dma_wait3A_944 = arith.constant 0 : i32
      %dma_wait3A_945 = tpu.memref_slice %arg10[%dma_wait3A_935, %dma_wait3A_943, %dma_wait3A_944] : memref<4x64x128xf32, #tpu.memory_space<vmem>> -> memref<1x64x128xf32, #tpu.memory_space<vmem>>
      %dma_wait3A_946 = tpu.memref_squeeze %dma_wait3A_945 : memref<1x64x128xf32, #tpu.memory_space<vmem>> -> memref<64x128xf32, #tpu.memory_space<vmem>>
      %dma_wait3A_947 = arith.constant 0 : i32
      %dma_wait3A_948 = arith.constant 0 : i32
      %dma_wait3A_949 = tpu.memref_slice %arg5[%dma_wait3A_947, %dma_wait3A_948] : memref<64x1000000xf32, #tpu.memory_space<hbm>> -> memref<64x128xf32, #tpu.memory_space<hbm>>
      tpu.wait_dma2 semaphore(%arg18 : memref<!tpu.dma_semaphore, #tpu.memory_space<semaphore_mem>>) src(%dma_wait3A_949 : memref<64x128xf32, #tpu.memory_space<hbm>>) dst(%dma_wait3A_946 : memref<64x128xf32, #tpu.memory_space<vmem>>)
      %slice3A_950 = vector.extract_strided_slice %get3A_170 {offsets = [6], sizes = [1], strides = [1]} : vector<16xi32> to vector<1xi32>
      %squeeze3A_951 = vector.extract %slice3A_950[0] : i32 from vector<1xi32>
      %and3A_952 = arith.constant 127 : i32
      %and3A_953 = arith.andi %squeeze3A_951, %and3A_952 : i32
      %slice3A_954 = vector.extract_strided_slice %get3A_172 {offsets = [6], sizes = [1], strides = [1]} : vector<16xi32> to vector<1xi32>
      %squeeze3A_955 = vector.extract %slice3A_954[0] : i32 from vector<1xi32>
      %and3A_956 = arith.constant 127 : i32
      %and3A_957 = arith.andi %squeeze3A_955, %and3A_956 : i32
      %broadcast_in_dim3A_958 = vector.broadcast %and3A_953 : i32 to vector<16xi32>
      %broadcast_in_dim3A_959 = vector.broadcast %and3A_957 : i32 to vector<16xi32>
      %broadcast_in_dim3A_960 = arith.constant 2 : i32
      %broadcast_in_dim3A_961 = vector.broadcast %broadcast_in_dim3A_960 : i32 to vector<16xi32>
      %add3A_962 = arith.constant 0 : i32
      %add3A_963 = vector.broadcast %add3A_962 : i32 to vector<16xi32>
      %add3A_964 = arith.addi %add3A_963, %iota3A : vector<16xi32>
      %gather3A_965 = tpu.vector_load_idx %arg9[%broadcast_in_dim3A_961, %add3A_964, %broadcast_in_dim3A_958] : memref<4x64x128xf32, #tpu.memory_space<vmem>>[vector<16xi32>, vector<16xi32>, vector<16xi32>], vector<16xf32>,
      %gather3A_966 = tpu.vector_load_idx %arg10[%broadcast_in_dim3A_961, %add3A_964, %broadcast_in_dim3A_959] : memref<4x64x128xf32, #tpu.memory_space<vmem>>[vector<16xi32>, vector<16xi32>, vector<16xi32>], vector<16xf32>,
      %mul3A_967 = arith.mulf %gather3A_965, %gather3A_966 : vector<16xf32>
      %add3A_968 = arith.constant 16 : i32
      %add3A_969 = vector.broadcast %add3A_968 : i32 to vector<16xi32>
      %add3A_970 = arith.addi %add3A_969, %iota3A : vector<16xi32>
      %gather3A_971 = tpu.vector_load_idx %arg9[%broadcast_in_dim3A_961, %add3A_970, %broadcast_in_dim3A_958] : memref<4x64x128xf32, #tpu.memory_space<vmem>>[vector<16xi32>, vector<16xi32>, vector<16xi32>], vector<16xf32>,
      %gather3A_972 = tpu.vector_load_idx %arg10[%broadcast_in_dim3A_961, %add3A_970, %broadcast_in_dim3A_959] : memref<4x64x128xf32, #tpu.memory_space<vmem>>[vector<16xi32>, vector<16xi32>, vector<16xi32>], vector<16xf32>,
      %mul3A_973 = arith.mulf %gather3A_971, %gather3A_972 : vector<16xf32>
      %add3A_974 = arith.addf %mul3A_967, %mul3A_973 : vector<16xf32>
      %add3A_975 = arith.constant 32 : i32
      %add3A_976 = vector.broadcast %add3A_975 : i32 to vector<16xi32>
      %add3A_977 = arith.addi %add3A_976, %iota3A : vector<16xi32>
      %gather3A_978 = tpu.vector_load_idx %arg9[%broadcast_in_dim3A_961, %add3A_977, %broadcast_in_dim3A_958] : memref<4x64x128xf32, #tpu.memory_space<vmem>>[vector<16xi32>, vector<16xi32>, vector<16xi32>], vector<16xf32>,
      %gather3A_979 = tpu.vector_load_idx %arg10[%broadcast_in_dim3A_961, %add3A_977, %broadcast_in_dim3A_959] : memref<4x64x128xf32, #tpu.memory_space<vmem>>[vector<16xi32>, vector<16xi32>, vector<16xi32>], vector<16xf32>,
      %mul3A_980 = arith.mulf %gather3A_978, %gather3A_979 : vector<16xf32>
      %add3A_981 = arith.addf %add3A_974, %mul3A_980 : vector<16xf32>
      %add3A_982 = arith.constant 48 : i32
      %add3A_983 = vector.broadcast %add3A_982 : i32 to vector<16xi32>
      %add3A_984 = arith.addi %add3A_983, %iota3A : vector<16xi32>
      %gather3A_985 = tpu.vector_load_idx %arg9[%broadcast_in_dim3A_961, %add3A_984, %broadcast_in_dim3A_958] : memref<4x64x128xf32, #tpu.memory_space<vmem>>[vector<16xi32>, vector<16xi32>, vector<16xi32>], vector<16xf32>,
      %gather3A_986 = tpu.vector_load_idx %arg10[%broadcast_in_dim3A_961, %add3A_984, %broadcast_in_dim3A_959] : memref<4x64x128xf32, #tpu.memory_space<vmem>>[vector<16xi32>, vector<16xi32>, vector<16xi32>], vector<16xf32>,
      %mul3A_987 = arith.mulf %gather3A_985, %gather3A_986 : vector<16xf32>
      %add3A_988 = arith.addf %add3A_981, %mul3A_987 : vector<16xf32>
      %reduce_sum3A_989 = arith.constant true
      %reduce_sum3A_990 = vector.broadcast %reduce_sum3A_989 : i1 to vector<16xi1>
      %reduce_sum3A_991 = tpu.scan <sum>, %add3A_988 masked %reduce_sum3A_990 : vector<16xf32>, vector<16xi1> -> vector<16xf32>
      %reduce_sum3A_992 = vector.extract %reduce_sum3A_991[15] : f32 from vector<16xf32>
      %eq3A_993 = arith.constant 6 : i32
      %eq3A_994 = vector.broadcast %eq3A_993 : i32 to vector<16xi32>
      %eq3A_995 = arith.cmpi eq, %iota3A, %eq3A_994 : vector<16xi32>
      %broadcast_in_dim3A_996 = vector.broadcast %reduce_sum3A_992 : f32 to vector<16xf32>
      %select_n3A_997 = arith.select %eq3A_995, %broadcast_in_dim3A_996, %select_n3A_873 : vector<16xi1>, vector<16xf32>
      %eq3A_998 = arith.cmpf oeq, %reduce_sum3A_992, %reduce_sum3A_992 : f32
      %jit3A_999 = arith.constant 0 : i32
      %jit3A_1000 = arith.constant 1 : i32
      %select_n3A_1001 = arith.select %eq3A_998, %jit3A_999, %jit3A_1000 : i32
      %slice3A_1002 = vector.extract_strided_slice %get3A_170 {offsets = [10], sizes = [1], strides = [1]} : vector<16xi32> to vector<1xi32>
      %squeeze3A_1003 = vector.extract %slice3A_1002[0] : i32 from vector<1xi32>
      %shift_right_arithmetic3A_1004 = arith.constant 7 : i32
      %shift_right_arithmetic3A_1005 = arith.shrsi %squeeze3A_1003, %shift_right_arithmetic3A_1004 : i32
      %add3A_1006 = arith.addi %shift_right_arithmetic3A_1005, %select_n3A_1001 : i32
      %mul3A_1007 = arith.constant 128 : i32
      %mul3A_1008 = arith.muli %add3A_1006, %mul3A_1007 : i32
      %multiple_of3A_1009 = tpu.assume_multiple %mul3A_1008, 128 : i32
      %dma_start3A_1010 = arith.constant 2 : i32
      %dma_start3A_1011 = arith.constant 0 : i32
      %dma_start3A_1012 = arith.constant 0 : i32
      %dma_start3A_1013 = tpu.memref_slice %arg9[%dma_start3A_1010, %dma_start3A_1011, %dma_start3A_1012] : memref<4x64x128xf32, #tpu.memory_space<vmem>> -> memref<1x64x128xf32, #tpu.memory_space<vmem>>
      %dma_start3A_1014 = tpu.memref_squeeze %dma_start3A_1013 : memref<1x64x128xf32, #tpu.memory_space<vmem>> -> memref<64x128xf32, #tpu.memory_space<vmem>>
      %dma_start3A_1015 = arith.constant 0 : i32
      %dma_start3A_1016 = tpu.memref_slice %arg4[%dma_start3A_1015, %multiple_of3A_1009] : memref<64x1000000xf32, #tpu.memory_space<hbm>> -> memref<64x128xf32, #tpu.memory_space<hbm>>
      %dma_start3A_1017 = arith.constant 0 : i32
      %dma_start3A_1018 = arith.constant 0 : i32
      %dma_start3A_1019 = tpu.memref_slice %arg9[%dma_start3A_1010, %dma_start3A_1017, %dma_start3A_1018] : memref<4x64x128xf32, #tpu.memory_space<vmem>> -> memref<1x64x128xf32, #tpu.memory_space<vmem>>
      %dma_start3A_1020 = tpu.memref_squeeze %dma_start3A_1019 : memref<1x64x128xf32, #tpu.memory_space<vmem>> -> memref<64x128xf32, #tpu.memory_space<vmem>>
      %dma_start3A_1021 = arith.constant 0 : i32
      %dma_start3A_1022 = tpu.memref_slice %arg4[%dma_start3A_1021, %multiple_of3A_1009] : memref<64x1000000xf32, #tpu.memory_space<hbm>> -> memref<64x128xf32, #tpu.memory_space<hbm>>
      tpu.enqueue_dma source(%dma_start3A_1022 : memref<64x128xf32, #tpu.memory_space<hbm>>) target(%dma_start3A_1020 : memref<64x128xf32, #tpu.memory_space<vmem>>) target_semaphore(%arg14 : memref<!tpu.dma_semaphore, #tpu.memory_space<semaphore_mem>>)
      %slice3A_1023 = vector.extract_strided_slice %get3A_172 {offsets = [10], sizes = [1], strides = [1]} : vector<16xi32> to vector<1xi32>
      %squeeze3A_1024 = vector.extract %slice3A_1023[0] : i32 from vector<1xi32>
      %shift_right_arithmetic3A_1025 = arith.constant 7 : i32
      %shift_right_arithmetic3A_1026 = arith.shrsi %squeeze3A_1024, %shift_right_arithmetic3A_1025 : i32
      %add3A_1027 = arith.addi %shift_right_arithmetic3A_1026, %select_n3A_1001 : i32
      %mul3A_1028 = arith.constant 128 : i32
      %mul3A_1029 = arith.muli %add3A_1027, %mul3A_1028 : i32
      %multiple_of3A_1030 = tpu.assume_multiple %mul3A_1029, 128 : i32
      %dma_start3A_1031 = arith.constant 2 : i32
      %dma_start3A_1032 = arith.constant 0 : i32
      %dma_start3A_1033 = arith.constant 0 : i32
      %dma_start3A_1034 = tpu.memref_slice %arg10[%dma_start3A_1031, %dma_start3A_1032, %dma_start3A_1033] : memref<4x64x128xf32, #tpu.memory_space<vmem>> -> memref<1x64x128xf32, #tpu.memory_space<vmem>>
      %dma_start3A_1035 = tpu.memref_squeeze %dma_start3A_1034 : memref<1x64x128xf32, #tpu.memory_space<vmem>> -> memref<64x128xf32, #tpu.memory_space<vmem>>
      %dma_start3A_1036 = arith.constant 0 : i32
      %dma_start3A_1037 = tpu.memref_slice %arg5[%dma_start3A_1036, %multiple_of3A_1030] : memref<64x1000000xf32, #tpu.memory_space<hbm>> -> memref<64x128xf32, #tpu.memory_space<hbm>>
      %dma_start3A_1038 = arith.constant 0 : i32
      %dma_start3A_1039 = arith.constant 0 : i32
      %dma_start3A_1040 = tpu.memref_slice %arg10[%dma_start3A_1031, %dma_start3A_1038, %dma_start3A_1039] : memref<4x64x128xf32, #tpu.memory_space<vmem>> -> memref<1x64x128xf32, #tpu.memory_space<vmem>>
      %dma_start3A_1041 = tpu.memref_squeeze %dma_start3A_1040 : memref<1x64x128xf32, #tpu.memory_space<vmem>> -> memref<64x128xf32, #tpu.memory_space<vmem>>
      %dma_start3A_1042 = arith.constant 0 : i32
      %dma_start3A_1043 = tpu.memref_slice %arg5[%dma_start3A_1042, %multiple_of3A_1030] : memref<64x1000000xf32, #tpu.memory_space<hbm>> -> memref<64x128xf32, #tpu.memory_space<hbm>>
      tpu.enqueue_dma source(%dma_start3A_1043 : memref<64x128xf32, #tpu.memory_space<hbm>>) target(%dma_start3A_1041 : memref<64x128xf32, #tpu.memory_space<vmem>>) target_semaphore(%arg18 : memref<!tpu.dma_semaphore, #tpu.memory_space<semaphore_mem>>)
      %dma_wait3A_1044 = arith.constant 3 : i32
      %dma_wait3A_1045 = arith.constant 0 : i32
      %dma_wait3A_1046 = arith.constant 0 : i32
      %dma_wait3A_1047 = tpu.memref_slice %arg9[%dma_wait3A_1044, %dma_wait3A_1045, %dma_wait3A_1046] : memref<4x64x128xf32, #tpu.memory_space<vmem>> -> memref<1x64x128xf32, #tpu.memory_space<vmem>>
      %dma_wait3A_1048 = tpu.memref_squeeze %dma_wait3A_1047 : memref<1x64x128xf32, #tpu.memory_space<vmem>> -> memref<64x128xf32, #tpu.memory_space<vmem>>
      %dma_wait3A_1049 = arith.constant 0 : i32
      %dma_wait3A_1050 = arith.constant 0 : i32
      %dma_wait3A_1051 = tpu.memref_slice %arg4[%dma_wait3A_1049, %dma_wait3A_1050] : memref<64x1000000xf32, #tpu.memory_space<hbm>> -> memref<64x128xf32, #tpu.memory_space<hbm>>
      %dma_wait3A_1052 = arith.constant 0 : i32
      %dma_wait3A_1053 = arith.constant 0 : i32
      %dma_wait3A_1054 = tpu.memref_slice %arg9[%dma_wait3A_1044, %dma_wait3A_1052, %dma_wait3A_1053] : memref<4x64x128xf32, #tpu.memory_space<vmem>> -> memref<1x64x128xf32, #tpu.memory_space<vmem>>
      %dma_wait3A_1055 = tpu.memref_squeeze %dma_wait3A_1054 : memref<1x64x128xf32, #tpu.memory_space<vmem>> -> memref<64x128xf32, #tpu.memory_space<vmem>>
      %dma_wait3A_1056 = arith.constant 0 : i32
      %dma_wait3A_1057 = arith.constant 0 : i32
      %dma_wait3A_1058 = tpu.memref_slice %arg4[%dma_wait3A_1056, %dma_wait3A_1057] : memref<64x1000000xf32, #tpu.memory_space<hbm>> -> memref<64x128xf32, #tpu.memory_space<hbm>>
      tpu.wait_dma2 semaphore(%arg15 : memref<!tpu.dma_semaphore, #tpu.memory_space<semaphore_mem>>) src(%dma_wait3A_1058 : memref<64x128xf32, #tpu.memory_space<hbm>>) dst(%dma_wait3A_1055 : memref<64x128xf32, #tpu.memory_space<vmem>>)
      %dma_wait3A_1059 = arith.constant 3 : i32
      %dma_wait3A_1060 = arith.constant 0 : i32
      %dma_wait3A_1061 = arith.constant 0 : i32
      %dma_wait3A_1062 = tpu.memref_slice %arg10[%dma_wait3A_1059, %dma_wait3A_1060, %dma_wait3A_1061] : memref<4x64x128xf32, #tpu.memory_space<vmem>> -> memref<1x64x128xf32, #tpu.memory_space<vmem>>
      %dma_wait3A_1063 = tpu.memref_squeeze %dma_wait3A_1062 : memref<1x64x128xf32, #tpu.memory_space<vmem>> -> memref<64x128xf32, #tpu.memory_space<vmem>>
      %dma_wait3A_1064 = arith.constant 0 : i32
      %dma_wait3A_1065 = arith.constant 0 : i32
      %dma_wait3A_1066 = tpu.memref_slice %arg5[%dma_wait3A_1064, %dma_wait3A_1065] : memref<64x1000000xf32, #tpu.memory_space<hbm>> -> memref<64x128xf32, #tpu.memory_space<hbm>>
      %dma_wait3A_1067 = arith.constant 0 : i32
      %dma_wait3A_1068 = arith.constant 0 : i32
      %dma_wait3A_1069 = tpu.memref_slice %arg10[%dma_wait3A_1059, %dma_wait3A_1067, %dma_wait3A_1068] : memref<4x64x128xf32, #tpu.memory_space<vmem>> -> memref<1x64x128xf32, #tpu.memory_space<vmem>>
      %dma_wait3A_1070 = tpu.memref_squeeze %dma_wait3A_1069 : memref<1x64x128xf32, #tpu.memory_space<vmem>> -> memref<64x128xf32, #tpu.memory_space<vmem>>
      %dma_wait3A_1071 = arith.constant 0 : i32
      %dma_wait3A_1072 = arith.constant 0 : i32
      %dma_wait3A_1073 = tpu.memref_slice %arg5[%dma_wait3A_1071, %dma_wait3A_1072] : memref<64x1000000xf32, #tpu.memory_space<hbm>> -> memref<64x128xf32, #tpu.memory_space<hbm>>
      tpu.wait_dma2 semaphore(%arg19 : memref<!tpu.dma_semaphore, #tpu.memory_space<semaphore_mem>>) src(%dma_wait3A_1073 : memref<64x128xf32, #tpu.memory_space<hbm>>) dst(%dma_wait3A_1070 : memref<64x128xf32, #tpu.memory_space<vmem>>)
      %slice3A_1074 = vector.extract_strided_slice %get3A_170 {offsets = [7], sizes = [1], strides = [1]} : vector<16xi32> to vector<1xi32>
      %squeeze3A_1075 = vector.extract %slice3A_1074[0] : i32 from vector<1xi32>
      %and3A_1076 = arith.constant 127 : i32
      %and3A_1077 = arith.andi %squeeze3A_1075, %and3A_1076 : i32
      %slice3A_1078 = vector.extract_strided_slice %get3A_172 {offsets = [7], sizes = [1], strides = [1]} : vector<16xi32> to vector<1xi32>
      %squeeze3A_1079 = vector.extract %slice3A_1078[0] : i32 from vector<1xi32>
      %and3A_1080 = arith.constant 127 : i32
      %and3A_1081 = arith.andi %squeeze3A_1079, %and3A_1080 : i32
      %broadcast_in_dim3A_1082 = vector.broadcast %and3A_1077 : i32 to vector<16xi32>
      %broadcast_in_dim3A_1083 = vector.broadcast %and3A_1081 : i32 to vector<16xi32>
      %broadcast_in_dim3A_1084 = arith.constant 3 : i32
      %broadcast_in_dim3A_1085 = vector.broadcast %broadcast_in_dim3A_1084 : i32 to vector<16xi32>
      %add3A_1086 = arith.constant 0 : i32
      %add3A_1087 = vector.broadcast %add3A_1086 : i32 to vector<16xi32>
      %add3A_1088 = arith.addi %add3A_1087, %iota3A : vector<16xi32>
      %gather3A_1089 = tpu.vector_load_idx %arg9[%broadcast_in_dim3A_1085, %add3A_1088, %broadcast_in_dim3A_1082] : memref<4x64x128xf32, #tpu.memory_space<vmem>>[vector<16xi32>, vector<16xi32>, vector<16xi32>], vector<16xf32>,
      %gather3A_1090 = tpu.vector_load_idx %arg10[%broadcast_in_dim3A_1085, %add3A_1088, %broadcast_in_dim3A_1083] : memref<4x64x128xf32, #tpu.memory_space<vmem>>[vector<16xi32>, vector<16xi32>, vector<16xi32>], vector<16xf32>,
      %mul3A_1091 = arith.mulf %gather3A_1089, %gather3A_1090 : vector<16xf32>
      %add3A_1092 = arith.constant 16 : i32
      %add3A_1093 = vector.broadcast %add3A_1092 : i32 to vector<16xi32>
      %add3A_1094 = arith.addi %add3A_1093, %iota3A : vector<16xi32>
      %gather3A_1095 = tpu.vector_load_idx %arg9[%broadcast_in_dim3A_1085, %add3A_1094, %broadcast_in_dim3A_1082] : memref<4x64x128xf32, #tpu.memory_space<vmem>>[vector<16xi32>, vector<16xi32>, vector<16xi32>], vector<16xf32>,
      %gather3A_1096 = tpu.vector_load_idx %arg10[%broadcast_in_dim3A_1085, %add3A_1094, %broadcast_in_dim3A_1083] : memref<4x64x128xf32, #tpu.memory_space<vmem>>[vector<16xi32>, vector<16xi32>, vector<16xi32>], vector<16xf32>,
      %mul3A_1097 = arith.mulf %gather3A_1095, %gather3A_1096 : vector<16xf32>
      %add3A_1098 = arith.addf %mul3A_1091, %mul3A_1097 : vector<16xf32>
      %add3A_1099 = arith.constant 32 : i32
      %add3A_1100 = vector.broadcast %add3A_1099 : i32 to vector<16xi32>
      %add3A_1101 = arith.addi %add3A_1100, %iota3A : vector<16xi32>
      %gather3A_1102 = tpu.vector_load_idx %arg9[%broadcast_in_dim3A_1085, %add3A_1101, %broadcast_in_dim3A_1082] : memref<4x64x128xf32, #tpu.memory_space<vmem>>[vector<16xi32>, vector<16xi32>, vector<16xi32>], vector<16xf32>,
      %gather3A_1103 = tpu.vector_load_idx %arg10[%broadcast_in_dim3A_1085, %add3A_1101, %broadcast_in_dim3A_1083] : memref<4x64x128xf32, #tpu.memory_space<vmem>>[vector<16xi32>, vector<16xi32>, vector<16xi32>], vector<16xf32>,
      %mul3A_1104 = arith.mulf %gather3A_1102, %gather3A_1103 : vector<16xf32>
      %add3A_1105 = arith.addf %add3A_1098, %mul3A_1104 : vector<16xf32>
      %add3A_1106 = arith.constant 48 : i32
      %add3A_1107 = vector.broadcast %add3A_1106 : i32 to vector<16xi32>
      %add3A_1108 = arith.addi %add3A_1107, %iota3A : vector<16xi32>
      %gather3A_1109 = tpu.vector_load_idx %arg9[%broadcast_in_dim3A_1085, %add3A_1108, %broadcast_in_dim3A_1082] : memref<4x64x128xf32, #tpu.memory_space<vmem>>[vector<16xi32>, vector<16xi32>, vector<16xi32>], vector<16xf32>,
      %gather3A_1110 = tpu.vector_load_idx %arg10[%broadcast_in_dim3A_1085, %add3A_1108, %broadcast_in_dim3A_1083] : memref<4x64x128xf32, #tpu.memory_space<vmem>>[vector<16xi32>, vector<16xi32>, vector<16xi32>], vector<16xf32>,
      %mul3A_1111 = arith.mulf %gather3A_1109, %gather3A_1110 : vector<16xf32>
      %add3A_1112 = arith.addf %add3A_1105, %mul3A_1111 : vector<16xf32>
      %reduce_sum3A_1113 = arith.constant true
      %reduce_sum3A_1114 = vector.broadcast %reduce_sum3A_1113 : i1 to vector<16xi1>
      %reduce_sum3A_1115 = tpu.scan <sum>, %add3A_1112 masked %reduce_sum3A_1114 : vector<16xf32>, vector<16xi1> -> vector<16xf32>
      %reduce_sum3A_1116 = vector.extract %reduce_sum3A_1115[15] : f32 from vector<16xf32>
      %eq3A_1117 = arith.constant 7 : i32
      %eq3A_1118 = vector.broadcast %eq3A_1117 : i32 to vector<16xi32>
      %eq3A_1119 = arith.cmpi eq, %iota3A, %eq3A_1118 : vector<16xi32>
      %broadcast_in_dim3A_1120 = vector.broadcast %reduce_sum3A_1116 : f32 to vector<16xf32>
      %select_n3A_1121 = arith.select %eq3A_1119, %broadcast_in_dim3A_1120, %select_n3A_997 : vector<16xi1>, vector<16xf32>
      %eq3A_1122 = arith.cmpf oeq, %reduce_sum3A_1116, %reduce_sum3A_1116 : f32
      %jit3A_1123 = arith.constant 0 : i32
      %jit3A_1124 = arith.constant 1 : i32
      %select_n3A_1125 = arith.select %eq3A_1122, %jit3A_1123, %jit3A_1124 : i32
      %slice3A_1126 = vector.extract_strided_slice %get3A_170 {offsets = [11], sizes = [1], strides = [1]} : vector<16xi32> to vector<1xi32>
      %squeeze3A_1127 = vector.extract %slice3A_1126[0] : i32 from vector<1xi32>
      %shift_right_arithmetic3A_1128 = arith.constant 7 : i32
      %shift_right_arithmetic3A_1129 = arith.shrsi %squeeze3A_1127, %shift_right_arithmetic3A_1128 : i32
      %add3A_1130 = arith.addi %shift_right_arithmetic3A_1129, %select_n3A_1125 : i32
      %mul3A_1131 = arith.constant 128 : i32
      %mul3A_1132 = arith.muli %add3A_1130, %mul3A_1131 : i32
      %multiple_of3A_1133 = tpu.assume_multiple %mul3A_1132, 128 : i32
      %dma_start3A_1134 = arith.constant 3 : i32
      %dma_start3A_1135 = arith.constant 0 : i32
      %dma_start3A_1136 = arith.constant 0 : i32
      %dma_start3A_1137 = tpu.memref_slice %arg9[%dma_start3A_1134, %dma_start3A_1135, %dma_start3A_1136] : memref<4x64x128xf32, #tpu.memory_space<vmem>> -> memref<1x64x128xf32, #tpu.memory_space<vmem>>
      %dma_start3A_1138 = tpu.memref_squeeze %dma_start3A_1137 : memref<1x64x128xf32, #tpu.memory_space<vmem>> -> memref<64x128xf32, #tpu.memory_space<vmem>>
      %dma_start3A_1139 = arith.constant 0 : i32
      %dma_start3A_1140 = tpu.memref_slice %arg4[%dma_start3A_1139, %multiple_of3A_1133] : memref<64x1000000xf32, #tpu.memory_space<hbm>> -> memref<64x128xf32, #tpu.memory_space<hbm>>
      %dma_start3A_1141 = arith.constant 0 : i32
      %dma_start3A_1142 = arith.constant 0 : i32
      %dma_start3A_1143 = tpu.memref_slice %arg9[%dma_start3A_1134, %dma_start3A_1141, %dma_start3A_1142] : memref<4x64x128xf32, #tpu.memory_space<vmem>> -> memref<1x64x128xf32, #tpu.memory_space<vmem>>
      %dma_start3A_1144 = tpu.memref_squeeze %dma_start3A_1143 : memref<1x64x128xf32, #tpu.memory_space<vmem>> -> memref<64x128xf32, #tpu.memory_space<vmem>>
      %dma_start3A_1145 = arith.constant 0 : i32
      %dma_start3A_1146 = tpu.memref_slice %arg4[%dma_start3A_1145, %multiple_of3A_1133] : memref<64x1000000xf32, #tpu.memory_space<hbm>> -> memref<64x128xf32, #tpu.memory_space<hbm>>
      tpu.enqueue_dma source(%dma_start3A_1146 : memref<64x128xf32, #tpu.memory_space<hbm>>) target(%dma_start3A_1144 : memref<64x128xf32, #tpu.memory_space<vmem>>) target_semaphore(%arg15 : memref<!tpu.dma_semaphore, #tpu.memory_space<semaphore_mem>>)
      %slice3A_1147 = vector.extract_strided_slice %get3A_172 {offsets = [11], sizes = [1], strides = [1]} : vector<16xi32> to vector<1xi32>
      %squeeze3A_1148 = vector.extract %slice3A_1147[0] : i32 from vector<1xi32>
      %shift_right_arithmetic3A_1149 = arith.constant 7 : i32
      %shift_right_arithmetic3A_1150 = arith.shrsi %squeeze3A_1148, %shift_right_arithmetic3A_1149 : i32
      %add3A_1151 = arith.addi %shift_right_arithmetic3A_1150, %select_n3A_1125 : i32
      %mul3A_1152 = arith.constant 128 : i32
      %mul3A_1153 = arith.muli %add3A_1151, %mul3A_1152 : i32
      %multiple_of3A_1154 = tpu.assume_multiple %mul3A_1153, 128 : i32
      %dma_start3A_1155 = arith.constant 3 : i32
      %dma_start3A_1156 = arith.constant 0 : i32
      %dma_start3A_1157 = arith.constant 0 : i32
      %dma_start3A_1158 = tpu.memref_slice %arg10[%dma_start3A_1155, %dma_start3A_1156, %dma_start3A_1157] : memref<4x64x128xf32, #tpu.memory_space<vmem>> -> memref<1x64x128xf32, #tpu.memory_space<vmem>>
      %dma_start3A_1159 = tpu.memref_squeeze %dma_start3A_1158 : memref<1x64x128xf32, #tpu.memory_space<vmem>> -> memref<64x128xf32, #tpu.memory_space<vmem>>
      %dma_start3A_1160 = arith.constant 0 : i32
      %dma_start3A_1161 = tpu.memref_slice %arg5[%dma_start3A_1160, %multiple_of3A_1154] : memref<64x1000000xf32, #tpu.memory_space<hbm>> -> memref<64x128xf32, #tpu.memory_space<hbm>>
      %dma_start3A_1162 = arith.constant 0 : i32
      %dma_start3A_1163 = arith.constant 0 : i32
      %dma_start3A_1164 = tpu.memref_slice %arg10[%dma_start3A_1155, %dma_start3A_1162, %dma_start3A_1163] : memref<4x64x128xf32, #tpu.memory_space<vmem>> -> memref<1x64x128xf32, #tpu.memory_space<vmem>>
      %dma_start3A_1165 = tpu.memref_squeeze %dma_start3A_1164 : memref<1x64x128xf32, #tpu.memory_space<vmem>> -> memref<64x128xf32, #tpu.memory_space<vmem>>
      %dma_start3A_1166 = arith.constant 0 : i32
      %dma_start3A_1167 = tpu.memref_slice %arg5[%dma_start3A_1166, %multiple_of3A_1154] : memref<64x1000000xf32, #tpu.memory_space<hbm>> -> memref<64x128xf32, #tpu.memory_space<hbm>>
      tpu.enqueue_dma source(%dma_start3A_1167 : memref<64x128xf32, #tpu.memory_space<hbm>>) target(%dma_start3A_1165 : memref<64x128xf32, #tpu.memory_space<vmem>>) target_semaphore(%arg19 : memref<!tpu.dma_semaphore, #tpu.memory_space<semaphore_mem>>)
      %dma_wait3A_1168 = arith.constant 0 : i32
      %dma_wait3A_1169 = arith.constant 0 : i32
      %dma_wait3A_1170 = arith.constant 0 : i32
      %dma_wait3A_1171 = tpu.memref_slice %arg9[%dma_wait3A_1168, %dma_wait3A_1169, %dma_wait3A_1170] : memref<4x64x128xf32, #tpu.memory_space<vmem>> -> memref<1x64x128xf32, #tpu.memory_space<vmem>>
      %dma_wait3A_1172 = tpu.memref_squeeze %dma_wait3A_1171 : memref<1x64x128xf32, #tpu.memory_space<vmem>> -> memref<64x128xf32, #tpu.memory_space<vmem>>
      %dma_wait3A_1173 = arith.constant 0 : i32
      %dma_wait3A_1174 = arith.constant 0 : i32
      %dma_wait3A_1175 = tpu.memref_slice %arg4[%dma_wait3A_1173, %dma_wait3A_1174] : memref<64x1000000xf32, #tpu.memory_space<hbm>> -> memref<64x128xf32, #tpu.memory_space<hbm>>
      %dma_wait3A_1176 = arith.constant 0 : i32
      %dma_wait3A_1177 = arith.constant 0 : i32
      %dma_wait3A_1178 = tpu.memref_slice %arg9[%dma_wait3A_1168, %dma_wait3A_1176, %dma_wait3A_1177] : memref<4x64x128xf32, #tpu.memory_space<vmem>> -> memref<1x64x128xf32, #tpu.memory_space<vmem>>
      %dma_wait3A_1179 = tpu.memref_squeeze %dma_wait3A_1178 : memref<1x64x128xf32, #tpu.memory_space<vmem>> -> memref<64x128xf32, #tpu.memory_space<vmem>>
      %dma_wait3A_1180 = arith.constant 0 : i32
      %dma_wait3A_1181 = arith.constant 0 : i32
      %dma_wait3A_1182 = tpu.memref_slice %arg4[%dma_wait3A_1180, %dma_wait3A_1181] : memref<64x1000000xf32, #tpu.memory_space<hbm>> -> memref<64x128xf32, #tpu.memory_space<hbm>>
      tpu.wait_dma2 semaphore(%arg12 : memref<!tpu.dma_semaphore, #tpu.memory_space<semaphore_mem>>) src(%dma_wait3A_1182 : memref<64x128xf32, #tpu.memory_space<hbm>>) dst(%dma_wait3A_1179 : memref<64x128xf32, #tpu.memory_space<vmem>>)
      %dma_wait3A_1183 = arith.constant 0 : i32
      %dma_wait3A_1184 = arith.constant 0 : i32
      %dma_wait3A_1185 = arith.constant 0 : i32
      %dma_wait3A_1186 = tpu.memref_slice %arg10[%dma_wait3A_1183, %dma_wait3A_1184, %dma_wait3A_1185] : memref<4x64x128xf32, #tpu.memory_space<vmem>> -> memref<1x64x128xf32, #tpu.memory_space<vmem>>
      %dma_wait3A_1187 = tpu.memref_squeeze %dma_wait3A_1186 : memref<1x64x128xf32, #tpu.memory_space<vmem>> -> memref<64x128xf32, #tpu.memory_space<vmem>>
      %dma_wait3A_1188 = arith.constant 0 : i32
      %dma_wait3A_1189 = arith.constant 0 : i32
      %dma_wait3A_1190 = tpu.memref_slice %arg5[%dma_wait3A_1188, %dma_wait3A_1189] : memref<64x1000000xf32, #tpu.memory_space<hbm>> -> memref<64x128xf32, #tpu.memory_space<hbm>>
      %dma_wait3A_1191 = arith.constant 0 : i32
      %dma_wait3A_1192 = arith.constant 0 : i32
      %dma_wait3A_1193 = tpu.memref_slice %arg10[%dma_wait3A_1183, %dma_wait3A_1191, %dma_wait3A_1192] : memref<4x64x128xf32, #tpu.memory_space<vmem>> -> memref<1x64x128xf32, #tpu.memory_space<vmem>>
      %dma_wait3A_1194 = tpu.memref_squeeze %dma_wait3A_1193 : memref<1x64x128xf32, #tpu.memory_space<vmem>> -> memref<64x128xf32, #tpu.memory_space<vmem>>
      %dma_wait3A_1195 = arith.constant 0 : i32
      %dma_wait3A_1196 = arith.constant 0 : i32
      %dma_wait3A_1197 = tpu.memref_slice %arg5[%dma_wait3A_1195, %dma_wait3A_1196] : memref<64x1000000xf32, #tpu.memory_space<hbm>> -> memref<64x128xf32, #tpu.memory_space<hbm>>
      tpu.wait_dma2 semaphore(%arg16 : memref<!tpu.dma_semaphore, #tpu.memory_space<semaphore_mem>>) src(%dma_wait3A_1197 : memref<64x128xf32, #tpu.memory_space<hbm>>) dst(%dma_wait3A_1194 : memref<64x128xf32, #tpu.memory_space<vmem>>)
      %slice3A_1198 = vector.extract_strided_slice %get3A_170 {offsets = [8], sizes = [1], strides = [1]} : vector<16xi32> to vector<1xi32>
      %squeeze3A_1199 = vector.extract %slice3A_1198[0] : i32 from vector<1xi32>
      %and3A_1200 = arith.constant 127 : i32
      %and3A_1201 = arith.andi %squeeze3A_1199, %and3A_1200 : i32
      %slice3A_1202 = vector.extract_strided_slice %get3A_172 {offsets = [8], sizes = [1], strides = [1]} : vector<16xi32> to vector<1xi32>
      %squeeze3A_1203 = vector.extract %slice3A_1202[0] : i32 from vector<1xi32>
      %and3A_1204 = arith.constant 127 : i32
      %and3A_1205 = arith.andi %squeeze3A_1203, %and3A_1204 : i32
      %broadcast_in_dim3A_1206 = vector.broadcast %and3A_1201 : i32 to vector<16xi32>
      %broadcast_in_dim3A_1207 = vector.broadcast %and3A_1205 : i32 to vector<16xi32>
      %broadcast_in_dim3A_1208 = arith.constant 0 : i32
      %broadcast_in_dim3A_1209 = vector.broadcast %broadcast_in_dim3A_1208 : i32 to vector<16xi32>
      %add3A_1210 = arith.constant 0 : i32
      %add3A_1211 = vector.broadcast %add3A_1210 : i32 to vector<16xi32>
      %add3A_1212 = arith.addi %add3A_1211, %iota3A : vector<16xi32>
      %gather3A_1213 = tpu.vector_load_idx %arg9[%broadcast_in_dim3A_1209, %add3A_1212, %broadcast_in_dim3A_1206] : memref<4x64x128xf32, #tpu.memory_space<vmem>>[vector<16xi32>, vector<16xi32>, vector<16xi32>], vector<16xf32>,
      %gather3A_1214 = tpu.vector_load_idx %arg10[%broadcast_in_dim3A_1209, %add3A_1212, %broadcast_in_dim3A_1207] : memref<4x64x128xf32, #tpu.memory_space<vmem>>[vector<16xi32>, vector<16xi32>, vector<16xi32>], vector<16xf32>,
      %mul3A_1215 = arith.mulf %gather3A_1213, %gather3A_1214 : vector<16xf32>
      %add3A_1216 = arith.constant 16 : i32
      %add3A_1217 = vector.broadcast %add3A_1216 : i32 to vector<16xi32>
      %add3A_1218 = arith.addi %add3A_1217, %iota3A : vector<16xi32>
      %gather3A_1219 = tpu.vector_load_idx %arg9[%broadcast_in_dim3A_1209, %add3A_1218, %broadcast_in_dim3A_1206] : memref<4x64x128xf32, #tpu.memory_space<vmem>>[vector<16xi32>, vector<16xi32>, vector<16xi32>], vector<16xf32>,
      %gather3A_1220 = tpu.vector_load_idx %arg10[%broadcast_in_dim3A_1209, %add3A_1218, %broadcast_in_dim3A_1207] : memref<4x64x128xf32, #tpu.memory_space<vmem>>[vector<16xi32>, vector<16xi32>, vector<16xi32>], vector<16xf32>,
      %mul3A_1221 = arith.mulf %gather3A_1219, %gather3A_1220 : vector<16xf32>
      %add3A_1222 = arith.addf %mul3A_1215, %mul3A_1221 : vector<16xf32>
      %add3A_1223 = arith.constant 32 : i32
      %add3A_1224 = vector.broadcast %add3A_1223 : i32 to vector<16xi32>
      %add3A_1225 = arith.addi %add3A_1224, %iota3A : vector<16xi32>
      %gather3A_1226 = tpu.vector_load_idx %arg9[%broadcast_in_dim3A_1209, %add3A_1225, %broadcast_in_dim3A_1206] : memref<4x64x128xf32, #tpu.memory_space<vmem>>[vector<16xi32>, vector<16xi32>, vector<16xi32>], vector<16xf32>,
      %gather3A_1227 = tpu.vector_load_idx %arg10[%broadcast_in_dim3A_1209, %add3A_1225, %broadcast_in_dim3A_1207] : memref<4x64x128xf32, #tpu.memory_space<vmem>>[vector<16xi32>, vector<16xi32>, vector<16xi32>], vector<16xf32>,
      %mul3A_1228 = arith.mulf %gather3A_1226, %gather3A_1227 : vector<16xf32>
      %add3A_1229 = arith.addf %add3A_1222, %mul3A_1228 : vector<16xf32>
      %add3A_1230 = arith.constant 48 : i32
      %add3A_1231 = vector.broadcast %add3A_1230 : i32 to vector<16xi32>
      %add3A_1232 = arith.addi %add3A_1231, %iota3A : vector<16xi32>
      %gather3A_1233 = tpu.vector_load_idx %arg9[%broadcast_in_dim3A_1209, %add3A_1232, %broadcast_in_dim3A_1206] : memref<4x64x128xf32, #tpu.memory_space<vmem>>[vector<16xi32>, vector<16xi32>, vector<16xi32>], vector<16xf32>,
      %gather3A_1234 = tpu.vector_load_idx %arg10[%broadcast_in_dim3A_1209, %add3A_1232, %broadcast_in_dim3A_1207] : memref<4x64x128xf32, #tpu.memory_space<vmem>>[vector<16xi32>, vector<16xi32>, vector<16xi32>], vector<16xf32>,
      %mul3A_1235 = arith.mulf %gather3A_1233, %gather3A_1234 : vector<16xf32>
      %add3A_1236 = arith.addf %add3A_1229, %mul3A_1235 : vector<16xf32>
      %reduce_sum3A_1237 = arith.constant true
      %reduce_sum3A_1238 = vector.broadcast %reduce_sum3A_1237 : i1 to vector<16xi1>
      %reduce_sum3A_1239 = tpu.scan <sum>, %add3A_1236 masked %reduce_sum3A_1238 : vector<16xf32>, vector<16xi1> -> vector<16xf32>
      %reduce_sum3A_1240 = vector.extract %reduce_sum3A_1239[15] : f32 from vector<16xf32>
      %eq3A_1241 = arith.constant 8 : i32
      %eq3A_1242 = vector.broadcast %eq3A_1241 : i32 to vector<16xi32>
      %eq3A_1243 = arith.cmpi eq, %iota3A, %eq3A_1242 : vector<16xi32>
      %broadcast_in_dim3A_1244 = vector.broadcast %reduce_sum3A_1240 : f32 to vector<16xf32>
      %select_n3A_1245 = arith.select %eq3A_1243, %broadcast_in_dim3A_1244, %select_n3A_1121 : vector<16xi1>, vector<16xf32>
      %eq3A_1246 = arith.cmpf oeq, %reduce_sum3A_1240, %reduce_sum3A_1240 : f32
      %jit3A_1247 = arith.constant 0 : i32
      %jit3A_1248 = arith.constant 1 : i32
      %select_n3A_1249 = arith.select %eq3A_1246, %jit3A_1247, %jit3A_1248 : i32
      %slice3A_1250 = vector.extract_strided_slice %get3A_170 {offsets = [12], sizes = [1], strides = [1]} : vector<16xi32> to vector<1xi32>
      %squeeze3A_1251 = vector.extract %slice3A_1250[0] : i32 from vector<1xi32>
      %shift_right_arithmetic3A_1252 = arith.constant 7 : i32
      %shift_right_arithmetic3A_1253 = arith.shrsi %squeeze3A_1251, %shift_right_arithmetic3A_1252 : i32
      %add3A_1254 = arith.addi %shift_right_arithmetic3A_1253, %select_n3A_1249 : i32
      %mul3A_1255 = arith.constant 128 : i32
      %mul3A_1256 = arith.muli %add3A_1254, %mul3A_1255 : i32
      %multiple_of3A_1257 = tpu.assume_multiple %mul3A_1256, 128 : i32
      %dma_start3A_1258 = arith.constant 0 : i32
      %dma_start3A_1259 = arith.constant 0 : i32
      %dma_start3A_1260 = arith.constant 0 : i32
      %dma_start3A_1261 = tpu.memref_slice %arg9[%dma_start3A_1258, %dma_start3A_1259, %dma_start3A_1260] : memref<4x64x128xf32, #tpu.memory_space<vmem>> -> memref<1x64x128xf32, #tpu.memory_space<vmem>>
      %dma_start3A_1262 = tpu.memref_squeeze %dma_start3A_1261 : memref<1x64x128xf32, #tpu.memory_space<vmem>> -> memref<64x128xf32, #tpu.memory_space<vmem>>
      %dma_start3A_1263 = arith.constant 0 : i32
      %dma_start3A_1264 = tpu.memref_slice %arg4[%dma_start3A_1263, %multiple_of3A_1257] : memref<64x1000000xf32, #tpu.memory_space<hbm>> -> memref<64x128xf32, #tpu.memory_space<hbm>>
      %dma_start3A_1265 = arith.constant 0 : i32
      %dma_start3A_1266 = arith.constant 0 : i32
      %dma_start3A_1267 = tpu.memref_slice %arg9[%dma_start3A_1258, %dma_start3A_1265, %dma_start3A_1266] : memref<4x64x128xf32, #tpu.memory_space<vmem>> -> memref<1x64x128xf32, #tpu.memory_space<vmem>>
      %dma_start3A_1268 = tpu.memref_squeeze %dma_start3A_1267 : memref<1x64x128xf32, #tpu.memory_space<vmem>> -> memref<64x128xf32, #tpu.memory_space<vmem>>
      %dma_start3A_1269 = arith.constant 0 : i32
      %dma_start3A_1270 = tpu.memref_slice %arg4[%dma_start3A_1269, %multiple_of3A_1257] : memref<64x1000000xf32, #tpu.memory_space<hbm>> -> memref<64x128xf32, #tpu.memory_space<hbm>>
      tpu.enqueue_dma source(%dma_start3A_1270 : memref<64x128xf32, #tpu.memory_space<hbm>>) target(%dma_start3A_1268 : memref<64x128xf32, #tpu.memory_space<vmem>>) target_semaphore(%arg12 : memref<!tpu.dma_semaphore, #tpu.memory_space<semaphore_mem>>)
      %slice3A_1271 = vector.extract_strided_slice %get3A_172 {offsets = [12], sizes = [1], strides = [1]} : vector<16xi32> to vector<1xi32>
      %squeeze3A_1272 = vector.extract %slice3A_1271[0] : i32 from vector<1xi32>
      %shift_right_arithmetic3A_1273 = arith.constant 7 : i32
      %shift_right_arithmetic3A_1274 = arith.shrsi %squeeze3A_1272, %shift_right_arithmetic3A_1273 : i32
      %add3A_1275 = arith.addi %shift_right_arithmetic3A_1274, %select_n3A_1249 : i32
      %mul3A_1276 = arith.constant 128 : i32
      %mul3A_1277 = arith.muli %add3A_1275, %mul3A_1276 : i32
      %multiple_of3A_1278 = tpu.assume_multiple %mul3A_1277, 128 : i32
      %dma_start3A_1279 = arith.constant 0 : i32
      %dma_start3A_1280 = arith.constant 0 : i32
      %dma_start3A_1281 = arith.constant 0 : i32
      %dma_start3A_1282 = tpu.memref_slice %arg10[%dma_start3A_1279, %dma_start3A_1280, %dma_start3A_1281] : memref<4x64x128xf32, #tpu.memory_space<vmem>> -> memref<1x64x128xf32, #tpu.memory_space<vmem>>
      %dma_start3A_1283 = tpu.memref_squeeze %dma_start3A_1282 : memref<1x64x128xf32, #tpu.memory_space<vmem>> -> memref<64x128xf32, #tpu.memory_space<vmem>>
      %dma_start3A_1284 = arith.constant 0 : i32
      %dma_start3A_1285 = tpu.memref_slice %arg5[%dma_start3A_1284, %multiple_of3A_1278] : memref<64x1000000xf32, #tpu.memory_space<hbm>> -> memref<64x128xf32, #tpu.memory_space<hbm>>
      %dma_start3A_1286 = arith.constant 0 : i32
      %dma_start3A_1287 = arith.constant 0 : i32
      %dma_start3A_1288 = tpu.memref_slice %arg10[%dma_start3A_1279, %dma_start3A_1286, %dma_start3A_1287] : memref<4x64x128xf32, #tpu.memory_space<vmem>> -> memref<1x64x128xf32, #tpu.memory_space<vmem>>
      %dma_start3A_1289 = tpu.memref_squeeze %dma_start3A_1288 : memref<1x64x128xf32, #tpu.memory_space<vmem>> -> memref<64x128xf32, #tpu.memory_space<vmem>>
      %dma_start3A_1290 = arith.constant 0 : i32
      %dma_start3A_1291 = tpu.memref_slice %arg5[%dma_start3A_1290, %multiple_of3A_1278] : memref<64x1000000xf32, #tpu.memory_space<hbm>> -> memref<64x128xf32, #tpu.memory_space<hbm>>
      tpu.enqueue_dma source(%dma_start3A_1291 : memref<64x128xf32, #tpu.memory_space<hbm>>) target(%dma_start3A_1289 : memref<64x128xf32, #tpu.memory_space<vmem>>) target_semaphore(%arg16 : memref<!tpu.dma_semaphore, #tpu.memory_space<semaphore_mem>>)
      %dma_wait3A_1292 = arith.constant 1 : i32
      %dma_wait3A_1293 = arith.constant 0 : i32
      %dma_wait3A_1294 = arith.constant 0 : i32
      %dma_wait3A_1295 = tpu.memref_slice %arg9[%dma_wait3A_1292, %dma_wait3A_1293, %dma_wait3A_1294] : memref<4x64x128xf32, #tpu.memory_space<vmem>> -> memref<1x64x128xf32, #tpu.memory_space<vmem>>
      %dma_wait3A_1296 = tpu.memref_squeeze %dma_wait3A_1295 : memref<1x64x128xf32, #tpu.memory_space<vmem>> -> memref<64x128xf32, #tpu.memory_space<vmem>>
      %dma_wait3A_1297 = arith.constant 0 : i32
      %dma_wait3A_1298 = arith.constant 0 : i32
      %dma_wait3A_1299 = tpu.memref_slice %arg4[%dma_wait3A_1297, %dma_wait3A_1298] : memref<64x1000000xf32, #tpu.memory_space<hbm>> -> memref<64x128xf32, #tpu.memory_space<hbm>>
      %dma_wait3A_1300 = arith.constant 0 : i32
      %dma_wait3A_1301 = arith.constant 0 : i32
      %dma_wait3A_1302 = tpu.memref_slice %arg9[%dma_wait3A_1292, %dma_wait3A_1300, %dma_wait3A_1301] : memref<4x64x128xf32, #tpu.memory_space<vmem>> -> memref<1x64x128xf32, #tpu.memory_space<vmem>>
      %dma_wait3A_1303 = tpu.memref_squeeze %dma_wait3A_1302 : memref<1x64x128xf32, #tpu.memory_space<vmem>> -> memref<64x128xf32, #tpu.memory_space<vmem>>
      %dma_wait3A_1304 = arith.constant 0 : i32
      %dma_wait3A_1305 = arith.constant 0 : i32
      %dma_wait3A_1306 = tpu.memref_slice %arg4[%dma_wait3A_1304, %dma_wait3A_1305] : memref<64x1000000xf32, #tpu.memory_space<hbm>> -> memref<64x128xf32, #tpu.memory_space<hbm>>
      tpu.wait_dma2 semaphore(%arg13 : memref<!tpu.dma_semaphore, #tpu.memory_space<semaphore_mem>>) src(%dma_wait3A_1306 : memref<64x128xf32, #tpu.memory_space<hbm>>) dst(%dma_wait3A_1303 : memref<64x128xf32, #tpu.memory_space<vmem>>)
      %dma_wait3A_1307 = arith.constant 1 : i32
      %dma_wait3A_1308 = arith.constant 0 : i32
      %dma_wait3A_1309 = arith.constant 0 : i32
      %dma_wait3A_1310 = tpu.memref_slice %arg10[%dma_wait3A_1307, %dma_wait3A_1308, %dma_wait3A_1309] : memref<4x64x128xf32, #tpu.memory_space<vmem>> -> memref<1x64x128xf32, #tpu.memory_space<vmem>>
      %dma_wait3A_1311 = tpu.memref_squeeze %dma_wait3A_1310 : memref<1x64x128xf32, #tpu.memory_space<vmem>> -> memref<64x128xf32, #tpu.memory_space<vmem>>
      %dma_wait3A_1312 = arith.constant 0 : i32
      %dma_wait3A_1313 = arith.constant 0 : i32
      %dma_wait3A_1314 = tpu.memref_slice %arg5[%dma_wait3A_1312, %dma_wait3A_1313] : memref<64x1000000xf32, #tpu.memory_space<hbm>> -> memref<64x128xf32, #tpu.memory_space<hbm>>
      %dma_wait3A_1315 = arith.constant 0 : i32
      %dma_wait3A_1316 = arith.constant 0 : i32
      %dma_wait3A_1317 = tpu.memref_slice %arg10[%dma_wait3A_1307, %dma_wait3A_1315, %dma_wait3A_1316] : memref<4x64x128xf32, #tpu.memory_space<vmem>> -> memref<1x64x128xf32, #tpu.memory_space<vmem>>
      %dma_wait3A_1318 = tpu.memref_squeeze %dma_wait3A_1317 : memref<1x64x128xf32, #tpu.memory_space<vmem>> -> memref<64x128xf32, #tpu.memory_space<vmem>>
      %dma_wait3A_1319 = arith.constant 0 : i32
      %dma_wait3A_1320 = arith.constant 0 : i32
      %dma_wait3A_1321 = tpu.memref_slice %arg5[%dma_wait3A_1319, %dma_wait3A_1320] : memref<64x1000000xf32, #tpu.memory_space<hbm>> -> memref<64x128xf32, #tpu.memory_space<hbm>>
      tpu.wait_dma2 semaphore(%arg17 : memref<!tpu.dma_semaphore, #tpu.memory_space<semaphore_mem>>) src(%dma_wait3A_1321 : memref<64x128xf32, #tpu.memory_space<hbm>>) dst(%dma_wait3A_1318 : memref<64x128xf32, #tpu.memory_space<vmem>>)
      %slice3A_1322 = vector.extract_strided_slice %get3A_170 {offsets = [9], sizes = [1], strides = [1]} : vector<16xi32> to vector<1xi32>
      %squeeze3A_1323 = vector.extract %slice3A_1322[0] : i32 from vector<1xi32>
      %and3A_1324 = arith.constant 127 : i32
      %and3A_1325 = arith.andi %squeeze3A_1323, %and3A_1324 : i32
      %slice3A_1326 = vector.extract_strided_slice %get3A_172 {offsets = [9], sizes = [1], strides = [1]} : vector<16xi32> to vector<1xi32>
      %squeeze3A_1327 = vector.extract %slice3A_1326[0] : i32 from vector<1xi32>
      %and3A_1328 = arith.constant 127 : i32
      %and3A_1329 = arith.andi %squeeze3A_1327, %and3A_1328 : i32
      %broadcast_in_dim3A_1330 = vector.broadcast %and3A_1325 : i32 to vector<16xi32>
      %broadcast_in_dim3A_1331 = vector.broadcast %and3A_1329 : i32 to vector<16xi32>
      %broadcast_in_dim3A_1332 = arith.constant 1 : i32
      %broadcast_in_dim3A_1333 = vector.broadcast %broadcast_in_dim3A_1332 : i32 to vector<16xi32>
      %add3A_1334 = arith.constant 0 : i32
      %add3A_1335 = vector.broadcast %add3A_1334 : i32 to vector<16xi32>
      %add3A_1336 = arith.addi %add3A_1335, %iota3A : vector<16xi32>
      %gather3A_1337 = tpu.vector_load_idx %arg9[%broadcast_in_dim3A_1333, %add3A_1336, %broadcast_in_dim3A_1330] : memref<4x64x128xf32, #tpu.memory_space<vmem>>[vector<16xi32>, vector<16xi32>, vector<16xi32>], vector<16xf32>,
      %gather3A_1338 = tpu.vector_load_idx %arg10[%broadcast_in_dim3A_1333, %add3A_1336, %broadcast_in_dim3A_1331] : memref<4x64x128xf32, #tpu.memory_space<vmem>>[vector<16xi32>, vector<16xi32>, vector<16xi32>], vector<16xf32>,
      %mul3A_1339 = arith.mulf %gather3A_1337, %gather3A_1338 : vector<16xf32>
      %add3A_1340 = arith.constant 16 : i32
      %add3A_1341 = vector.broadcast %add3A_1340 : i32 to vector<16xi32>
      %add3A_1342 = arith.addi %add3A_1341, %iota3A : vector<16xi32>
      %gather3A_1343 = tpu.vector_load_idx %arg9[%broadcast_in_dim3A_1333, %add3A_1342, %broadcast_in_dim3A_1330] : memref<4x64x128xf32, #tpu.memory_space<vmem>>[vector<16xi32>, vector<16xi32>, vector<16xi32>], vector<16xf32>,
      %gather3A_1344 = tpu.vector_load_idx %arg10[%broadcast_in_dim3A_1333, %add3A_1342, %broadcast_in_dim3A_1331] : memref<4x64x128xf32, #tpu.memory_space<vmem>>[vector<16xi32>, vector<16xi32>, vector<16xi32>], vector<16xf32>,
      %mul3A_1345 = arith.mulf %gather3A_1343, %gather3A_1344 : vector<16xf32>
      %add3A_1346 = arith.addf %mul3A_1339, %mul3A_1345 : vector<16xf32>
      %add3A_1347 = arith.constant 32 : i32
      %add3A_1348 = vector.broadcast %add3A_1347 : i32 to vector<16xi32>
      %add3A_1349 = arith.addi %add3A_1348, %iota3A : vector<16xi32>
      %gather3A_1350 = tpu.vector_load_idx %arg9[%broadcast_in_dim3A_1333, %add3A_1349, %broadcast_in_dim3A_1330] : memref<4x64x128xf32, #tpu.memory_space<vmem>>[vector<16xi32>, vector<16xi32>, vector<16xi32>], vector<16xf32>,
      %gather3A_1351 = tpu.vector_load_idx %arg10[%broadcast_in_dim3A_1333, %add3A_1349, %broadcast_in_dim3A_1331] : memref<4x64x128xf32, #tpu.memory_space<vmem>>[vector<16xi32>, vector<16xi32>, vector<16xi32>], vector<16xf32>,
      %mul3A_1352 = arith.mulf %gather3A_1350, %gather3A_1351 : vector<16xf32>
      %add3A_1353 = arith.addf %add3A_1346, %mul3A_1352 : vector<16xf32>
      %add3A_1354 = arith.constant 48 : i32
      %add3A_1355 = vector.broadcast %add3A_1354 : i32 to vector<16xi32>
      %add3A_1356 = arith.addi %add3A_1355, %iota3A : vector<16xi32>
      %gather3A_1357 = tpu.vector_load_idx %arg9[%broadcast_in_dim3A_1333, %add3A_1356, %broadcast_in_dim3A_1330] : memref<4x64x128xf32, #tpu.memory_space<vmem>>[vector<16xi32>, vector<16xi32>, vector<16xi32>], vector<16xf32>,
      %gather3A_1358 = tpu.vector_load_idx %arg10[%broadcast_in_dim3A_1333, %add3A_1356, %broadcast_in_dim3A_1331] : memref<4x64x128xf32, #tpu.memory_space<vmem>>[vector<16xi32>, vector<16xi32>, vector<16xi32>], vector<16xf32>,
      %mul3A_1359 = arith.mulf %gather3A_1357, %gather3A_1358 : vector<16xf32>
      %add3A_1360 = arith.addf %add3A_1353, %mul3A_1359 : vector<16xf32>
      %reduce_sum3A_1361 = arith.constant true
      %reduce_sum3A_1362 = vector.broadcast %reduce_sum3A_1361 : i1 to vector<16xi1>
      %reduce_sum3A_1363 = tpu.scan <sum>, %add3A_1360 masked %reduce_sum3A_1362 : vector<16xf32>, vector<16xi1> -> vector<16xf32>
      %reduce_sum3A_1364 = vector.extract %reduce_sum3A_1363[15] : f32 from vector<16xf32>
      %eq3A_1365 = arith.constant 9 : i32
      %eq3A_1366 = vector.broadcast %eq3A_1365 : i32 to vector<16xi32>
      %eq3A_1367 = arith.cmpi eq, %iota3A, %eq3A_1366 : vector<16xi32>
      %broadcast_in_dim3A_1368 = vector.broadcast %reduce_sum3A_1364 : f32 to vector<16xf32>
      %select_n3A_1369 = arith.select %eq3A_1367, %broadcast_in_dim3A_1368, %select_n3A_1245 : vector<16xi1>, vector<16xf32>
      %eq3A_1370 = arith.cmpf oeq, %reduce_sum3A_1364, %reduce_sum3A_1364 : f32
      %jit3A_1371 = arith.constant 0 : i32
      %jit3A_1372 = arith.constant 1 : i32
      %select_n3A_1373 = arith.select %eq3A_1370, %jit3A_1371, %jit3A_1372 : i32
      %slice3A_1374 = vector.extract_strided_slice %get3A_170 {offsets = [13], sizes = [1], strides = [1]} : vector<16xi32> to vector<1xi32>
      %squeeze3A_1375 = vector.extract %slice3A_1374[0] : i32 from vector<1xi32>
      %shift_right_arithmetic3A_1376 = arith.constant 7 : i32
      %shift_right_arithmetic3A_1377 = arith.shrsi %squeeze3A_1375, %shift_right_arithmetic3A_1376 : i32
      %add3A_1378 = arith.addi %shift_right_arithmetic3A_1377, %select_n3A_1373 : i32
      %mul3A_1379 = arith.constant 128 : i32
      %mul3A_1380 = arith.muli %add3A_1378, %mul3A_1379 : i32
      %multiple_of3A_1381 = tpu.assume_multiple %mul3A_1380, 128 : i32
      %dma_start3A_1382 = arith.constant 1 : i32
      %dma_start3A_1383 = arith.constant 0 : i32
      %dma_start3A_1384 = arith.constant 0 : i32
      %dma_start3A_1385 = tpu.memref_slice %arg9[%dma_start3A_1382, %dma_start3A_1383, %dma_start3A_1384] : memref<4x64x128xf32, #tpu.memory_space<vmem>> -> memref<1x64x128xf32, #tpu.memory_space<vmem>>
      %dma_start3A_1386 = tpu.memref_squeeze %dma_start3A_1385 : memref<1x64x128xf32, #tpu.memory_space<vmem>> -> memref<64x128xf32, #tpu.memory_space<vmem>>
      %dma_start3A_1387 = arith.constant 0 : i32
      %dma_start3A_1388 = tpu.memref_slice %arg4[%dma_start3A_1387, %multiple_of3A_1381] : memref<64x1000000xf32, #tpu.memory_space<hbm>> -> memref<64x128xf32, #tpu.memory_space<hbm>>
      %dma_start3A_1389 = arith.constant 0 : i32
      %dma_start3A_1390 = arith.constant 0 : i32
      %dma_start3A_1391 = tpu.memref_slice %arg9[%dma_start3A_1382, %dma_start3A_1389, %dma_start3A_1390] : memref<4x64x128xf32, #tpu.memory_space<vmem>> -> memref<1x64x128xf32, #tpu.memory_space<vmem>>
      %dma_start3A_1392 = tpu.memref_squeeze %dma_start3A_1391 : memref<1x64x128xf32, #tpu.memory_space<vmem>> -> memref<64x128xf32, #tpu.memory_space<vmem>>
      %dma_start3A_1393 = arith.constant 0 : i32
      %dma_start3A_1394 = tpu.memref_slice %arg4[%dma_start3A_1393, %multiple_of3A_1381] : memref<64x1000000xf32, #tpu.memory_space<hbm>> -> memref<64x128xf32, #tpu.memory_space<hbm>>
      tpu.enqueue_dma source(%dma_start3A_1394 : memref<64x128xf32, #tpu.memory_space<hbm>>) target(%dma_start3A_1392 : memref<64x128xf32, #tpu.memory_space<vmem>>) target_semaphore(%arg13 : memref<!tpu.dma_semaphore, #tpu.memory_space<semaphore_mem>>)
      %slice3A_1395 = vector.extract_strided_slice %get3A_172 {offsets = [13], sizes = [1], strides = [1]} : vector<16xi32> to vector<1xi32>
      %squeeze3A_1396 = vector.extract %slice3A_1395[0] : i32 from vector<1xi32>
      %shift_right_arithmetic3A_1397 = arith.constant 7 : i32
      %shift_right_arithmetic3A_1398 = arith.shrsi %squeeze3A_1396, %shift_right_arithmetic3A_1397 : i32
      %add3A_1399 = arith.addi %shift_right_arithmetic3A_1398, %select_n3A_1373 : i32
      %mul3A_1400 = arith.constant 128 : i32
      %mul3A_1401 = arith.muli %add3A_1399, %mul3A_1400 : i32
      %multiple_of3A_1402 = tpu.assume_multiple %mul3A_1401, 128 : i32
      %dma_start3A_1403 = arith.constant 1 : i32
      %dma_start3A_1404 = arith.constant 0 : i32
      %dma_start3A_1405 = arith.constant 0 : i32
      %dma_start3A_1406 = tpu.memref_slice %arg10[%dma_start3A_1403, %dma_start3A_1404, %dma_start3A_1405] : memref<4x64x128xf32, #tpu.memory_space<vmem>> -> memref<1x64x128xf32, #tpu.memory_space<vmem>>
      %dma_start3A_1407 = tpu.memref_squeeze %dma_start3A_1406 : memref<1x64x128xf32, #tpu.memory_space<vmem>> -> memref<64x128xf32, #tpu.memory_space<vmem>>
      %dma_start3A_1408 = arith.constant 0 : i32
      %dma_start3A_1409 = tpu.memref_slice %arg5[%dma_start3A_1408, %multiple_of3A_1402] : memref<64x1000000xf32, #tpu.memory_space<hbm>> -> memref<64x128xf32, #tpu.memory_space<hbm>>
      %dma_start3A_1410 = arith.constant 0 : i32
      %dma_start3A_1411 = arith.constant 0 : i32
      %dma_start3A_1412 = tpu.memref_slice %arg10[%dma_start3A_1403, %dma_start3A_1410, %dma_start3A_1411] : memref<4x64x128xf32, #tpu.memory_space<vmem>> -> memref<1x64x128xf32, #tpu.memory_space<vmem>>
      %dma_start3A_1413 = tpu.memref_squeeze %dma_start3A_1412 : memref<1x64x128xf32, #tpu.memory_space<vmem>> -> memref<64x128xf32, #tpu.memory_space<vmem>>
      %dma_start3A_1414 = arith.constant 0 : i32
      %dma_start3A_1415 = tpu.memref_slice %arg5[%dma_start3A_1414, %multiple_of3A_1402] : memref<64x1000000xf32, #tpu.memory_space<hbm>> -> memref<64x128xf32, #tpu.memory_space<hbm>>
      tpu.enqueue_dma source(%dma_start3A_1415 : memref<64x128xf32, #tpu.memory_space<hbm>>) target(%dma_start3A_1413 : memref<64x128xf32, #tpu.memory_space<vmem>>) target_semaphore(%arg17 : memref<!tpu.dma_semaphore, #tpu.memory_space<semaphore_mem>>)
      %dma_wait3A_1416 = arith.constant 2 : i32
      %dma_wait3A_1417 = arith.constant 0 : i32
      %dma_wait3A_1418 = arith.constant 0 : i32
      %dma_wait3A_1419 = tpu.memref_slice %arg9[%dma_wait3A_1416, %dma_wait3A_1417, %dma_wait3A_1418] : memref<4x64x128xf32, #tpu.memory_space<vmem>> -> memref<1x64x128xf32, #tpu.memory_space<vmem>>
      %dma_wait3A_1420 = tpu.memref_squeeze %dma_wait3A_1419 : memref<1x64x128xf32, #tpu.memory_space<vmem>> -> memref<64x128xf32, #tpu.memory_space<vmem>>
      %dma_wait3A_1421 = arith.constant 0 : i32
      %dma_wait3A_1422 = arith.constant 0 : i32
      %dma_wait3A_1423 = tpu.memref_slice %arg4[%dma_wait3A_1421, %dma_wait3A_1422] : memref<64x1000000xf32, #tpu.memory_space<hbm>> -> memref<64x128xf32, #tpu.memory_space<hbm>>
      %dma_wait3A_1424 = arith.constant 0 : i32
      %dma_wait3A_1425 = arith.constant 0 : i32
      %dma_wait3A_1426 = tpu.memref_slice %arg9[%dma_wait3A_1416, %dma_wait3A_1424, %dma_wait3A_1425] : memref<4x64x128xf32, #tpu.memory_space<vmem>> -> memref<1x64x128xf32, #tpu.memory_space<vmem>>
      %dma_wait3A_1427 = tpu.memref_squeeze %dma_wait3A_1426 : memref<1x64x128xf32, #tpu.memory_space<vmem>> -> memref<64x128xf32, #tpu.memory_space<vmem>>
      %dma_wait3A_1428 = arith.constant 0 : i32
      %dma_wait3A_1429 = arith.constant 0 : i32
      %dma_wait3A_1430 = tpu.memref_slice %arg4[%dma_wait3A_1428, %dma_wait3A_1429] : memref<64x1000000xf32, #tpu.memory_space<hbm>> -> memref<64x128xf32, #tpu.memory_space<hbm>>
      tpu.wait_dma2 semaphore(%arg14 : memref<!tpu.dma_semaphore, #tpu.memory_space<semaphore_mem>>) src(%dma_wait3A_1430 : memref<64x128xf32, #tpu.memory_space<hbm>>) dst(%dma_wait3A_1427 : memref<64x128xf32, #tpu.memory_space<vmem>>)
      %dma_wait3A_1431 = arith.constant 2 : i32
      %dma_wait3A_1432 = arith.constant 0 : i32
      %dma_wait3A_1433 = arith.constant 0 : i32
      %dma_wait3A_1434 = tpu.memref_slice %arg10[%dma_wait3A_1431, %dma_wait3A_1432, %dma_wait3A_1433] : memref<4x64x128xf32, #tpu.memory_space<vmem>> -> memref<1x64x128xf32, #tpu.memory_space<vmem>>
      %dma_wait3A_1435 = tpu.memref_squeeze %dma_wait3A_1434 : memref<1x64x128xf32, #tpu.memory_space<vmem>> -> memref<64x128xf32, #tpu.memory_space<vmem>>
      %dma_wait3A_1436 = arith.constant 0 : i32
      %dma_wait3A_1437 = arith.constant 0 : i32
      %dma_wait3A_1438 = tpu.memref_slice %arg5[%dma_wait3A_1436, %dma_wait3A_1437] : memref<64x1000000xf32, #tpu.memory_space<hbm>> -> memref<64x128xf32, #tpu.memory_space<hbm>>
      %dma_wait3A_1439 = arith.constant 0 : i32
      %dma_wait3A_1440 = arith.constant 0 : i32
      %dma_wait3A_1441 = tpu.memref_slice %arg10[%dma_wait3A_1431, %dma_wait3A_1439, %dma_wait3A_1440] : memref<4x64x128xf32, #tpu.memory_space<vmem>> -> memref<1x64x128xf32, #tpu.memory_space<vmem>>
      %dma_wait3A_1442 = tpu.memref_squeeze %dma_wait3A_1441 : memref<1x64x128xf32, #tpu.memory_space<vmem>> -> memref<64x128xf32, #tpu.memory_space<vmem>>
      %dma_wait3A_1443 = arith.constant 0 : i32
      %dma_wait3A_1444 = arith.constant 0 : i32
      %dma_wait3A_1445 = tpu.memref_slice %arg5[%dma_wait3A_1443, %dma_wait3A_1444] : memref<64x1000000xf32, #tpu.memory_space<hbm>> -> memref<64x128xf32, #tpu.memory_space<hbm>>
      tpu.wait_dma2 semaphore(%arg18 : memref<!tpu.dma_semaphore, #tpu.memory_space<semaphore_mem>>) src(%dma_wait3A_1445 : memref<64x128xf32, #tpu.memory_space<hbm>>) dst(%dma_wait3A_1442 : memref<64x128xf32, #tpu.memory_space<vmem>>)
      %slice3A_1446 = vector.extract_strided_slice %get3A_170 {offsets = [10], sizes = [1], strides = [1]} : vector<16xi32> to vector<1xi32>
      %squeeze3A_1447 = vector.extract %slice3A_1446[0] : i32 from vector<1xi32>
      %and3A_1448 = arith.constant 127 : i32
      %and3A_1449 = arith.andi %squeeze3A_1447, %and3A_1448 : i32
      %slice3A_1450 = vector.extract_strided_slice %get3A_172 {offsets = [10], sizes = [1], strides = [1]} : vector<16xi32> to vector<1xi32>
      %squeeze3A_1451 = vector.extract %slice3A_1450[0] : i32 from vector<1xi32>
      %and3A_1452 = arith.constant 127 : i32
      %and3A_1453 = arith.andi %squeeze3A_1451, %and3A_1452 : i32
      %broadcast_in_dim3A_1454 = vector.broadcast %and3A_1449 : i32 to vector<16xi32>
      %broadcast_in_dim3A_1455 = vector.broadcast %and3A_1453 : i32 to vector<16xi32>
      %broadcast_in_dim3A_1456 = arith.constant 2 : i32
      %broadcast_in_dim3A_1457 = vector.broadcast %broadcast_in_dim3A_1456 : i32 to vector<16xi32>
      %add3A_1458 = arith.constant 0 : i32
      %add3A_1459 = vector.broadcast %add3A_1458 : i32 to vector<16xi32>
      %add3A_1460 = arith.addi %add3A_1459, %iota3A : vector<16xi32>
      %gather3A_1461 = tpu.vector_load_idx %arg9[%broadcast_in_dim3A_1457, %add3A_1460, %broadcast_in_dim3A_1454] : memref<4x64x128xf32, #tpu.memory_space<vmem>>[vector<16xi32>, vector<16xi32>, vector<16xi32>], vector<16xf32>,
      %gather3A_1462 = tpu.vector_load_idx %arg10[%broadcast_in_dim3A_1457, %add3A_1460, %broadcast_in_dim3A_1455] : memref<4x64x128xf32, #tpu.memory_space<vmem>>[vector<16xi32>, vector<16xi32>, vector<16xi32>], vector<16xf32>,
      %mul3A_1463 = arith.mulf %gather3A_1461, %gather3A_1462 : vector<16xf32>
      %add3A_1464 = arith.constant 16 : i32
      %add3A_1465 = vector.broadcast %add3A_1464 : i32 to vector<16xi32>
      %add3A_1466 = arith.addi %add3A_1465, %iota3A : vector<16xi32>
      %gather3A_1467 = tpu.vector_load_idx %arg9[%broadcast_in_dim3A_1457, %add3A_1466, %broadcast_in_dim3A_1454] : memref<4x64x128xf32, #tpu.memory_space<vmem>>[vector<16xi32>, vector<16xi32>, vector<16xi32>], vector<16xf32>,
      %gather3A_1468 = tpu.vector_load_idx %arg10[%broadcast_in_dim3A_1457, %add3A_1466, %broadcast_in_dim3A_1455] : memref<4x64x128xf32, #tpu.memory_space<vmem>>[vector<16xi32>, vector<16xi32>, vector<16xi32>], vector<16xf32>,
      %mul3A_1469 = arith.mulf %gather3A_1467, %gather3A_1468 : vector<16xf32>
      %add3A_1470 = arith.addf %mul3A_1463, %mul3A_1469 : vector<16xf32>
      %add3A_1471 = arith.constant 32 : i32
      %add3A_1472 = vector.broadcast %add3A_1471 : i32 to vector<16xi32>
      %add3A_1473 = arith.addi %add3A_1472, %iota3A : vector<16xi32>
      %gather3A_1474 = tpu.vector_load_idx %arg9[%broadcast_in_dim3A_1457, %add3A_1473, %broadcast_in_dim3A_1454] : memref<4x64x128xf32, #tpu.memory_space<vmem>>[vector<16xi32>, vector<16xi32>, vector<16xi32>], vector<16xf32>,
      %gather3A_1475 = tpu.vector_load_idx %arg10[%broadcast_in_dim3A_1457, %add3A_1473, %broadcast_in_dim3A_1455] : memref<4x64x128xf32, #tpu.memory_space<vmem>>[vector<16xi32>, vector<16xi32>, vector<16xi32>], vector<16xf32>,
      %mul3A_1476 = arith.mulf %gather3A_1474, %gather3A_1475 : vector<16xf32>
      %add3A_1477 = arith.addf %add3A_1470, %mul3A_1476 : vector<16xf32>
      %add3A_1478 = arith.constant 48 : i32
      %add3A_1479 = vector.broadcast %add3A_1478 : i32 to vector<16xi32>
      %add3A_1480 = arith.addi %add3A_1479, %iota3A : vector<16xi32>
      %gather3A_1481 = tpu.vector_load_idx %arg9[%broadcast_in_dim3A_1457, %add3A_1480, %broadcast_in_dim3A_1454] : memref<4x64x128xf32, #tpu.memory_space<vmem>>[vector<16xi32>, vector<16xi32>, vector<16xi32>], vector<16xf32>,
      %gather3A_1482 = tpu.vector_load_idx %arg10[%broadcast_in_dim3A_1457, %add3A_1480, %broadcast_in_dim3A_1455] : memref<4x64x128xf32, #tpu.memory_space<vmem>>[vector<16xi32>, vector<16xi32>, vector<16xi32>], vector<16xf32>,
      %mul3A_1483 = arith.mulf %gather3A_1481, %gather3A_1482 : vector<16xf32>
      %add3A_1484 = arith.addf %add3A_1477, %mul3A_1483 : vector<16xf32>
      %reduce_sum3A_1485 = arith.constant true
      %reduce_sum3A_1486 = vector.broadcast %reduce_sum3A_1485 : i1 to vector<16xi1>
      %reduce_sum3A_1487 = tpu.scan <sum>, %add3A_1484 masked %reduce_sum3A_1486 : vector<16xf32>, vector<16xi1> -> vector<16xf32>
      %reduce_sum3A_1488 = vector.extract %reduce_sum3A_1487[15] : f32 from vector<16xf32>
      %eq3A_1489 = arith.constant 10 : i32
      %eq3A_1490 = vector.broadcast %eq3A_1489 : i32 to vector<16xi32>
      %eq3A_1491 = arith.cmpi eq, %iota3A, %eq3A_1490 : vector<16xi32>
      %broadcast_in_dim3A_1492 = vector.broadcast %reduce_sum3A_1488 : f32 to vector<16xf32>
      %select_n3A_1493 = arith.select %eq3A_1491, %broadcast_in_dim3A_1492, %select_n3A_1369 : vector<16xi1>, vector<16xf32>
      %eq3A_1494 = arith.cmpf oeq, %reduce_sum3A_1488, %reduce_sum3A_1488 : f32
      %jit3A_1495 = arith.constant 0 : i32
      %jit3A_1496 = arith.constant 1 : i32
      %select_n3A_1497 = arith.select %eq3A_1494, %jit3A_1495, %jit3A_1496 : i32
      %slice3A_1498 = vector.extract_strided_slice %get3A_170 {offsets = [14], sizes = [1], strides = [1]} : vector<16xi32> to vector<1xi32>
      %squeeze3A_1499 = vector.extract %slice3A_1498[0] : i32 from vector<1xi32>
      %shift_right_arithmetic3A_1500 = arith.constant 7 : i32
      %shift_right_arithmetic3A_1501 = arith.shrsi %squeeze3A_1499, %shift_right_arithmetic3A_1500 : i32
      %add3A_1502 = arith.addi %shift_right_arithmetic3A_1501, %select_n3A_1497 : i32
      %mul3A_1503 = arith.constant 128 : i32
      %mul3A_1504 = arith.muli %add3A_1502, %mul3A_1503 : i32
      %multiple_of3A_1505 = tpu.assume_multiple %mul3A_1504, 128 : i32
      %dma_start3A_1506 = arith.constant 2 : i32
      %dma_start3A_1507 = arith.constant 0 : i32
      %dma_start3A_1508 = arith.constant 0 : i32
      %dma_start3A_1509 = tpu.memref_slice %arg9[%dma_start3A_1506, %dma_start3A_1507, %dma_start3A_1508] : memref<4x64x128xf32, #tpu.memory_space<vmem>> -> memref<1x64x128xf32, #tpu.memory_space<vmem>>
      %dma_start3A_1510 = tpu.memref_squeeze %dma_start3A_1509 : memref<1x64x128xf32, #tpu.memory_space<vmem>> -> memref<64x128xf32, #tpu.memory_space<vmem>>
      %dma_start3A_1511 = arith.constant 0 : i32
      %dma_start3A_1512 = tpu.memref_slice %arg4[%dma_start3A_1511, %multiple_of3A_1505] : memref<64x1000000xf32, #tpu.memory_space<hbm>> -> memref<64x128xf32, #tpu.memory_space<hbm>>
      %dma_start3A_1513 = arith.constant 0 : i32
      %dma_start3A_1514 = arith.constant 0 : i32
      %dma_start3A_1515 = tpu.memref_slice %arg9[%dma_start3A_1506, %dma_start3A_1513, %dma_start3A_1514] : memref<4x64x128xf32, #tpu.memory_space<vmem>> -> memref<1x64x128xf32, #tpu.memory_space<vmem>>
      %dma_start3A_1516 = tpu.memref_squeeze %dma_start3A_1515 : memref<1x64x128xf32, #tpu.memory_space<vmem>> -> memref<64x128xf32, #tpu.memory_space<vmem>>
      %dma_start3A_1517 = arith.constant 0 : i32
      %dma_start3A_1518 = tpu.memref_slice %arg4[%dma_start3A_1517, %multiple_of3A_1505] : memref<64x1000000xf32, #tpu.memory_space<hbm>> -> memref<64x128xf32, #tpu.memory_space<hbm>>
      tpu.enqueue_dma source(%dma_start3A_1518 : memref<64x128xf32, #tpu.memory_space<hbm>>) target(%dma_start3A_1516 : memref<64x128xf32, #tpu.memory_space<vmem>>) target_semaphore(%arg14 : memref<!tpu.dma_semaphore, #tpu.memory_space<semaphore_mem>>)
      %slice3A_1519 = vector.extract_strided_slice %get3A_172 {offsets = [14], sizes = [1], strides = [1]} : vector<16xi32> to vector<1xi32>
      %squeeze3A_1520 = vector.extract %slice3A_1519[0] : i32 from vector<1xi32>
      %shift_right_arithmetic3A_1521 = arith.constant 7 : i32
      %shift_right_arithmetic3A_1522 = arith.shrsi %squeeze3A_1520, %shift_right_arithmetic3A_1521 : i32
      %add3A_1523 = arith.addi %shift_right_arithmetic3A_1522, %select_n3A_1497 : i32
      %mul3A_1524 = arith.constant 128 : i32
      %mul3A_1525 = arith.muli %add3A_1523, %mul3A_1524 : i32
      %multiple_of3A_1526 = tpu.assume_multiple %mul3A_1525, 128 : i32
      %dma_start3A_1527 = arith.constant 2 : i32
      %dma_start3A_1528 = arith.constant 0 : i32
      %dma_start3A_1529 = arith.constant 0 : i32
      %dma_start3A_1530 = tpu.memref_slice %arg10[%dma_start3A_1527, %dma_start3A_1528, %dma_start3A_1529] : memref<4x64x128xf32, #tpu.memory_space<vmem>> -> memref<1x64x128xf32, #tpu.memory_space<vmem>>
      %dma_start3A_1531 = tpu.memref_squeeze %dma_start3A_1530 : memref<1x64x128xf32, #tpu.memory_space<vmem>> -> memref<64x128xf32, #tpu.memory_space<vmem>>
      %dma_start3A_1532 = arith.constant 0 : i32
      %dma_start3A_1533 = tpu.memref_slice %arg5[%dma_start3A_1532, %multiple_of3A_1526] : memref<64x1000000xf32, #tpu.memory_space<hbm>> -> memref<64x128xf32, #tpu.memory_space<hbm>>
      %dma_start3A_1534 = arith.constant 0 : i32
      %dma_start3A_1535 = arith.constant 0 : i32
      %dma_start3A_1536 = tpu.memref_slice %arg10[%dma_start3A_1527, %dma_start3A_1534, %dma_start3A_1535] : memref<4x64x128xf32, #tpu.memory_space<vmem>> -> memref<1x64x128xf32, #tpu.memory_space<vmem>>
      %dma_start3A_1537 = tpu.memref_squeeze %dma_start3A_1536 : memref<1x64x128xf32, #tpu.memory_space<vmem>> -> memref<64x128xf32, #tpu.memory_space<vmem>>
      %dma_start3A_1538 = arith.constant 0 : i32
      %dma_start3A_1539 = tpu.memref_slice %arg5[%dma_start3A_1538, %multiple_of3A_1526] : memref<64x1000000xf32, #tpu.memory_space<hbm>> -> memref<64x128xf32, #tpu.memory_space<hbm>>
      tpu.enqueue_dma source(%dma_start3A_1539 : memref<64x128xf32, #tpu.memory_space<hbm>>) target(%dma_start3A_1537 : memref<64x128xf32, #tpu.memory_space<vmem>>) target_semaphore(%arg18 : memref<!tpu.dma_semaphore, #tpu.memory_space<semaphore_mem>>)
      %dma_wait3A_1540 = arith.constant 3 : i32
      %dma_wait3A_1541 = arith.constant 0 : i32
      %dma_wait3A_1542 = arith.constant 0 : i32
      %dma_wait3A_1543 = tpu.memref_slice %arg9[%dma_wait3A_1540, %dma_wait3A_1541, %dma_wait3A_1542] : memref<4x64x128xf32, #tpu.memory_space<vmem>> -> memref<1x64x128xf32, #tpu.memory_space<vmem>>
      %dma_wait3A_1544 = tpu.memref_squeeze %dma_wait3A_1543 : memref<1x64x128xf32, #tpu.memory_space<vmem>> -> memref<64x128xf32, #tpu.memory_space<vmem>>
      %dma_wait3A_1545 = arith.constant 0 : i32
      %dma_wait3A_1546 = arith.constant 0 : i32
      %dma_wait3A_1547 = tpu.memref_slice %arg4[%dma_wait3A_1545, %dma_wait3A_1546] : memref<64x1000000xf32, #tpu.memory_space<hbm>> -> memref<64x128xf32, #tpu.memory_space<hbm>>
      %dma_wait3A_1548 = arith.constant 0 : i32
      %dma_wait3A_1549 = arith.constant 0 : i32
      %dma_wait3A_1550 = tpu.memref_slice %arg9[%dma_wait3A_1540, %dma_wait3A_1548, %dma_wait3A_1549] : memref<4x64x128xf32, #tpu.memory_space<vmem>> -> memref<1x64x128xf32, #tpu.memory_space<vmem>>
      %dma_wait3A_1551 = tpu.memref_squeeze %dma_wait3A_1550 : memref<1x64x128xf32, #tpu.memory_space<vmem>> -> memref<64x128xf32, #tpu.memory_space<vmem>>
      %dma_wait3A_1552 = arith.constant 0 : i32
      %dma_wait3A_1553 = arith.constant 0 : i32
      %dma_wait3A_1554 = tpu.memref_slice %arg4[%dma_wait3A_1552, %dma_wait3A_1553] : memref<64x1000000xf32, #tpu.memory_space<hbm>> -> memref<64x128xf32, #tpu.memory_space<hbm>>
      tpu.wait_dma2 semaphore(%arg15 : memref<!tpu.dma_semaphore, #tpu.memory_space<semaphore_mem>>) src(%dma_wait3A_1554 : memref<64x128xf32, #tpu.memory_space<hbm>>) dst(%dma_wait3A_1551 : memref<64x128xf32, #tpu.memory_space<vmem>>)
      %dma_wait3A_1555 = arith.constant 3 : i32
      %dma_wait3A_1556 = arith.constant 0 : i32
      %dma_wait3A_1557 = arith.constant 0 : i32
      %dma_wait3A_1558 = tpu.memref_slice %arg10[%dma_wait3A_1555, %dma_wait3A_1556, %dma_wait3A_1557] : memref<4x64x128xf32, #tpu.memory_space<vmem>> -> memref<1x64x128xf32, #tpu.memory_space<vmem>>
      %dma_wait3A_1559 = tpu.memref_squeeze %dma_wait3A_1558 : memref<1x64x128xf32, #tpu.memory_space<vmem>> -> memref<64x128xf32, #tpu.memory_space<vmem>>
      %dma_wait3A_1560 = arith.constant 0 : i32
      %dma_wait3A_1561 = arith.constant 0 : i32
      %dma_wait3A_1562 = tpu.memref_slice %arg5[%dma_wait3A_1560, %dma_wait3A_1561] : memref<64x1000000xf32, #tpu.memory_space<hbm>> -> memref<64x128xf32, #tpu.memory_space<hbm>>
      %dma_wait3A_1563 = arith.constant 0 : i32
      %dma_wait3A_1564 = arith.constant 0 : i32
      %dma_wait3A_1565 = tpu.memref_slice %arg10[%dma_wait3A_1555, %dma_wait3A_1563, %dma_wait3A_1564] : memref<4x64x128xf32, #tpu.memory_space<vmem>> -> memref<1x64x128xf32, #tpu.memory_space<vmem>>
      %dma_wait3A_1566 = tpu.memref_squeeze %dma_wait3A_1565 : memref<1x64x128xf32, #tpu.memory_space<vmem>> -> memref<64x128xf32, #tpu.memory_space<vmem>>
      %dma_wait3A_1567 = arith.constant 0 : i32
      %dma_wait3A_1568 = arith.constant 0 : i32
      %dma_wait3A_1569 = tpu.memref_slice %arg5[%dma_wait3A_1567, %dma_wait3A_1568] : memref<64x1000000xf32, #tpu.memory_space<hbm>> -> memref<64x128xf32, #tpu.memory_space<hbm>>
      tpu.wait_dma2 semaphore(%arg19 : memref<!tpu.dma_semaphore, #tpu.memory_space<semaphore_mem>>) src(%dma_wait3A_1569 : memref<64x128xf32, #tpu.memory_space<hbm>>) dst(%dma_wait3A_1566 : memref<64x128xf32, #tpu.memory_space<vmem>>)
      %slice3A_1570 = vector.extract_strided_slice %get3A_170 {offsets = [11], sizes = [1], strides = [1]} : vector<16xi32> to vector<1xi32>
      %squeeze3A_1571 = vector.extract %slice3A_1570[0] : i32 from vector<1xi32>
      %and3A_1572 = arith.constant 127 : i32
      %and3A_1573 = arith.andi %squeeze3A_1571, %and3A_1572 : i32
      %slice3A_1574 = vector.extract_strided_slice %get3A_172 {offsets = [11], sizes = [1], strides = [1]} : vector<16xi32> to vector<1xi32>
      %squeeze3A_1575 = vector.extract %slice3A_1574[0] : i32 from vector<1xi32>
      %and3A_1576 = arith.constant 127 : i32
      %and3A_1577 = arith.andi %squeeze3A_1575, %and3A_1576 : i32
      %broadcast_in_dim3A_1578 = vector.broadcast %and3A_1573 : i32 to vector<16xi32>
      %broadcast_in_dim3A_1579 = vector.broadcast %and3A_1577 : i32 to vector<16xi32>
      %broadcast_in_dim3A_1580 = arith.constant 3 : i32
      %broadcast_in_dim3A_1581 = vector.broadcast %broadcast_in_dim3A_1580 : i32 to vector<16xi32>
      %add3A_1582 = arith.constant 0 : i32
      %add3A_1583 = vector.broadcast %add3A_1582 : i32 to vector<16xi32>
      %add3A_1584 = arith.addi %add3A_1583, %iota3A : vector<16xi32>
      %gather3A_1585 = tpu.vector_load_idx %arg9[%broadcast_in_dim3A_1581, %add3A_1584, %broadcast_in_dim3A_1578] : memref<4x64x128xf32, #tpu.memory_space<vmem>>[vector<16xi32>, vector<16xi32>, vector<16xi32>], vector<16xf32>,
      %gather3A_1586 = tpu.vector_load_idx %arg10[%broadcast_in_dim3A_1581, %add3A_1584, %broadcast_in_dim3A_1579] : memref<4x64x128xf32, #tpu.memory_space<vmem>>[vector<16xi32>, vector<16xi32>, vector<16xi32>], vector<16xf32>,
      %mul3A_1587 = arith.mulf %gather3A_1585, %gather3A_1586 : vector<16xf32>
      %add3A_1588 = arith.constant 16 : i32
      %add3A_1589 = vector.broadcast %add3A_1588 : i32 to vector<16xi32>
      %add3A_1590 = arith.addi %add3A_1589, %iota3A : vector<16xi32>
      %gather3A_1591 = tpu.vector_load_idx %arg9[%broadcast_in_dim3A_1581, %add3A_1590, %broadcast_in_dim3A_1578] : memref<4x64x128xf32, #tpu.memory_space<vmem>>[vector<16xi32>, vector<16xi32>, vector<16xi32>], vector<16xf32>,
      %gather3A_1592 = tpu.vector_load_idx %arg10[%broadcast_in_dim3A_1581, %add3A_1590, %broadcast_in_dim3A_1579] : memref<4x64x128xf32, #tpu.memory_space<vmem>>[vector<16xi32>, vector<16xi32>, vector<16xi32>], vector<16xf32>,
      %mul3A_1593 = arith.mulf %gather3A_1591, %gather3A_1592 : vector<16xf32>
      %add3A_1594 = arith.addf %mul3A_1587, %mul3A_1593 : vector<16xf32>
      %add3A_1595 = arith.constant 32 : i32
      %add3A_1596 = vector.broadcast %add3A_1595 : i32 to vector<16xi32>
      %add3A_1597 = arith.addi %add3A_1596, %iota3A : vector<16xi32>
      %gather3A_1598 = tpu.vector_load_idx %arg9[%broadcast_in_dim3A_1581, %add3A_1597, %broadcast_in_dim3A_1578] : memref<4x64x128xf32, #tpu.memory_space<vmem>>[vector<16xi32>, vector<16xi32>, vector<16xi32>], vector<16xf32>,
      %gather3A_1599 = tpu.vector_load_idx %arg10[%broadcast_in_dim3A_1581, %add3A_1597, %broadcast_in_dim3A_1579] : memref<4x64x128xf32, #tpu.memory_space<vmem>>[vector<16xi32>, vector<16xi32>, vector<16xi32>], vector<16xf32>,
      %mul3A_1600 = arith.mulf %gather3A_1598, %gather3A_1599 : vector<16xf32>
      %add3A_1601 = arith.addf %add3A_1594, %mul3A_1600 : vector<16xf32>
      %add3A_1602 = arith.constant 48 : i32
      %add3A_1603 = vector.broadcast %add3A_1602 : i32 to vector<16xi32>
      %add3A_1604 = arith.addi %add3A_1603, %iota3A : vector<16xi32>
      %gather3A_1605 = tpu.vector_load_idx %arg9[%broadcast_in_dim3A_1581, %add3A_1604, %broadcast_in_dim3A_1578] : memref<4x64x128xf32, #tpu.memory_space<vmem>>[vector<16xi32>, vector<16xi32>, vector<16xi32>], vector<16xf32>,
      %gather3A_1606 = tpu.vector_load_idx %arg10[%broadcast_in_dim3A_1581, %add3A_1604, %broadcast_in_dim3A_1579] : memref<4x64x128xf32, #tpu.memory_space<vmem>>[vector<16xi32>, vector<16xi32>, vector<16xi32>], vector<16xf32>,
      %mul3A_1607 = arith.mulf %gather3A_1605, %gather3A_1606 : vector<16xf32>
      %add3A_1608 = arith.addf %add3A_1601, %mul3A_1607 : vector<16xf32>
      %reduce_sum3A_1609 = arith.constant true
      %reduce_sum3A_1610 = vector.broadcast %reduce_sum3A_1609 : i1 to vector<16xi1>
      %reduce_sum3A_1611 = tpu.scan <sum>, %add3A_1608 masked %reduce_sum3A_1610 : vector<16xf32>, vector<16xi1> -> vector<16xf32>
      %reduce_sum3A_1612 = vector.extract %reduce_sum3A_1611[15] : f32 from vector<16xf32>
      %eq3A_1613 = arith.constant 11 : i32
      %eq3A_1614 = vector.broadcast %eq3A_1613 : i32 to vector<16xi32>
      %eq3A_1615 = arith.cmpi eq, %iota3A, %eq3A_1614 : vector<16xi32>
      %broadcast_in_dim3A_1616 = vector.broadcast %reduce_sum3A_1612 : f32 to vector<16xf32>
      %select_n3A_1617 = arith.select %eq3A_1615, %broadcast_in_dim3A_1616, %select_n3A_1493 : vector<16xi1>, vector<16xf32>
      %eq3A_1618 = arith.cmpf oeq, %reduce_sum3A_1612, %reduce_sum3A_1612 : f32
      %jit3A_1619 = arith.constant 0 : i32
      %jit3A_1620 = arith.constant 1 : i32
      %select_n3A_1621 = arith.select %eq3A_1618, %jit3A_1619, %jit3A_1620 : i32
      %slice3A_1622 = vector.extract_strided_slice %get3A_170 {offsets = [15], sizes = [1], strides = [1]} : vector<16xi32> to vector<1xi32>
      %squeeze3A_1623 = vector.extract %slice3A_1622[0] : i32 from vector<1xi32>
      %shift_right_arithmetic3A_1624 = arith.constant 7 : i32
      %shift_right_arithmetic3A_1625 = arith.shrsi %squeeze3A_1623, %shift_right_arithmetic3A_1624 : i32
      %add3A_1626 = arith.addi %shift_right_arithmetic3A_1625, %select_n3A_1621 : i32
      %mul3A_1627 = arith.constant 128 : i32
      %mul3A_1628 = arith.muli %add3A_1626, %mul3A_1627 : i32
      %multiple_of3A_1629 = tpu.assume_multiple %mul3A_1628, 128 : i32
      %dma_start3A_1630 = arith.constant 3 : i32
      %dma_start3A_1631 = arith.constant 0 : i32
      %dma_start3A_1632 = arith.constant 0 : i32
      %dma_start3A_1633 = tpu.memref_slice %arg9[%dma_start3A_1630, %dma_start3A_1631, %dma_start3A_1632] : memref<4x64x128xf32, #tpu.memory_space<vmem>> -> memref<1x64x128xf32, #tpu.memory_space<vmem>>
      %dma_start3A_1634 = tpu.memref_squeeze %dma_start3A_1633 : memref<1x64x128xf32, #tpu.memory_space<vmem>> -> memref<64x128xf32, #tpu.memory_space<vmem>>
      %dma_start3A_1635 = arith.constant 0 : i32
      %dma_start3A_1636 = tpu.memref_slice %arg4[%dma_start3A_1635, %multiple_of3A_1629] : memref<64x1000000xf32, #tpu.memory_space<hbm>> -> memref<64x128xf32, #tpu.memory_space<hbm>>
      %dma_start3A_1637 = arith.constant 0 : i32
      %dma_start3A_1638 = arith.constant 0 : i32
      %dma_start3A_1639 = tpu.memref_slice %arg9[%dma_start3A_1630, %dma_start3A_1637, %dma_start3A_1638] : memref<4x64x128xf32, #tpu.memory_space<vmem>> -> memref<1x64x128xf32, #tpu.memory_space<vmem>>
      %dma_start3A_1640 = tpu.memref_squeeze %dma_start3A_1639 : memref<1x64x128xf32, #tpu.memory_space<vmem>> -> memref<64x128xf32, #tpu.memory_space<vmem>>
      %dma_start3A_1641 = arith.constant 0 : i32
      %dma_start3A_1642 = tpu.memref_slice %arg4[%dma_start3A_1641, %multiple_of3A_1629] : memref<64x1000000xf32, #tpu.memory_space<hbm>> -> memref<64x128xf32, #tpu.memory_space<hbm>>
      tpu.enqueue_dma source(%dma_start3A_1642 : memref<64x128xf32, #tpu.memory_space<hbm>>) target(%dma_start3A_1640 : memref<64x128xf32, #tpu.memory_space<vmem>>) target_semaphore(%arg15 : memref<!tpu.dma_semaphore, #tpu.memory_space<semaphore_mem>>)
      %slice3A_1643 = vector.extract_strided_slice %get3A_172 {offsets = [15], sizes = [1], strides = [1]} : vector<16xi32> to vector<1xi32>
      %squeeze3A_1644 = vector.extract %slice3A_1643[0] : i32 from vector<1xi32>
      %shift_right_arithmetic3A_1645 = arith.constant 7 : i32
      %shift_right_arithmetic3A_1646 = arith.shrsi %squeeze3A_1644, %shift_right_arithmetic3A_1645 : i32
      %add3A_1647 = arith.addi %shift_right_arithmetic3A_1646, %select_n3A_1621 : i32
      %mul3A_1648 = arith.constant 128 : i32
      %mul3A_1649 = arith.muli %add3A_1647, %mul3A_1648 : i32
      %multiple_of3A_1650 = tpu.assume_multiple %mul3A_1649, 128 : i32
      %dma_start3A_1651 = arith.constant 3 : i32
      %dma_start3A_1652 = arith.constant 0 : i32
      %dma_start3A_1653 = arith.constant 0 : i32
      %dma_start3A_1654 = tpu.memref_slice %arg10[%dma_start3A_1651, %dma_start3A_1652, %dma_start3A_1653] : memref<4x64x128xf32, #tpu.memory_space<vmem>> -> memref<1x64x128xf32, #tpu.memory_space<vmem>>
      %dma_start3A_1655 = tpu.memref_squeeze %dma_start3A_1654 : memref<1x64x128xf32, #tpu.memory_space<vmem>> -> memref<64x128xf32, #tpu.memory_space<vmem>>
      %dma_start3A_1656 = arith.constant 0 : i32
      %dma_start3A_1657 = tpu.memref_slice %arg5[%dma_start3A_1656, %multiple_of3A_1650] : memref<64x1000000xf32, #tpu.memory_space<hbm>> -> memref<64x128xf32, #tpu.memory_space<hbm>>
      %dma_start3A_1658 = arith.constant 0 : i32
      %dma_start3A_1659 = arith.constant 0 : i32
      %dma_start3A_1660 = tpu.memref_slice %arg10[%dma_start3A_1651, %dma_start3A_1658, %dma_start3A_1659] : memref<4x64x128xf32, #tpu.memory_space<vmem>> -> memref<1x64x128xf32, #tpu.memory_space<vmem>>
      %dma_start3A_1661 = tpu.memref_squeeze %dma_start3A_1660 : memref<1x64x128xf32, #tpu.memory_space<vmem>> -> memref<64x128xf32, #tpu.memory_space<vmem>>
      %dma_start3A_1662 = arith.constant 0 : i32
      %dma_start3A_1663 = tpu.memref_slice %arg5[%dma_start3A_1662, %multiple_of3A_1650] : memref<64x1000000xf32, #tpu.memory_space<hbm>> -> memref<64x128xf32, #tpu.memory_space<hbm>>
      tpu.enqueue_dma source(%dma_start3A_1663 : memref<64x128xf32, #tpu.memory_space<hbm>>) target(%dma_start3A_1661 : memref<64x128xf32, #tpu.memory_space<vmem>>) target_semaphore(%arg19 : memref<!tpu.dma_semaphore, #tpu.memory_space<semaphore_mem>>)
      %dma_wait3A_1664 = arith.constant 0 : i32
      %dma_wait3A_1665 = arith.constant 0 : i32
      %dma_wait3A_1666 = arith.constant 0 : i32
      %dma_wait3A_1667 = tpu.memref_slice %arg9[%dma_wait3A_1664, %dma_wait3A_1665, %dma_wait3A_1666] : memref<4x64x128xf32, #tpu.memory_space<vmem>> -> memref<1x64x128xf32, #tpu.memory_space<vmem>>
      %dma_wait3A_1668 = tpu.memref_squeeze %dma_wait3A_1667 : memref<1x64x128xf32, #tpu.memory_space<vmem>> -> memref<64x128xf32, #tpu.memory_space<vmem>>
      %dma_wait3A_1669 = arith.constant 0 : i32
      %dma_wait3A_1670 = arith.constant 0 : i32
      %dma_wait3A_1671 = tpu.memref_slice %arg4[%dma_wait3A_1669, %dma_wait3A_1670] : memref<64x1000000xf32, #tpu.memory_space<hbm>> -> memref<64x128xf32, #tpu.memory_space<hbm>>
      %dma_wait3A_1672 = arith.constant 0 : i32
      %dma_wait3A_1673 = arith.constant 0 : i32
      %dma_wait3A_1674 = tpu.memref_slice %arg9[%dma_wait3A_1664, %dma_wait3A_1672, %dma_wait3A_1673] : memref<4x64x128xf32, #tpu.memory_space<vmem>> -> memref<1x64x128xf32, #tpu.memory_space<vmem>>
      %dma_wait3A_1675 = tpu.memref_squeeze %dma_wait3A_1674 : memref<1x64x128xf32, #tpu.memory_space<vmem>> -> memref<64x128xf32, #tpu.memory_space<vmem>>
      %dma_wait3A_1676 = arith.constant 0 : i32
      %dma_wait3A_1677 = arith.constant 0 : i32
      %dma_wait3A_1678 = tpu.memref_slice %arg4[%dma_wait3A_1676, %dma_wait3A_1677] : memref<64x1000000xf32, #tpu.memory_space<hbm>> -> memref<64x128xf32, #tpu.memory_space<hbm>>
      tpu.wait_dma2 semaphore(%arg12 : memref<!tpu.dma_semaphore, #tpu.memory_space<semaphore_mem>>) src(%dma_wait3A_1678 : memref<64x128xf32, #tpu.memory_space<hbm>>) dst(%dma_wait3A_1675 : memref<64x128xf32, #tpu.memory_space<vmem>>)
      %dma_wait3A_1679 = arith.constant 0 : i32
      %dma_wait3A_1680 = arith.constant 0 : i32
      %dma_wait3A_1681 = arith.constant 0 : i32
      %dma_wait3A_1682 = tpu.memref_slice %arg10[%dma_wait3A_1679, %dma_wait3A_1680, %dma_wait3A_1681] : memref<4x64x128xf32, #tpu.memory_space<vmem>> -> memref<1x64x128xf32, #tpu.memory_space<vmem>>
      %dma_wait3A_1683 = tpu.memref_squeeze %dma_wait3A_1682 : memref<1x64x128xf32, #tpu.memory_space<vmem>> -> memref<64x128xf32, #tpu.memory_space<vmem>>
      %dma_wait3A_1684 = arith.constant 0 : i32
      %dma_wait3A_1685 = arith.constant 0 : i32
      %dma_wait3A_1686 = tpu.memref_slice %arg5[%dma_wait3A_1684, %dma_wait3A_1685] : memref<64x1000000xf32, #tpu.memory_space<hbm>> -> memref<64x128xf32, #tpu.memory_space<hbm>>
      %dma_wait3A_1687 = arith.constant 0 : i32
      %dma_wait3A_1688 = arith.constant 0 : i32
      %dma_wait3A_1689 = tpu.memref_slice %arg10[%dma_wait3A_1679, %dma_wait3A_1687, %dma_wait3A_1688] : memref<4x64x128xf32, #tpu.memory_space<vmem>> -> memref<1x64x128xf32, #tpu.memory_space<vmem>>
      %dma_wait3A_1690 = tpu.memref_squeeze %dma_wait3A_1689 : memref<1x64x128xf32, #tpu.memory_space<vmem>> -> memref<64x128xf32, #tpu.memory_space<vmem>>
      %dma_wait3A_1691 = arith.constant 0 : i32
      %dma_wait3A_1692 = arith.constant 0 : i32
      %dma_wait3A_1693 = tpu.memref_slice %arg5[%dma_wait3A_1691, %dma_wait3A_1692] : memref<64x1000000xf32, #tpu.memory_space<hbm>> -> memref<64x128xf32, #tpu.memory_space<hbm>>
      tpu.wait_dma2 semaphore(%arg16 : memref<!tpu.dma_semaphore, #tpu.memory_space<semaphore_mem>>) src(%dma_wait3A_1693 : memref<64x128xf32, #tpu.memory_space<hbm>>) dst(%dma_wait3A_1690 : memref<64x128xf32, #tpu.memory_space<vmem>>)
      %slice3A_1694 = vector.extract_strided_slice %get3A_170 {offsets = [12], sizes = [1], strides = [1]} : vector<16xi32> to vector<1xi32>
      %squeeze3A_1695 = vector.extract %slice3A_1694[0] : i32 from vector<1xi32>
      %and3A_1696 = arith.constant 127 : i32
      %and3A_1697 = arith.andi %squeeze3A_1695, %and3A_1696 : i32
      %slice3A_1698 = vector.extract_strided_slice %get3A_172 {offsets = [12], sizes = [1], strides = [1]} : vector<16xi32> to vector<1xi32>
      %squeeze3A_1699 = vector.extract %slice3A_1698[0] : i32 from vector<1xi32>
      %and3A_1700 = arith.constant 127 : i32
      %and3A_1701 = arith.andi %squeeze3A_1699, %and3A_1700 : i32
      %broadcast_in_dim3A_1702 = vector.broadcast %and3A_1697 : i32 to vector<16xi32>
      %broadcast_in_dim3A_1703 = vector.broadcast %and3A_1701 : i32 to vector<16xi32>
      %broadcast_in_dim3A_1704 = arith.constant 0 : i32
      %broadcast_in_dim3A_1705 = vector.broadcast %broadcast_in_dim3A_1704 : i32 to vector<16xi32>
      %add3A_1706 = arith.constant 0 : i32
      %add3A_1707 = vector.broadcast %add3A_1706 : i32 to vector<16xi32>
      %add3A_1708 = arith.addi %add3A_1707, %iota3A : vector<16xi32>
      %gather3A_1709 = tpu.vector_load_idx %arg9[%broadcast_in_dim3A_1705, %add3A_1708, %broadcast_in_dim3A_1702] : memref<4x64x128xf32, #tpu.memory_space<vmem>>[vector<16xi32>, vector<16xi32>, vector<16xi32>], vector<16xf32>,
      %gather3A_1710 = tpu.vector_load_idx %arg10[%broadcast_in_dim3A_1705, %add3A_1708, %broadcast_in_dim3A_1703] : memref<4x64x128xf32, #tpu.memory_space<vmem>>[vector<16xi32>, vector<16xi32>, vector<16xi32>], vector<16xf32>,
      %mul3A_1711 = arith.mulf %gather3A_1709, %gather3A_1710 : vector<16xf32>
      %add3A_1712 = arith.constant 16 : i32
      %add3A_1713 = vector.broadcast %add3A_1712 : i32 to vector<16xi32>
      %add3A_1714 = arith.addi %add3A_1713, %iota3A : vector<16xi32>
      %gather3A_1715 = tpu.vector_load_idx %arg9[%broadcast_in_dim3A_1705, %add3A_1714, %broadcast_in_dim3A_1702] : memref<4x64x128xf32, #tpu.memory_space<vmem>>[vector<16xi32>, vector<16xi32>, vector<16xi32>], vector<16xf32>,
      %gather3A_1716 = tpu.vector_load_idx %arg10[%broadcast_in_dim3A_1705, %add3A_1714, %broadcast_in_dim3A_1703] : memref<4x64x128xf32, #tpu.memory_space<vmem>>[vector<16xi32>, vector<16xi32>, vector<16xi32>], vector<16xf32>,
      %mul3A_1717 = arith.mulf %gather3A_1715, %gather3A_1716 : vector<16xf32>
      %add3A_1718 = arith.addf %mul3A_1711, %mul3A_1717 : vector<16xf32>
      %add3A_1719 = arith.constant 32 : i32
      %add3A_1720 = vector.broadcast %add3A_1719 : i32 to vector<16xi32>
      %add3A_1721 = arith.addi %add3A_1720, %iota3A : vector<16xi32>
      %gather3A_1722 = tpu.vector_load_idx %arg9[%broadcast_in_dim3A_1705, %add3A_1721, %broadcast_in_dim3A_1702] : memref<4x64x128xf32, #tpu.memory_space<vmem>>[vector<16xi32>, vector<16xi32>, vector<16xi32>], vector<16xf32>,
      %gather3A_1723 = tpu.vector_load_idx %arg10[%broadcast_in_dim3A_1705, %add3A_1721, %broadcast_in_dim3A_1703] : memref<4x64x128xf32, #tpu.memory_space<vmem>>[vector<16xi32>, vector<16xi32>, vector<16xi32>], vector<16xf32>,
      %mul3A_1724 = arith.mulf %gather3A_1722, %gather3A_1723 : vector<16xf32>
      %add3A_1725 = arith.addf %add3A_1718, %mul3A_1724 : vector<16xf32>
      %add3A_1726 = arith.constant 48 : i32
      %add3A_1727 = vector.broadcast %add3A_1726 : i32 to vector<16xi32>
      %add3A_1728 = arith.addi %add3A_1727, %iota3A : vector<16xi32>
      %gather3A_1729 = tpu.vector_load_idx %arg9[%broadcast_in_dim3A_1705, %add3A_1728, %broadcast_in_dim3A_1702] : memref<4x64x128xf32, #tpu.memory_space<vmem>>[vector<16xi32>, vector<16xi32>, vector<16xi32>], vector<16xf32>,
      %gather3A_1730 = tpu.vector_load_idx %arg10[%broadcast_in_dim3A_1705, %add3A_1728, %broadcast_in_dim3A_1703] : memref<4x64x128xf32, #tpu.memory_space<vmem>>[vector<16xi32>, vector<16xi32>, vector<16xi32>], vector<16xf32>,
      %mul3A_1731 = arith.mulf %gather3A_1729, %gather3A_1730 : vector<16xf32>
      %add3A_1732 = arith.addf %add3A_1725, %mul3A_1731 : vector<16xf32>
      %reduce_sum3A_1733 = arith.constant true
      %reduce_sum3A_1734 = vector.broadcast %reduce_sum3A_1733 : i1 to vector<16xi1>
      %reduce_sum3A_1735 = tpu.scan <sum>, %add3A_1732 masked %reduce_sum3A_1734 : vector<16xf32>, vector<16xi1> -> vector<16xf32>
      %reduce_sum3A_1736 = vector.extract %reduce_sum3A_1735[15] : f32 from vector<16xf32>
      %eq3A_1737 = arith.constant 12 : i32
      %eq3A_1738 = vector.broadcast %eq3A_1737 : i32 to vector<16xi32>
      %eq3A_1739 = arith.cmpi eq, %iota3A, %eq3A_1738 : vector<16xi32>
      %broadcast_in_dim3A_1740 = vector.broadcast %reduce_sum3A_1736 : f32 to vector<16xf32>
      %select_n3A_1741 = arith.select %eq3A_1739, %broadcast_in_dim3A_1740, %select_n3A_1617 : vector<16xi1>, vector<16xf32>
      %eq3A_1742 = arith.cmpf oeq, %reduce_sum3A_1736, %reduce_sum3A_1736 : f32
      %jit3A_1743 = arith.constant 0 : i32
      %jit3A_1744 = arith.constant 1 : i32
      %select_n3A_1745 = arith.select %eq3A_1742, %jit3A_1743, %jit3A_1744 : i32
      %lt3A = arith.constant 31 : i32
      %lt3A_1746 = arith.cmpi slt, %scan3A_166, %lt3A : i32
      %convert_element_type3A = arith.extui %lt3A_1746 : i1 to i32
      %cond3A = arith.constant 0 : i32
      %cond3A_1747 = arith.cmpi ne, %convert_element_type3A, %cond3A : i32
      scf.if %cond3A_1747 {
        %slice3A_2010 = vector.extract_strided_slice %get3A_179 {offsets = [0], sizes = [1], strides = [1]} : vector<16xi32> to vector<1xi32>
        %squeeze3A_2011 = vector.extract %slice3A_2010[0] : i32 from vector<1xi32>
        %shift_right_arithmetic3A_2012 = arith.constant 7 : i32
        %shift_right_arithmetic3A_2013 = arith.shrsi %squeeze3A_2011, %shift_right_arithmetic3A_2012 : i32
        %add3A_2014 = arith.addi %shift_right_arithmetic3A_2013, %select_n3A_1745 : i32
        %mul3A_2015 = arith.constant 128 : i32
        %mul3A_2016 = arith.muli %add3A_2014, %mul3A_2015 : i32
        %multiple_of3A_2017 = tpu.assume_multiple %mul3A_2016, 128 : i32
        %dma_start3A_2018 = arith.constant 0 : i32
        %dma_start3A_2019 = arith.constant 0 : i32
        %dma_start3A_2020 = arith.constant 0 : i32
        %dma_start3A_2021 = tpu.memref_slice %arg9[%dma_start3A_2018, %dma_start3A_2019, %dma_start3A_2020] : memref<4x64x128xf32, #tpu.memory_space<vmem>> -> memref<1x64x128xf32, #tpu.memory_space<vmem>>
        %dma_start3A_2022 = tpu.memref_squeeze %dma_start3A_2021 : memref<1x64x128xf32, #tpu.memory_space<vmem>> -> memref<64x128xf32, #tpu.memory_space<vmem>>
        %dma_start3A_2023 = arith.constant 0 : i32
        %dma_start3A_2024 = tpu.memref_slice %arg4[%dma_start3A_2023, %multiple_of3A_2017] : memref<64x1000000xf32, #tpu.memory_space<hbm>> -> memref<64x128xf32, #tpu.memory_space<hbm>>
        %dma_start3A_2025 = arith.constant 0 : i32
        %dma_start3A_2026 = arith.constant 0 : i32
        %dma_start3A_2027 = tpu.memref_slice %arg9[%dma_start3A_2018, %dma_start3A_2025, %dma_start3A_2026] : memref<4x64x128xf32, #tpu.memory_space<vmem>> -> memref<1x64x128xf32, #tpu.memory_space<vmem>>
        %dma_start3A_2028 = tpu.memref_squeeze %dma_start3A_2027 : memref<1x64x128xf32, #tpu.memory_space<vmem>> -> memref<64x128xf32, #tpu.memory_space<vmem>>
        %dma_start3A_2029 = arith.constant 0 : i32
        %dma_start3A_2030 = tpu.memref_slice %arg4[%dma_start3A_2029, %multiple_of3A_2017] : memref<64x1000000xf32, #tpu.memory_space<hbm>> -> memref<64x128xf32, #tpu.memory_space<hbm>>
        tpu.enqueue_dma source(%dma_start3A_2030 : memref<64x128xf32, #tpu.memory_space<hbm>>) target(%dma_start3A_2028 : memref<64x128xf32, #tpu.memory_space<vmem>>) target_semaphore(%arg12 : memref<!tpu.dma_semaphore, #tpu.memory_space<semaphore_mem>>)
        %slice3A_2031 = vector.extract_strided_slice %get3A_181 {offsets = [0], sizes = [1], strides = [1]} : vector<16xi32> to vector<1xi32>
        %squeeze3A_2032 = vector.extract %slice3A_2031[0] : i32 from vector<1xi32>
        %shift_right_arithmetic3A_2033 = arith.constant 7 : i32
        %shift_right_arithmetic3A_2034 = arith.shrsi %squeeze3A_2032, %shift_right_arithmetic3A_2033 : i32
        %add3A_2035 = arith.addi %shift_right_arithmetic3A_2034, %select_n3A_1745 : i32
        %mul3A_2036 = arith.constant 128 : i32
        %mul3A_2037 = arith.muli %add3A_2035, %mul3A_2036 : i32
        %multiple_of3A_2038 = tpu.assume_multiple %mul3A_2037, 128 : i32
        %dma_start3A_2039 = arith.constant 0 : i32
        %dma_start3A_2040 = arith.constant 0 : i32
        %dma_start3A_2041 = arith.constant 0 : i32
        %dma_start3A_2042 = tpu.memref_slice %arg10[%dma_start3A_2039, %dma_start3A_2040, %dma_start3A_2041] : memref<4x64x128xf32, #tpu.memory_space<vmem>> -> memref<1x64x128xf32, #tpu.memory_space<vmem>>
        %dma_start3A_2043 = tpu.memref_squeeze %dma_start3A_2042 : memref<1x64x128xf32, #tpu.memory_space<vmem>> -> memref<64x128xf32, #tpu.memory_space<vmem>>
        %dma_start3A_2044 = arith.constant 0 : i32
        %dma_start3A_2045 = tpu.memref_slice %arg5[%dma_start3A_2044, %multiple_of3A_2038] : memref<64x1000000xf32, #tpu.memory_space<hbm>> -> memref<64x128xf32, #tpu.memory_space<hbm>>
        %dma_start3A_2046 = arith.constant 0 : i32
        %dma_start3A_2047 = arith.constant 0 : i32
        %dma_start3A_2048 = tpu.memref_slice %arg10[%dma_start3A_2039, %dma_start3A_2046, %dma_start3A_2047] : memref<4x64x128xf32, #tpu.memory_space<vmem>> -> memref<1x64x128xf32, #tpu.memory_space<vmem>>
        %dma_start3A_2049 = tpu.memref_squeeze %dma_start3A_2048 : memref<1x64x128xf32, #tpu.memory_space<vmem>> -> memref<64x128xf32, #tpu.memory_space<vmem>>
        %dma_start3A_2050 = arith.constant 0 : i32
        %dma_start3A_2051 = tpu.memref_slice %arg5[%dma_start3A_2050, %multiple_of3A_2038] : memref<64x1000000xf32, #tpu.memory_space<hbm>> -> memref<64x128xf32, #tpu.memory_space<hbm>>
        tpu.enqueue_dma source(%dma_start3A_2051 : memref<64x128xf32, #tpu.memory_space<hbm>>) target(%dma_start3A_2049 : memref<64x128xf32, #tpu.memory_space<vmem>>) target_semaphore(%arg16 : memref<!tpu.dma_semaphore, #tpu.memory_space<semaphore_mem>>)
      } else {
      }
      %dma_wait3A_1748 = arith.constant 1 : i32
      %dma_wait3A_1749 = arith.constant 0 : i32
      %dma_wait3A_1750 = arith.constant 0 : i32
      %dma_wait3A_1751 = tpu.memref_slice %arg9[%dma_wait3A_1748, %dma_wait3A_1749, %dma_wait3A_1750] : memref<4x64x128xf32, #tpu.memory_space<vmem>> -> memref<1x64x128xf32, #tpu.memory_space<vmem>>
      %dma_wait3A_1752 = tpu.memref_squeeze %dma_wait3A_1751 : memref<1x64x128xf32, #tpu.memory_space<vmem>> -> memref<64x128xf32, #tpu.memory_space<vmem>>
      %dma_wait3A_1753 = arith.constant 0 : i32
      %dma_wait3A_1754 = arith.constant 0 : i32
      %dma_wait3A_1755 = tpu.memref_slice %arg4[%dma_wait3A_1753, %dma_wait3A_1754] : memref<64x1000000xf32, #tpu.memory_space<hbm>> -> memref<64x128xf32, #tpu.memory_space<hbm>>
      %dma_wait3A_1756 = arith.constant 0 : i32
      %dma_wait3A_1757 = arith.constant 0 : i32
      %dma_wait3A_1758 = tpu.memref_slice %arg9[%dma_wait3A_1748, %dma_wait3A_1756, %dma_wait3A_1757] : memref<4x64x128xf32, #tpu.memory_space<vmem>> -> memref<1x64x128xf32, #tpu.memory_space<vmem>>
      %dma_wait3A_1759 = tpu.memref_squeeze %dma_wait3A_1758 : memref<1x64x128xf32, #tpu.memory_space<vmem>> -> memref<64x128xf32, #tpu.memory_space<vmem>>
      %dma_wait3A_1760 = arith.constant 0 : i32
      %dma_wait3A_1761 = arith.constant 0 : i32
      %dma_wait3A_1762 = tpu.memref_slice %arg4[%dma_wait3A_1760, %dma_wait3A_1761] : memref<64x1000000xf32, #tpu.memory_space<hbm>> -> memref<64x128xf32, #tpu.memory_space<hbm>>
      tpu.wait_dma2 semaphore(%arg13 : memref<!tpu.dma_semaphore, #tpu.memory_space<semaphore_mem>>) src(%dma_wait3A_1762 : memref<64x128xf32, #tpu.memory_space<hbm>>) dst(%dma_wait3A_1759 : memref<64x128xf32, #tpu.memory_space<vmem>>)
      %dma_wait3A_1763 = arith.constant 1 : i32
      %dma_wait3A_1764 = arith.constant 0 : i32
      %dma_wait3A_1765 = arith.constant 0 : i32
      %dma_wait3A_1766 = tpu.memref_slice %arg10[%dma_wait3A_1763, %dma_wait3A_1764, %dma_wait3A_1765] : memref<4x64x128xf32, #tpu.memory_space<vmem>> -> memref<1x64x128xf32, #tpu.memory_space<vmem>>
      %dma_wait3A_1767 = tpu.memref_squeeze %dma_wait3A_1766 : memref<1x64x128xf32, #tpu.memory_space<vmem>> -> memref<64x128xf32, #tpu.memory_space<vmem>>
      %dma_wait3A_1768 = arith.constant 0 : i32
      %dma_wait3A_1769 = arith.constant 0 : i32
      %dma_wait3A_1770 = tpu.memref_slice %arg5[%dma_wait3A_1768, %dma_wait3A_1769] : memref<64x1000000xf32, #tpu.memory_space<hbm>> -> memref<64x128xf32, #tpu.memory_space<hbm>>
      %dma_wait3A_1771 = arith.constant 0 : i32
      %dma_wait3A_1772 = arith.constant 0 : i32
      %dma_wait3A_1773 = tpu.memref_slice %arg10[%dma_wait3A_1763, %dma_wait3A_1771, %dma_wait3A_1772] : memref<4x64x128xf32, #tpu.memory_space<vmem>> -> memref<1x64x128xf32, #tpu.memory_space<vmem>>
      %dma_wait3A_1774 = tpu.memref_squeeze %dma_wait3A_1773 : memref<1x64x128xf32, #tpu.memory_space<vmem>> -> memref<64x128xf32, #tpu.memory_space<vmem>>
      %dma_wait3A_1775 = arith.constant 0 : i32
      %dma_wait3A_1776 = arith.constant 0 : i32
      %dma_wait3A_1777 = tpu.memref_slice %arg5[%dma_wait3A_1775, %dma_wait3A_1776] : memref<64x1000000xf32, #tpu.memory_space<hbm>> -> memref<64x128xf32, #tpu.memory_space<hbm>>
      tpu.wait_dma2 semaphore(%arg17 : memref<!tpu.dma_semaphore, #tpu.memory_space<semaphore_mem>>) src(%dma_wait3A_1777 : memref<64x128xf32, #tpu.memory_space<hbm>>) dst(%dma_wait3A_1774 : memref<64x128xf32, #tpu.memory_space<vmem>>)
      %slice3A_1778 = vector.extract_strided_slice %get3A_170 {offsets = [13], sizes = [1], strides = [1]} : vector<16xi32> to vector<1xi32>
      %squeeze3A_1779 = vector.extract %slice3A_1778[0] : i32 from vector<1xi32>
      %and3A_1780 = arith.constant 127 : i32
      %and3A_1781 = arith.andi %squeeze3A_1779, %and3A_1780 : i32
      %slice3A_1782 = vector.extract_strided_slice %get3A_172 {offsets = [13], sizes = [1], strides = [1]} : vector<16xi32> to vector<1xi32>
      %squeeze3A_1783 = vector.extract %slice3A_1782[0] : i32 from vector<1xi32>
      %and3A_1784 = arith.constant 127 : i32
      %and3A_1785 = arith.andi %squeeze3A_1783, %and3A_1784 : i32
      %broadcast_in_dim3A_1786 = vector.broadcast %and3A_1781 : i32 to vector<16xi32>
      %broadcast_in_dim3A_1787 = vector.broadcast %and3A_1785 : i32 to vector<16xi32>
      %broadcast_in_dim3A_1788 = arith.constant 1 : i32
      %broadcast_in_dim3A_1789 = vector.broadcast %broadcast_in_dim3A_1788 : i32 to vector<16xi32>
      %add3A_1790 = arith.constant 0 : i32
      %add3A_1791 = vector.broadcast %add3A_1790 : i32 to vector<16xi32>
      %add3A_1792 = arith.addi %add3A_1791, %iota3A : vector<16xi32>
      %gather3A_1793 = tpu.vector_load_idx %arg9[%broadcast_in_dim3A_1789, %add3A_1792, %broadcast_in_dim3A_1786] : memref<4x64x128xf32, #tpu.memory_space<vmem>>[vector<16xi32>, vector<16xi32>, vector<16xi32>], vector<16xf32>,
      %gather3A_1794 = tpu.vector_load_idx %arg10[%broadcast_in_dim3A_1789, %add3A_1792, %broadcast_in_dim3A_1787] : memref<4x64x128xf32, #tpu.memory_space<vmem>>[vector<16xi32>, vector<16xi32>, vector<16xi32>], vector<16xf32>,
      %mul3A_1795 = arith.mulf %gather3A_1793, %gather3A_1794 : vector<16xf32>
      %add3A_1796 = arith.constant 16 : i32
      %add3A_1797 = vector.broadcast %add3A_1796 : i32 to vector<16xi32>
      %add3A_1798 = arith.addi %add3A_1797, %iota3A : vector<16xi32>
      %gather3A_1799 = tpu.vector_load_idx %arg9[%broadcast_in_dim3A_1789, %add3A_1798, %broadcast_in_dim3A_1786] : memref<4x64x128xf32, #tpu.memory_space<vmem>>[vector<16xi32>, vector<16xi32>, vector<16xi32>], vector<16xf32>,
      %gather3A_1800 = tpu.vector_load_idx %arg10[%broadcast_in_dim3A_1789, %add3A_1798, %broadcast_in_dim3A_1787] : memref<4x64x128xf32, #tpu.memory_space<vmem>>[vector<16xi32>, vector<16xi32>, vector<16xi32>], vector<16xf32>,
      %mul3A_1801 = arith.mulf %gather3A_1799, %gather3A_1800 : vector<16xf32>
      %add3A_1802 = arith.addf %mul3A_1795, %mul3A_1801 : vector<16xf32>
      %add3A_1803 = arith.constant 32 : i32
      %add3A_1804 = vector.broadcast %add3A_1803 : i32 to vector<16xi32>
      %add3A_1805 = arith.addi %add3A_1804, %iota3A : vector<16xi32>
      %gather3A_1806 = tpu.vector_load_idx %arg9[%broadcast_in_dim3A_1789, %add3A_1805, %broadcast_in_dim3A_1786] : memref<4x64x128xf32, #tpu.memory_space<vmem>>[vector<16xi32>, vector<16xi32>, vector<16xi32>], vector<16xf32>,
      %gather3A_1807 = tpu.vector_load_idx %arg10[%broadcast_in_dim3A_1789, %add3A_1805, %broadcast_in_dim3A_1787] : memref<4x64x128xf32, #tpu.memory_space<vmem>>[vector<16xi32>, vector<16xi32>, vector<16xi32>], vector<16xf32>,
      %mul3A_1808 = arith.mulf %gather3A_1806, %gather3A_1807 : vector<16xf32>
      %add3A_1809 = arith.addf %add3A_1802, %mul3A_1808 : vector<16xf32>
      %add3A_1810 = arith.constant 48 : i32
      %add3A_1811 = vector.broadcast %add3A_1810 : i32 to vector<16xi32>
      %add3A_1812 = arith.addi %add3A_1811, %iota3A : vector<16xi32>
      %gather3A_1813 = tpu.vector_load_idx %arg9[%broadcast_in_dim3A_1789, %add3A_1812, %broadcast_in_dim3A_1786] : memref<4x64x128xf32, #tpu.memory_space<vmem>>[vector<16xi32>, vector<16xi32>, vector<16xi32>], vector<16xf32>,
      %gather3A_1814 = tpu.vector_load_idx %arg10[%broadcast_in_dim3A_1789, %add3A_1812, %broadcast_in_dim3A_1787] : memref<4x64x128xf32, #tpu.memory_space<vmem>>[vector<16xi32>, vector<16xi32>, vector<16xi32>], vector<16xf32>,
      %mul3A_1815 = arith.mulf %gather3A_1813, %gather3A_1814 : vector<16xf32>
      %add3A_1816 = arith.addf %add3A_1809, %mul3A_1815 : vector<16xf32>
      %reduce_sum3A_1817 = arith.constant true
      %reduce_sum3A_1818 = vector.broadcast %reduce_sum3A_1817 : i1 to vector<16xi1>
      %reduce_sum3A_1819 = tpu.scan <sum>, %add3A_1816 masked %reduce_sum3A_1818 : vector<16xf32>, vector<16xi1> -> vector<16xf32>
      %reduce_sum3A_1820 = vector.extract %reduce_sum3A_1819[15] : f32 from vector<16xf32>
      %eq3A_1821 = arith.constant 13 : i32
      %eq3A_1822 = vector.broadcast %eq3A_1821 : i32 to vector<16xi32>
      %eq3A_1823 = arith.cmpi eq, %iota3A, %eq3A_1822 : vector<16xi32>
      %broadcast_in_dim3A_1824 = vector.broadcast %reduce_sum3A_1820 : f32 to vector<16xf32>
      %select_n3A_1825 = arith.select %eq3A_1823, %broadcast_in_dim3A_1824, %select_n3A_1741 : vector<16xi1>, vector<16xf32>
      %eq3A_1826 = arith.cmpf oeq, %reduce_sum3A_1820, %reduce_sum3A_1820 : f32
      %jit3A_1827 = arith.constant 0 : i32
      %jit3A_1828 = arith.constant 1 : i32
      %select_n3A_1829 = arith.select %eq3A_1826, %jit3A_1827, %jit3A_1828 : i32
      %lt3A_1830 = arith.constant 31 : i32
      %lt3A_1831 = arith.cmpi slt, %scan3A_166, %lt3A_1830 : i32
      %convert_element_type3A_1832 = arith.extui %lt3A_1831 : i1 to i32
      %cond3A_1833 = arith.constant 0 : i32
      %cond3A_1834 = arith.cmpi ne, %convert_element_type3A_1832, %cond3A_1833 : i32
      scf.if %cond3A_1834 {
        %slice3A_2010 = vector.extract_strided_slice %get3A_179 {offsets = [1], sizes = [1], strides = [1]} : vector<16xi32> to vector<1xi32>
        %squeeze3A_2011 = vector.extract %slice3A_2010[0] : i32 from vector<1xi32>
        %shift_right_arithmetic3A_2012 = arith.constant 7 : i32
        %shift_right_arithmetic3A_2013 = arith.shrsi %squeeze3A_2011, %shift_right_arithmetic3A_2012 : i32
        %add3A_2014 = arith.addi %shift_right_arithmetic3A_2013, %select_n3A_1829 : i32
        %mul3A_2015 = arith.constant 128 : i32
        %mul3A_2016 = arith.muli %add3A_2014, %mul3A_2015 : i32
        %multiple_of3A_2017 = tpu.assume_multiple %mul3A_2016, 128 : i32
        %dma_start3A_2018 = arith.constant 1 : i32
        %dma_start3A_2019 = arith.constant 0 : i32
        %dma_start3A_2020 = arith.constant 0 : i32
        %dma_start3A_2021 = tpu.memref_slice %arg9[%dma_start3A_2018, %dma_start3A_2019, %dma_start3A_2020] : memref<4x64x128xf32, #tpu.memory_space<vmem>> -> memref<1x64x128xf32, #tpu.memory_space<vmem>>
        %dma_start3A_2022 = tpu.memref_squeeze %dma_start3A_2021 : memref<1x64x128xf32, #tpu.memory_space<vmem>> -> memref<64x128xf32, #tpu.memory_space<vmem>>
        %dma_start3A_2023 = arith.constant 0 : i32
        %dma_start3A_2024 = tpu.memref_slice %arg4[%dma_start3A_2023, %multiple_of3A_2017] : memref<64x1000000xf32, #tpu.memory_space<hbm>> -> memref<64x128xf32, #tpu.memory_space<hbm>>
        %dma_start3A_2025 = arith.constant 0 : i32
        %dma_start3A_2026 = arith.constant 0 : i32
        %dma_start3A_2027 = tpu.memref_slice %arg9[%dma_start3A_2018, %dma_start3A_2025, %dma_start3A_2026] : memref<4x64x128xf32, #tpu.memory_space<vmem>> -> memref<1x64x128xf32, #tpu.memory_space<vmem>>
        %dma_start3A_2028 = tpu.memref_squeeze %dma_start3A_2027 : memref<1x64x128xf32, #tpu.memory_space<vmem>> -> memref<64x128xf32, #tpu.memory_space<vmem>>
        %dma_start3A_2029 = arith.constant 0 : i32
        %dma_start3A_2030 = tpu.memref_slice %arg4[%dma_start3A_2029, %multiple_of3A_2017] : memref<64x1000000xf32, #tpu.memory_space<hbm>> -> memref<64x128xf32, #tpu.memory_space<hbm>>
        tpu.enqueue_dma source(%dma_start3A_2030 : memref<64x128xf32, #tpu.memory_space<hbm>>) target(%dma_start3A_2028 : memref<64x128xf32, #tpu.memory_space<vmem>>) target_semaphore(%arg13 : memref<!tpu.dma_semaphore, #tpu.memory_space<semaphore_mem>>)
        %slice3A_2031 = vector.extract_strided_slice %get3A_181 {offsets = [1], sizes = [1], strides = [1]} : vector<16xi32> to vector<1xi32>
        %squeeze3A_2032 = vector.extract %slice3A_2031[0] : i32 from vector<1xi32>
        %shift_right_arithmetic3A_2033 = arith.constant 7 : i32
        %shift_right_arithmetic3A_2034 = arith.shrsi %squeeze3A_2032, %shift_right_arithmetic3A_2033 : i32
        %add3A_2035 = arith.addi %shift_right_arithmetic3A_2034, %select_n3A_1829 : i32
        %mul3A_2036 = arith.constant 128 : i32
        %mul3A_2037 = arith.muli %add3A_2035, %mul3A_2036 : i32
        %multiple_of3A_2038 = tpu.assume_multiple %mul3A_2037, 128 : i32
        %dma_start3A_2039 = arith.constant 1 : i32
        %dma_start3A_2040 = arith.constant 0 : i32
        %dma_start3A_2041 = arith.constant 0 : i32
        %dma_start3A_2042 = tpu.memref_slice %arg10[%dma_start3A_2039, %dma_start3A_2040, %dma_start3A_2041] : memref<4x64x128xf32, #tpu.memory_space<vmem>> -> memref<1x64x128xf32, #tpu.memory_space<vmem>>
        %dma_start3A_2043 = tpu.memref_squeeze %dma_start3A_2042 : memref<1x64x128xf32, #tpu.memory_space<vmem>> -> memref<64x128xf32, #tpu.memory_space<vmem>>
        %dma_start3A_2044 = arith.constant 0 : i32
        %dma_start3A_2045 = tpu.memref_slice %arg5[%dma_start3A_2044, %multiple_of3A_2038] : memref<64x1000000xf32, #tpu.memory_space<hbm>> -> memref<64x128xf32, #tpu.memory_space<hbm>>
        %dma_start3A_2046 = arith.constant 0 : i32
        %dma_start3A_2047 = arith.constant 0 : i32
        %dma_start3A_2048 = tpu.memref_slice %arg10[%dma_start3A_2039, %dma_start3A_2046, %dma_start3A_2047] : memref<4x64x128xf32, #tpu.memory_space<vmem>> -> memref<1x64x128xf32, #tpu.memory_space<vmem>>
        %dma_start3A_2049 = tpu.memref_squeeze %dma_start3A_2048 : memref<1x64x128xf32, #tpu.memory_space<vmem>> -> memref<64x128xf32, #tpu.memory_space<vmem>>
        %dma_start3A_2050 = arith.constant 0 : i32
        %dma_start3A_2051 = tpu.memref_slice %arg5[%dma_start3A_2050, %multiple_of3A_2038] : memref<64x1000000xf32, #tpu.memory_space<hbm>> -> memref<64x128xf32, #tpu.memory_space<hbm>>
        tpu.enqueue_dma source(%dma_start3A_2051 : memref<64x128xf32, #tpu.memory_space<hbm>>) target(%dma_start3A_2049 : memref<64x128xf32, #tpu.memory_space<vmem>>) target_semaphore(%arg17 : memref<!tpu.dma_semaphore, #tpu.memory_space<semaphore_mem>>)
      } else {
      }
      %dma_wait3A_1835 = arith.constant 2 : i32
      %dma_wait3A_1836 = arith.constant 0 : i32
      %dma_wait3A_1837 = arith.constant 0 : i32
      %dma_wait3A_1838 = tpu.memref_slice %arg9[%dma_wait3A_1835, %dma_wait3A_1836, %dma_wait3A_1837] : memref<4x64x128xf32, #tpu.memory_space<vmem>> -> memref<1x64x128xf32, #tpu.memory_space<vmem>>
      %dma_wait3A_1839 = tpu.memref_squeeze %dma_wait3A_1838 : memref<1x64x128xf32, #tpu.memory_space<vmem>> -> memref<64x128xf32, #tpu.memory_space<vmem>>
      %dma_wait3A_1840 = arith.constant 0 : i32
      %dma_wait3A_1841 = arith.constant 0 : i32
      %dma_wait3A_1842 = tpu.memref_slice %arg4[%dma_wait3A_1840, %dma_wait3A_1841] : memref<64x1000000xf32, #tpu.memory_space<hbm>> -> memref<64x128xf32, #tpu.memory_space<hbm>>
      %dma_wait3A_1843 = arith.constant 0 : i32
      %dma_wait3A_1844 = arith.constant 0 : i32
      %dma_wait3A_1845 = tpu.memref_slice %arg9[%dma_wait3A_1835, %dma_wait3A_1843, %dma_wait3A_1844] : memref<4x64x128xf32, #tpu.memory_space<vmem>> -> memref<1x64x128xf32, #tpu.memory_space<vmem>>
      %dma_wait3A_1846 = tpu.memref_squeeze %dma_wait3A_1845 : memref<1x64x128xf32, #tpu.memory_space<vmem>> -> memref<64x128xf32, #tpu.memory_space<vmem>>
      %dma_wait3A_1847 = arith.constant 0 : i32
      %dma_wait3A_1848 = arith.constant 0 : i32
      %dma_wait3A_1849 = tpu.memref_slice %arg4[%dma_wait3A_1847, %dma_wait3A_1848] : memref<64x1000000xf32, #tpu.memory_space<hbm>> -> memref<64x128xf32, #tpu.memory_space<hbm>>
      tpu.wait_dma2 semaphore(%arg14 : memref<!tpu.dma_semaphore, #tpu.memory_space<semaphore_mem>>) src(%dma_wait3A_1849 : memref<64x128xf32, #tpu.memory_space<hbm>>) dst(%dma_wait3A_1846 : memref<64x128xf32, #tpu.memory_space<vmem>>)
      %dma_wait3A_1850 = arith.constant 2 : i32
      %dma_wait3A_1851 = arith.constant 0 : i32
      %dma_wait3A_1852 = arith.constant 0 : i32
      %dma_wait3A_1853 = tpu.memref_slice %arg10[%dma_wait3A_1850, %dma_wait3A_1851, %dma_wait3A_1852] : memref<4x64x128xf32, #tpu.memory_space<vmem>> -> memref<1x64x128xf32, #tpu.memory_space<vmem>>
      %dma_wait3A_1854 = tpu.memref_squeeze %dma_wait3A_1853 : memref<1x64x128xf32, #tpu.memory_space<vmem>> -> memref<64x128xf32, #tpu.memory_space<vmem>>
      %dma_wait3A_1855 = arith.constant 0 : i32
      %dma_wait3A_1856 = arith.constant 0 : i32
      %dma_wait3A_1857 = tpu.memref_slice %arg5[%dma_wait3A_1855, %dma_wait3A_1856] : memref<64x1000000xf32, #tpu.memory_space<hbm>> -> memref<64x128xf32, #tpu.memory_space<hbm>>
      %dma_wait3A_1858 = arith.constant 0 : i32
      %dma_wait3A_1859 = arith.constant 0 : i32
      %dma_wait3A_1860 = tpu.memref_slice %arg10[%dma_wait3A_1850, %dma_wait3A_1858, %dma_wait3A_1859] : memref<4x64x128xf32, #tpu.memory_space<vmem>> -> memref<1x64x128xf32, #tpu.memory_space<vmem>>
      %dma_wait3A_1861 = tpu.memref_squeeze %dma_wait3A_1860 : memref<1x64x128xf32, #tpu.memory_space<vmem>> -> memref<64x128xf32, #tpu.memory_space<vmem>>
      %dma_wait3A_1862 = arith.constant 0 : i32
      %dma_wait3A_1863 = arith.constant 0 : i32
      %dma_wait3A_1864 = tpu.memref_slice %arg5[%dma_wait3A_1862, %dma_wait3A_1863] : memref<64x1000000xf32, #tpu.memory_space<hbm>> -> memref<64x128xf32, #tpu.memory_space<hbm>>
      tpu.wait_dma2 semaphore(%arg18 : memref<!tpu.dma_semaphore, #tpu.memory_space<semaphore_mem>>) src(%dma_wait3A_1864 : memref<64x128xf32, #tpu.memory_space<hbm>>) dst(%dma_wait3A_1861 : memref<64x128xf32, #tpu.memory_space<vmem>>)
      %slice3A_1865 = vector.extract_strided_slice %get3A_170 {offsets = [14], sizes = [1], strides = [1]} : vector<16xi32> to vector<1xi32>
      %squeeze3A_1866 = vector.extract %slice3A_1865[0] : i32 from vector<1xi32>
      %and3A_1867 = arith.constant 127 : i32
      %and3A_1868 = arith.andi %squeeze3A_1866, %and3A_1867 : i32
      %slice3A_1869 = vector.extract_strided_slice %get3A_172 {offsets = [14], sizes = [1], strides = [1]} : vector<16xi32> to vector<1xi32>
      %squeeze3A_1870 = vector.extract %slice3A_1869[0] : i32 from vector<1xi32>
      %and3A_1871 = arith.constant 127 : i32
      %and3A_1872 = arith.andi %squeeze3A_1870, %and3A_1871 : i32
      %broadcast_in_dim3A_1873 = vector.broadcast %and3A_1868 : i32 to vector<16xi32>
      %broadcast_in_dim3A_1874 = vector.broadcast %and3A_1872 : i32 to vector<16xi32>
      %broadcast_in_dim3A_1875 = arith.constant 2 : i32
      %broadcast_in_dim3A_1876 = vector.broadcast %broadcast_in_dim3A_1875 : i32 to vector<16xi32>
      %add3A_1877 = arith.constant 0 : i32
      %add3A_1878 = vector.broadcast %add3A_1877 : i32 to vector<16xi32>
      %add3A_1879 = arith.addi %add3A_1878, %iota3A : vector<16xi32>
      %gather3A_1880 = tpu.vector_load_idx %arg9[%broadcast_in_dim3A_1876, %add3A_1879, %broadcast_in_dim3A_1873] : memref<4x64x128xf32, #tpu.memory_space<vmem>>[vector<16xi32>, vector<16xi32>, vector<16xi32>], vector<16xf32>,
      %gather3A_1881 = tpu.vector_load_idx %arg10[%broadcast_in_dim3A_1876, %add3A_1879, %broadcast_in_dim3A_1874] : memref<4x64x128xf32, #tpu.memory_space<vmem>>[vector<16xi32>, vector<16xi32>, vector<16xi32>], vector<16xf32>,
      %mul3A_1882 = arith.mulf %gather3A_1880, %gather3A_1881 : vector<16xf32>
      %add3A_1883 = arith.constant 16 : i32
      %add3A_1884 = vector.broadcast %add3A_1883 : i32 to vector<16xi32>
      %add3A_1885 = arith.addi %add3A_1884, %iota3A : vector<16xi32>
      %gather3A_1886 = tpu.vector_load_idx %arg9[%broadcast_in_dim3A_1876, %add3A_1885, %broadcast_in_dim3A_1873] : memref<4x64x128xf32, #tpu.memory_space<vmem>>[vector<16xi32>, vector<16xi32>, vector<16xi32>], vector<16xf32>,
      %gather3A_1887 = tpu.vector_load_idx %arg10[%broadcast_in_dim3A_1876, %add3A_1885, %broadcast_in_dim3A_1874] : memref<4x64x128xf32, #tpu.memory_space<vmem>>[vector<16xi32>, vector<16xi32>, vector<16xi32>], vector<16xf32>,
      %mul3A_1888 = arith.mulf %gather3A_1886, %gather3A_1887 : vector<16xf32>
      %add3A_1889 = arith.addf %mul3A_1882, %mul3A_1888 : vector<16xf32>
      %add3A_1890 = arith.constant 32 : i32
      %add3A_1891 = vector.broadcast %add3A_1890 : i32 to vector<16xi32>
      %add3A_1892 = arith.addi %add3A_1891, %iota3A : vector<16xi32>
      %gather3A_1893 = tpu.vector_load_idx %arg9[%broadcast_in_dim3A_1876, %add3A_1892, %broadcast_in_dim3A_1873] : memref<4x64x128xf32, #tpu.memory_space<vmem>>[vector<16xi32>, vector<16xi32>, vector<16xi32>], vector<16xf32>,
      %gather3A_1894 = tpu.vector_load_idx %arg10[%broadcast_in_dim3A_1876, %add3A_1892, %broadcast_in_dim3A_1874] : memref<4x64x128xf32, #tpu.memory_space<vmem>>[vector<16xi32>, vector<16xi32>, vector<16xi32>], vector<16xf32>,
      %mul3A_1895 = arith.mulf %gather3A_1893, %gather3A_1894 : vector<16xf32>
      %add3A_1896 = arith.addf %add3A_1889, %mul3A_1895 : vector<16xf32>
      %add3A_1897 = arith.constant 48 : i32
      %add3A_1898 = vector.broadcast %add3A_1897 : i32 to vector<16xi32>
      %add3A_1899 = arith.addi %add3A_1898, %iota3A : vector<16xi32>
      %gather3A_1900 = tpu.vector_load_idx %arg9[%broadcast_in_dim3A_1876, %add3A_1899, %broadcast_in_dim3A_1873] : memref<4x64x128xf32, #tpu.memory_space<vmem>>[vector<16xi32>, vector<16xi32>, vector<16xi32>], vector<16xf32>,
      %gather3A_1901 = tpu.vector_load_idx %arg10[%broadcast_in_dim3A_1876, %add3A_1899, %broadcast_in_dim3A_1874] : memref<4x64x128xf32, #tpu.memory_space<vmem>>[vector<16xi32>, vector<16xi32>, vector<16xi32>], vector<16xf32>,
      %mul3A_1902 = arith.mulf %gather3A_1900, %gather3A_1901 : vector<16xf32>
      %add3A_1903 = arith.addf %add3A_1896, %mul3A_1902 : vector<16xf32>
      %reduce_sum3A_1904 = arith.constant true
      %reduce_sum3A_1905 = vector.broadcast %reduce_sum3A_1904 : i1 to vector<16xi1>
      %reduce_sum3A_1906 = tpu.scan <sum>, %add3A_1903 masked %reduce_sum3A_1905 : vector<16xf32>, vector<16xi1> -> vector<16xf32>
      %reduce_sum3A_1907 = vector.extract %reduce_sum3A_1906[15] : f32 from vector<16xf32>
      %eq3A_1908 = arith.constant 14 : i32
      %eq3A_1909 = vector.broadcast %eq3A_1908 : i32 to vector<16xi32>
      %eq3A_1910 = arith.cmpi eq, %iota3A, %eq3A_1909 : vector<16xi32>
      %broadcast_in_dim3A_1911 = vector.broadcast %reduce_sum3A_1907 : f32 to vector<16xf32>
      %select_n3A_1912 = arith.select %eq3A_1910, %broadcast_in_dim3A_1911, %select_n3A_1825 : vector<16xi1>, vector<16xf32>
      %eq3A_1913 = arith.cmpf oeq, %reduce_sum3A_1907, %reduce_sum3A_1907 : f32
      %jit3A_1914 = arith.constant 0 : i32
      %jit3A_1915 = arith.constant 1 : i32
      %select_n3A_1916 = arith.select %eq3A_1913, %jit3A_1914, %jit3A_1915 : i32
      %lt3A_1917 = arith.constant 31 : i32
      %lt3A_1918 = arith.cmpi slt, %scan3A_166, %lt3A_1917 : i32
      %convert_element_type3A_1919 = arith.extui %lt3A_1918 : i1 to i32
      %cond3A_1920 = arith.constant 0 : i32
      %cond3A_1921 = arith.cmpi ne, %convert_element_type3A_1919, %cond3A_1920 : i32
      scf.if %cond3A_1921 {
        %slice3A_2010 = vector.extract_strided_slice %get3A_179 {offsets = [2], sizes = [1], strides = [1]} : vector<16xi32> to vector<1xi32>
        %squeeze3A_2011 = vector.extract %slice3A_2010[0] : i32 from vector<1xi32>
        %shift_right_arithmetic3A_2012 = arith.constant 7 : i32
        %shift_right_arithmetic3A_2013 = arith.shrsi %squeeze3A_2011, %shift_right_arithmetic3A_2012 : i32
        %add3A_2014 = arith.addi %shift_right_arithmetic3A_2013, %select_n3A_1916 : i32
        %mul3A_2015 = arith.constant 128 : i32
        %mul3A_2016 = arith.muli %add3A_2014, %mul3A_2015 : i32
        %multiple_of3A_2017 = tpu.assume_multiple %mul3A_2016, 128 : i32
        %dma_start3A_2018 = arith.constant 2 : i32
        %dma_start3A_2019 = arith.constant 0 : i32
        %dma_start3A_2020 = arith.constant 0 : i32
        %dma_start3A_2021 = tpu.memref_slice %arg9[%dma_start3A_2018, %dma_start3A_2019, %dma_start3A_2020] : memref<4x64x128xf32, #tpu.memory_space<vmem>> -> memref<1x64x128xf32, #tpu.memory_space<vmem>>
        %dma_start3A_2022 = tpu.memref_squeeze %dma_start3A_2021 : memref<1x64x128xf32, #tpu.memory_space<vmem>> -> memref<64x128xf32, #tpu.memory_space<vmem>>
        %dma_start3A_2023 = arith.constant 0 : i32
        %dma_start3A_2024 = tpu.memref_slice %arg4[%dma_start3A_2023, %multiple_of3A_2017] : memref<64x1000000xf32, #tpu.memory_space<hbm>> -> memref<64x128xf32, #tpu.memory_space<hbm>>
        %dma_start3A_2025 = arith.constant 0 : i32
        %dma_start3A_2026 = arith.constant 0 : i32
        %dma_start3A_2027 = tpu.memref_slice %arg9[%dma_start3A_2018, %dma_start3A_2025, %dma_start3A_2026] : memref<4x64x128xf32, #tpu.memory_space<vmem>> -> memref<1x64x128xf32, #tpu.memory_space<vmem>>
        %dma_start3A_2028 = tpu.memref_squeeze %dma_start3A_2027 : memref<1x64x128xf32, #tpu.memory_space<vmem>> -> memref<64x128xf32, #tpu.memory_space<vmem>>
        %dma_start3A_2029 = arith.constant 0 : i32
        %dma_start3A_2030 = tpu.memref_slice %arg4[%dma_start3A_2029, %multiple_of3A_2017] : memref<64x1000000xf32, #tpu.memory_space<hbm>> -> memref<64x128xf32, #tpu.memory_space<hbm>>
        tpu.enqueue_dma source(%dma_start3A_2030 : memref<64x128xf32, #tpu.memory_space<hbm>>) target(%dma_start3A_2028 : memref<64x128xf32, #tpu.memory_space<vmem>>) target_semaphore(%arg14 : memref<!tpu.dma_semaphore, #tpu.memory_space<semaphore_mem>>)
        %slice3A_2031 = vector.extract_strided_slice %get3A_181 {offsets = [2], sizes = [1], strides = [1]} : vector<16xi32> to vector<1xi32>
        %squeeze3A_2032 = vector.extract %slice3A_2031[0] : i32 from vector<1xi32>
        %shift_right_arithmetic3A_2033 = arith.constant 7 : i32
        %shift_right_arithmetic3A_2034 = arith.shrsi %squeeze3A_2032, %shift_right_arithmetic3A_2033 : i32
        %add3A_2035 = arith.addi %shift_right_arithmetic3A_2034, %select_n3A_1916 : i32
        %mul3A_2036 = arith.constant 128 : i32
        %mul3A_2037 = arith.muli %add3A_2035, %mul3A_2036 : i32
        %multiple_of3A_2038 = tpu.assume_multiple %mul3A_2037, 128 : i32
        %dma_start3A_2039 = arith.constant 2 : i32
        %dma_start3A_2040 = arith.constant 0 : i32
        %dma_start3A_2041 = arith.constant 0 : i32
        %dma_start3A_2042 = tpu.memref_slice %arg10[%dma_start3A_2039, %dma_start3A_2040, %dma_start3A_2041] : memref<4x64x128xf32, #tpu.memory_space<vmem>> -> memref<1x64x128xf32, #tpu.memory_space<vmem>>
        %dma_start3A_2043 = tpu.memref_squeeze %dma_start3A_2042 : memref<1x64x128xf32, #tpu.memory_space<vmem>> -> memref<64x128xf32, #tpu.memory_space<vmem>>
        %dma_start3A_2044 = arith.constant 0 : i32
        %dma_start3A_2045 = tpu.memref_slice %arg5[%dma_start3A_2044, %multiple_of3A_2038] : memref<64x1000000xf32, #tpu.memory_space<hbm>> -> memref<64x128xf32, #tpu.memory_space<hbm>>
        %dma_start3A_2046 = arith.constant 0 : i32
        %dma_start3A_2047 = arith.constant 0 : i32
        %dma_start3A_2048 = tpu.memref_slice %arg10[%dma_start3A_2039, %dma_start3A_2046, %dma_start3A_2047] : memref<4x64x128xf32, #tpu.memory_space<vmem>> -> memref<1x64x128xf32, #tpu.memory_space<vmem>>
        %dma_start3A_2049 = tpu.memref_squeeze %dma_start3A_2048 : memref<1x64x128xf32, #tpu.memory_space<vmem>> -> memref<64x128xf32, #tpu.memory_space<vmem>>
        %dma_start3A_2050 = arith.constant 0 : i32
        %dma_start3A_2051 = tpu.memref_slice %arg5[%dma_start3A_2050, %multiple_of3A_2038] : memref<64x1000000xf32, #tpu.memory_space<hbm>> -> memref<64x128xf32, #tpu.memory_space<hbm>>
        tpu.enqueue_dma source(%dma_start3A_2051 : memref<64x128xf32, #tpu.memory_space<hbm>>) target(%dma_start3A_2049 : memref<64x128xf32, #tpu.memory_space<vmem>>) target_semaphore(%arg18 : memref<!tpu.dma_semaphore, #tpu.memory_space<semaphore_mem>>)
      } else {
      }
      %dma_wait3A_1922 = arith.constant 3 : i32
      %dma_wait3A_1923 = arith.constant 0 : i32
      %dma_wait3A_1924 = arith.constant 0 : i32
      %dma_wait3A_1925 = tpu.memref_slice %arg9[%dma_wait3A_1922, %dma_wait3A_1923, %dma_wait3A_1924] : memref<4x64x128xf32, #tpu.memory_space<vmem>> -> memref<1x64x128xf32, #tpu.memory_space<vmem>>
      %dma_wait3A_1926 = tpu.memref_squeeze %dma_wait3A_1925 : memref<1x64x128xf32, #tpu.memory_space<vmem>> -> memref<64x128xf32, #tpu.memory_space<vmem>>
      %dma_wait3A_1927 = arith.constant 0 : i32
      %dma_wait3A_1928 = arith.constant 0 : i32
      %dma_wait3A_1929 = tpu.memref_slice %arg4[%dma_wait3A_1927, %dma_wait3A_1928] : memref<64x1000000xf32, #tpu.memory_space<hbm>> -> memref<64x128xf32, #tpu.memory_space<hbm>>
      %dma_wait3A_1930 = arith.constant 0 : i32
      %dma_wait3A_1931 = arith.constant 0 : i32
      %dma_wait3A_1932 = tpu.memref_slice %arg9[%dma_wait3A_1922, %dma_wait3A_1930, %dma_wait3A_1931] : memref<4x64x128xf32, #tpu.memory_space<vmem>> -> memref<1x64x128xf32, #tpu.memory_space<vmem>>
      %dma_wait3A_1933 = tpu.memref_squeeze %dma_wait3A_1932 : memref<1x64x128xf32, #tpu.memory_space<vmem>> -> memref<64x128xf32, #tpu.memory_space<vmem>>
      %dma_wait3A_1934 = arith.constant 0 : i32
      %dma_wait3A_1935 = arith.constant 0 : i32
      %dma_wait3A_1936 = tpu.memref_slice %arg4[%dma_wait3A_1934, %dma_wait3A_1935] : memref<64x1000000xf32, #tpu.memory_space<hbm>> -> memref<64x128xf32, #tpu.memory_space<hbm>>
      tpu.wait_dma2 semaphore(%arg15 : memref<!tpu.dma_semaphore, #tpu.memory_space<semaphore_mem>>) src(%dma_wait3A_1936 : memref<64x128xf32, #tpu.memory_space<hbm>>) dst(%dma_wait3A_1933 : memref<64x128xf32, #tpu.memory_space<vmem>>)
      %dma_wait3A_1937 = arith.constant 3 : i32
      %dma_wait3A_1938 = arith.constant 0 : i32
      %dma_wait3A_1939 = arith.constant 0 : i32
      %dma_wait3A_1940 = tpu.memref_slice %arg10[%dma_wait3A_1937, %dma_wait3A_1938, %dma_wait3A_1939] : memref<4x64x128xf32, #tpu.memory_space<vmem>> -> memref<1x64x128xf32, #tpu.memory_space<vmem>>
      %dma_wait3A_1941 = tpu.memref_squeeze %dma_wait3A_1940 : memref<1x64x128xf32, #tpu.memory_space<vmem>> -> memref<64x128xf32, #tpu.memory_space<vmem>>
      %dma_wait3A_1942 = arith.constant 0 : i32
      %dma_wait3A_1943 = arith.constant 0 : i32
      %dma_wait3A_1944 = tpu.memref_slice %arg5[%dma_wait3A_1942, %dma_wait3A_1943] : memref<64x1000000xf32, #tpu.memory_space<hbm>> -> memref<64x128xf32, #tpu.memory_space<hbm>>
      %dma_wait3A_1945 = arith.constant 0 : i32
      %dma_wait3A_1946 = arith.constant 0 : i32
      %dma_wait3A_1947 = tpu.memref_slice %arg10[%dma_wait3A_1937, %dma_wait3A_1945, %dma_wait3A_1946] : memref<4x64x128xf32, #tpu.memory_space<vmem>> -> memref<1x64x128xf32, #tpu.memory_space<vmem>>
      %dma_wait3A_1948 = tpu.memref_squeeze %dma_wait3A_1947 : memref<1x64x128xf32, #tpu.memory_space<vmem>> -> memref<64x128xf32, #tpu.memory_space<vmem>>
      %dma_wait3A_1949 = arith.constant 0 : i32
      %dma_wait3A_1950 = arith.constant 0 : i32
      %dma_wait3A_1951 = tpu.memref_slice %arg5[%dma_wait3A_1949, %dma_wait3A_1950] : memref<64x1000000xf32, #tpu.memory_space<hbm>> -> memref<64x128xf32, #tpu.memory_space<hbm>>
      tpu.wait_dma2 semaphore(%arg19 : memref<!tpu.dma_semaphore, #tpu.memory_space<semaphore_mem>>) src(%dma_wait3A_1951 : memref<64x128xf32, #tpu.memory_space<hbm>>) dst(%dma_wait3A_1948 : memref<64x128xf32, #tpu.memory_space<vmem>>)
      %slice3A_1952 = vector.extract_strided_slice %get3A_170 {offsets = [15], sizes = [1], strides = [1]} : vector<16xi32> to vector<1xi32>
      %squeeze3A_1953 = vector.extract %slice3A_1952[0] : i32 from vector<1xi32>
      %and3A_1954 = arith.constant 127 : i32
      %and3A_1955 = arith.andi %squeeze3A_1953, %and3A_1954 : i32
      %slice3A_1956 = vector.extract_strided_slice %get3A_172 {offsets = [15], sizes = [1], strides = [1]} : vector<16xi32> to vector<1xi32>
      %squeeze3A_1957 = vector.extract %slice3A_1956[0] : i32 from vector<1xi32>
      %and3A_1958 = arith.constant 127 : i32
      %and3A_1959 = arith.andi %squeeze3A_1957, %and3A_1958 : i32
      %broadcast_in_dim3A_1960 = vector.broadcast %and3A_1955 : i32 to vector<16xi32>
      %broadcast_in_dim3A_1961 = vector.broadcast %and3A_1959 : i32 to vector<16xi32>
      %broadcast_in_dim3A_1962 = arith.constant 3 : i32
      %broadcast_in_dim3A_1963 = vector.broadcast %broadcast_in_dim3A_1962 : i32 to vector<16xi32>
      %add3A_1964 = arith.constant 0 : i32
      %add3A_1965 = vector.broadcast %add3A_1964 : i32 to vector<16xi32>
      %add3A_1966 = arith.addi %add3A_1965, %iota3A : vector<16xi32>
      %gather3A_1967 = tpu.vector_load_idx %arg9[%broadcast_in_dim3A_1963, %add3A_1966, %broadcast_in_dim3A_1960] : memref<4x64x128xf32, #tpu.memory_space<vmem>>[vector<16xi32>, vector<16xi32>, vector<16xi32>], vector<16xf32>,
      %gather3A_1968 = tpu.vector_load_idx %arg10[%broadcast_in_dim3A_1963, %add3A_1966, %broadcast_in_dim3A_1961] : memref<4x64x128xf32, #tpu.memory_space<vmem>>[vector<16xi32>, vector<16xi32>, vector<16xi32>], vector<16xf32>,
      %mul3A_1969 = arith.mulf %gather3A_1967, %gather3A_1968 : vector<16xf32>
      %add3A_1970 = arith.constant 16 : i32
      %add3A_1971 = vector.broadcast %add3A_1970 : i32 to vector<16xi32>
      %add3A_1972 = arith.addi %add3A_1971, %iota3A : vector<16xi32>
      %gather3A_1973 = tpu.vector_load_idx %arg9[%broadcast_in_dim3A_1963, %add3A_1972, %broadcast_in_dim3A_1960] : memref<4x64x128xf32, #tpu.memory_space<vmem>>[vector<16xi32>, vector<16xi32>, vector<16xi32>], vector<16xf32>,
      %gather3A_1974 = tpu.vector_load_idx %arg10[%broadcast_in_dim3A_1963, %add3A_1972, %broadcast_in_dim3A_1961] : memref<4x64x128xf32, #tpu.memory_space<vmem>>[vector<16xi32>, vector<16xi32>, vector<16xi32>], vector<16xf32>,
      %mul3A_1975 = arith.mulf %gather3A_1973, %gather3A_1974 : vector<16xf32>
      %add3A_1976 = arith.addf %mul3A_1969, %mul3A_1975 : vector<16xf32>
      %add3A_1977 = arith.constant 32 : i32
      %add3A_1978 = vector.broadcast %add3A_1977 : i32 to vector<16xi32>
      %add3A_1979 = arith.addi %add3A_1978, %iota3A : vector<16xi32>
      %gather3A_1980 = tpu.vector_load_idx %arg9[%broadcast_in_dim3A_1963, %add3A_1979, %broadcast_in_dim3A_1960] : memref<4x64x128xf32, #tpu.memory_space<vmem>>[vector<16xi32>, vector<16xi32>, vector<16xi32>], vector<16xf32>,
      %gather3A_1981 = tpu.vector_load_idx %arg10[%broadcast_in_dim3A_1963, %add3A_1979, %broadcast_in_dim3A_1961] : memref<4x64x128xf32, #tpu.memory_space<vmem>>[vector<16xi32>, vector<16xi32>, vector<16xi32>], vector<16xf32>,
      %mul3A_1982 = arith.mulf %gather3A_1980, %gather3A_1981 : vector<16xf32>
      %add3A_1983 = arith.addf %add3A_1976, %mul3A_1982 : vector<16xf32>
      %add3A_1984 = arith.constant 48 : i32
      %add3A_1985 = vector.broadcast %add3A_1984 : i32 to vector<16xi32>
      %add3A_1986 = arith.addi %add3A_1985, %iota3A : vector<16xi32>
      %gather3A_1987 = tpu.vector_load_idx %arg9[%broadcast_in_dim3A_1963, %add3A_1986, %broadcast_in_dim3A_1960] : memref<4x64x128xf32, #tpu.memory_space<vmem>>[vector<16xi32>, vector<16xi32>, vector<16xi32>], vector<16xf32>,
      %gather3A_1988 = tpu.vector_load_idx %arg10[%broadcast_in_dim3A_1963, %add3A_1986, %broadcast_in_dim3A_1961] : memref<4x64x128xf32, #tpu.memory_space<vmem>>[vector<16xi32>, vector<16xi32>, vector<16xi32>], vector<16xf32>,
      %mul3A_1989 = arith.mulf %gather3A_1987, %gather3A_1988 : vector<16xf32>
      %add3A_1990 = arith.addf %add3A_1983, %mul3A_1989 : vector<16xf32>
      %reduce_sum3A_1991 = arith.constant true
      %reduce_sum3A_1992 = vector.broadcast %reduce_sum3A_1991 : i1 to vector<16xi1>
      %reduce_sum3A_1993 = tpu.scan <sum>, %add3A_1990 masked %reduce_sum3A_1992 : vector<16xf32>, vector<16xi1> -> vector<16xf32>
      %reduce_sum3A_1994 = vector.extract %reduce_sum3A_1993[15] : f32 from vector<16xf32>
      %eq3A_1995 = arith.constant 15 : i32
      %eq3A_1996 = vector.broadcast %eq3A_1995 : i32 to vector<16xi32>
      %eq3A_1997 = arith.cmpi eq, %iota3A, %eq3A_1996 : vector<16xi32>
      %broadcast_in_dim3A_1998 = vector.broadcast %reduce_sum3A_1994 : f32 to vector<16xf32>
      %select_n3A_1999 = arith.select %eq3A_1997, %broadcast_in_dim3A_1998, %select_n3A_1912 : vector<16xi1>, vector<16xf32>
      %eq3A_2000 = arith.cmpf oeq, %reduce_sum3A_1994, %reduce_sum3A_1994 : f32
      %jit3A_2001 = arith.constant 0 : i32
      %jit3A_2002 = arith.constant 1 : i32
      %select_n3A_2003 = arith.select %eq3A_2000, %jit3A_2001, %jit3A_2002 : i32
      %lt3A_2004 = arith.constant 31 : i32
      %lt3A_2005 = arith.cmpi slt, %scan3A_166, %lt3A_2004 : i32
      %convert_element_type3A_2006 = arith.extui %lt3A_2005 : i1 to i32
      %cond3A_2007 = arith.constant 0 : i32
      %cond3A_2008 = arith.cmpi ne, %convert_element_type3A_2006, %cond3A_2007 : i32
      scf.if %cond3A_2008 {
        %slice3A_2010 = vector.extract_strided_slice %get3A_179 {offsets = [3], sizes = [1], strides = [1]} : vector<16xi32> to vector<1xi32>
        %squeeze3A_2011 = vector.extract %slice3A_2010[0] : i32 from vector<1xi32>
        %shift_right_arithmetic3A_2012 = arith.constant 7 : i32
        %shift_right_arithmetic3A_2013 = arith.shrsi %squeeze3A_2011, %shift_right_arithmetic3A_2012 : i32
        %add3A_2014 = arith.addi %shift_right_arithmetic3A_2013, %select_n3A_2003 : i32
        %mul3A_2015 = arith.constant 128 : i32
        %mul3A_2016 = arith.muli %add3A_2014, %mul3A_2015 : i32
        %multiple_of3A_2017 = tpu.assume_multiple %mul3A_2016, 128 : i32
        %dma_start3A_2018 = arith.constant 3 : i32
        %dma_start3A_2019 = arith.constant 0 : i32
        %dma_start3A_2020 = arith.constant 0 : i32
        %dma_start3A_2021 = tpu.memref_slice %arg9[%dma_start3A_2018, %dma_start3A_2019, %dma_start3A_2020] : memref<4x64x128xf32, #tpu.memory_space<vmem>> -> memref<1x64x128xf32, #tpu.memory_space<vmem>>
        %dma_start3A_2022 = tpu.memref_squeeze %dma_start3A_2021 : memref<1x64x128xf32, #tpu.memory_space<vmem>> -> memref<64x128xf32, #tpu.memory_space<vmem>>
        %dma_start3A_2023 = arith.constant 0 : i32
        %dma_start3A_2024 = tpu.memref_slice %arg4[%dma_start3A_2023, %multiple_of3A_2017] : memref<64x1000000xf32, #tpu.memory_space<hbm>> -> memref<64x128xf32, #tpu.memory_space<hbm>>
        %dma_start3A_2025 = arith.constant 0 : i32
        %dma_start3A_2026 = arith.constant 0 : i32
        %dma_start3A_2027 = tpu.memref_slice %arg9[%dma_start3A_2018, %dma_start3A_2025, %dma_start3A_2026] : memref<4x64x128xf32, #tpu.memory_space<vmem>> -> memref<1x64x128xf32, #tpu.memory_space<vmem>>
        %dma_start3A_2028 = tpu.memref_squeeze %dma_start3A_2027 : memref<1x64x128xf32, #tpu.memory_space<vmem>> -> memref<64x128xf32, #tpu.memory_space<vmem>>
        %dma_start3A_2029 = arith.constant 0 : i32
        %dma_start3A_2030 = tpu.memref_slice %arg4[%dma_start3A_2029, %multiple_of3A_2017] : memref<64x1000000xf32, #tpu.memory_space<hbm>> -> memref<64x128xf32, #tpu.memory_space<hbm>>
        tpu.enqueue_dma source(%dma_start3A_2030 : memref<64x128xf32, #tpu.memory_space<hbm>>) target(%dma_start3A_2028 : memref<64x128xf32, #tpu.memory_space<vmem>>) target_semaphore(%arg15 : memref<!tpu.dma_semaphore, #tpu.memory_space<semaphore_mem>>)
        %slice3A_2031 = vector.extract_strided_slice %get3A_181 {offsets = [3], sizes = [1], strides = [1]} : vector<16xi32> to vector<1xi32>
        %squeeze3A_2032 = vector.extract %slice3A_2031[0] : i32 from vector<1xi32>
        %shift_right_arithmetic3A_2033 = arith.constant 7 : i32
        %shift_right_arithmetic3A_2034 = arith.shrsi %squeeze3A_2032, %shift_right_arithmetic3A_2033 : i32
        %add3A_2035 = arith.addi %shift_right_arithmetic3A_2034, %select_n3A_2003 : i32
        %mul3A_2036 = arith.constant 128 : i32
        %mul3A_2037 = arith.muli %add3A_2035, %mul3A_2036 : i32
        %multiple_of3A_2038 = tpu.assume_multiple %mul3A_2037, 128 : i32
        %dma_start3A_2039 = arith.constant 3 : i32
        %dma_start3A_2040 = arith.constant 0 : i32
        %dma_start3A_2041 = arith.constant 0 : i32
        %dma_start3A_2042 = tpu.memref_slice %arg10[%dma_start3A_2039, %dma_start3A_2040, %dma_start3A_2041] : memref<4x64x128xf32, #tpu.memory_space<vmem>> -> memref<1x64x128xf32, #tpu.memory_space<vmem>>
        %dma_start3A_2043 = tpu.memref_squeeze %dma_start3A_2042 : memref<1x64x128xf32, #tpu.memory_space<vmem>> -> memref<64x128xf32, #tpu.memory_space<vmem>>
        %dma_start3A_2044 = arith.constant 0 : i32
        %dma_start3A_2045 = tpu.memref_slice %arg5[%dma_start3A_2044, %multiple_of3A_2038] : memref<64x1000000xf32, #tpu.memory_space<hbm>> -> memref<64x128xf32, #tpu.memory_space<hbm>>
        %dma_start3A_2046 = arith.constant 0 : i32
        %dma_start3A_2047 = arith.constant 0 : i32
        %dma_start3A_2048 = tpu.memref_slice %arg10[%dma_start3A_2039, %dma_start3A_2046, %dma_start3A_2047] : memref<4x64x128xf32, #tpu.memory_space<vmem>> -> memref<1x64x128xf32, #tpu.memory_space<vmem>>
        %dma_start3A_2049 = tpu.memref_squeeze %dma_start3A_2048 : memref<1x64x128xf32, #tpu.memory_space<vmem>> -> memref<64x128xf32, #tpu.memory_space<vmem>>
        %dma_start3A_2050 = arith.constant 0 : i32
        %dma_start3A_2051 = tpu.memref_slice %arg5[%dma_start3A_2050, %multiple_of3A_2038] : memref<64x1000000xf32, #tpu.memory_space<hbm>> -> memref<64x128xf32, #tpu.memory_space<hbm>>
        tpu.enqueue_dma source(%dma_start3A_2051 : memref<64x128xf32, #tpu.memory_space<hbm>>) target(%dma_start3A_2049 : memref<64x128xf32, #tpu.memory_space<vmem>>) target_semaphore(%arg19 : memref<!tpu.dma_semaphore, #tpu.memory_space<semaphore_mem>>)
      } else {
      }
      %swap3A = arith.index_cast %mul3A_168 : i32 to index
      %swap3A_2009 = tpu.vector_load %arg11[%swap3A] {strides = array<i32>} : memref<512xf32, #tpu.memory_space<vmem>>, vector<16xf32>,
      tpu.vector_store %arg11[%swap3A], %select_n3A_1999 {strides = array<i32>} : memref<512xf32, #tpu.memory_space<vmem>>, vector<16xf32>,
    }
    %scan3A_165 = arith.constant 32 : i32
    "tpu.region"() ({
      %run_scoped3A = tpu.sem_alloc : memref<!tpu.dma_semaphore, #tpu.memory_space<semaphore_mem>>
      %dma_start3A_166 = tpu.memref_slice %arg6[%mul3A_2] : memref<16384xf32, #tpu.memory_space<hbm>> -> memref<512xf32, #tpu.memory_space<hbm>>
      %dma_start3A_167 = tpu.memref_slice %arg6[%mul3A_2] : memref<16384xf32, #tpu.memory_space<hbm>> -> memref<512xf32, #tpu.memory_space<hbm>>
      tpu.enqueue_dma source(%arg11 : memref<512xf32, #tpu.memory_space<vmem>>) target(%dma_start3A_167 : memref<512xf32, #tpu.memory_space<hbm>>) target_semaphore(%run_scoped3A : memref<!tpu.dma_semaphore, #tpu.memory_space<semaphore_mem>>)
      %dma_wait3A = tpu.memref_slice %arg6[%mul3A_2] : memref<16384xf32, #tpu.memory_space<hbm>> -> memref<512xf32, #tpu.memory_space<hbm>>
      %dma_wait3A_168 = tpu.memref_slice %arg6[%mul3A_2] : memref<16384xf32, #tpu.memory_space<hbm>> -> memref<512xf32, #tpu.memory_space<hbm>>
      tpu.wait_dma2 semaphore(%run_scoped3A : memref<!tpu.dma_semaphore, #tpu.memory_space<semaphore_mem>>) src(%arg11 : memref<512xf32, #tpu.memory_space<vmem>>) dst(%dma_wait3A_168 : memref<512xf32, #tpu.memory_space<hbm>>)
      tpu.yield
    }) : () -> ()
    return
  }
}

</mosaic_0001>

<sc_bundles>
// kernel: kernel.3.cloned.1.call-start
scs
__scs_entry_jumppad:
0x0: {  	(pc) =	sbr.rel $0x88, $3  }
0x1: {  	(tag) =	ssettag $0x0;
	lr =	simm.s32 $0x1  }
0x2: {  	[smem:$0x3F9D] =	sst lr;
	_ =	strace $0xD0000000  }
0x3: {  	_ = 	snop  }
0x4: {  	_ = 	snop  }
0x5: {  	_ = 	snop  }
0x6: {  	_ = 	snop  }
0x7: {  	_ = 	snop  }
__scs_overlays_trampoline_lowered:
0x8: {  	[smem:$0x3FAC] =	sst s0  }
0x9: {  	[smem:$0x3FAD] =	sst s1  }
0xa: {  	[smem:$0x3FAE] =	sst s2  }
0xb: {  	[smem:$0x3FAF] =	sst s3  }
0xc: {  	[smem:$0x3FB0] =	sst s4  }
0xd: {  	[smem:$0x3FB1] =	sst s5  }
0xe: {  	[smem:$0x3FB2] =	sst s6  }
0xf: {  	[smem:$0x3FB3] =	sst s7  }
0x10: {  	[smem:$0x3FB4] =	sst s8  }
0x11: {  	[smem:$0x3FB5] =	sst s9;
	s0 =	simm.s32 @!p0 $0x0  }
0x12: {  	s1 =	sld [smem:$0x3F9B];
	s0 =	simm.s32 @p0 $0x1  }
0x13: {  	[smem:$0x3FB6] =	sst s0;
	s0 =	simm.s32 @!p1 $0x0  }
0x14: {  	s2 =	sld [smem:$0x3F9A];
	s0 =	simm.s32 @p1 $0x1  }
0x15: {  	[smem:$0x3FB7] =	sst s0;
	s0 =	simm.s32 @!p2 $0x0  }
0x16: {  	s3 =	sld [smem:$0x3FDB];
	s0 =	simm.s32 @p2 $0x1  }
0x17: {  	s4 =	simm.s32 $0x1BF5;
	[smem:$0x3FB9] =	sst s0  }
0x18: {  	s0 =	sld [smem:$0x3F9C];
	_ =	swait.ge [sflag:s4], $0x0  }
0x19: {  	s7 =	sld [smem:$0x3F9D]  }
0x1a: {  	s8 =	sadd.s32 $0xFFFFE003, lr  }
0x1b: {  	s9 =	sadd.s32 $0xFFFFFEF7, lr;
	s5 =	simm.s32 $0xFFFFFFFF;
	p2 =	slt.u32 s8, $0xFFFFF086  }
0x1c: {  	p1 =	slt.u32 s9, $0xF7A;
	s5 =	simm.s32 @!p2 $0x0  }
0x1d: {  	s5 =	simm.s32 @p1 $0x1;
	p0 =	seq.s32 s7, s2  }
0x1e: {  	s7 =	smul.u32 @!p0 $0xF7A, s2;
	p2 =	seq.s32 @!p0 s5, $0x0  }
0x1f: {  	s9 =	smul.u32 $0xF7A, s1;
	s8 =	simm.s32 @!p0 $0x1BF5;
	p2 =	por !p2, p0  }
0x20: {  	[sflag:s8] =	ssyncset.s32 @!p0 $0xFFFFF086;
	s6 =	sadd.s32 @!p0 s3, s7;
	s7 =	simm.s32 @!p0 $0x108  }
0x21: {  	s3 =	sadd.s32 s3, s9;
	s6 =	sadd.s32 @!p0 $0x88, s6;
	s7 =	simm.s32 @p2 $0x1082  }
0x22: {  	[simem:s7], [sflag:s8] =	dma.local @!p0 [hbm:s6], $0xF7A  }
0x23: {  	s9 =	sor.u32 $0xD0000000, s2;
	s6 =	simm.s32 $0x108;
	_ =	swait.ge @!p0 [sflag:s8], $0x0  }
0x24: {  	s3 =	sadd.s32 $0x88, s3;
	s6 =	simm.s32 @!p1 $0x1082;
	[sflag:s4] =	ssyncset.s32 $0xFFFFF086  }
0x25: {  	[simem:s6], [sflag:s4] =	dma.local [hbm:s3], $0xF7A  }
0x26: {  	[smem:$0x3F9D] =	sst s1;
	(tag) =	ssettag s2;
	_ =	strace s9  }
0x27: {  	s1 =	sld [smem:$0x3FAD]  }
0x28: {  	s2 =	sld [smem:$0x3FAE]  }
0x29: {  	s4 =	sld [smem:$0x3FB0]  }
0x2a: {  	p0 =	seq.s32 s5, $0x0;
	s5 =	sld [smem:$0x3FB1]  }
0x2b: {  	s6 =	sld [smem:$0x3FB2]  }
0x2c: {  	s7 =	sld [smem:$0x3FB3]  }
0x2d: {  	s3 =	simm.s32 $0x108;
	s8 =	sld [smem:$0x3FB4]  }
0x2e: {  	s3 =	simm.s32 @!p0 $0x1082;
	s9 =	sld [smem:$0x3FB5]  }
0x2f: {  	lr =	sadd.s32 s0, s3;
	s0 =	sld [smem:$0x3FAC]  }
0x30: {  	s3 =	sld [smem:$0x3FAF]  }
0x31: {  	[smem:$0x3FB8] =	sst s10  }
0x32: {  	s10 =	sld [smem:$0x3FB6];
	_ =	sdelay $0x3  }
0x33: {  	p0 =	seq.s32 s10, $0x1;
	s10 =	sld [smem:$0x3FB8];
	_ =	sdelay $0x3  }
0x34: {  	[smem:$0x3FB8] =	sst s10  }
0x35: {  	s10 =	sld [smem:$0x3FB7];
	_ =	sdelay $0x3  }
0x36: {  	p1 =	seq.s32 s10, $0x1;
	s10 =	sld [smem:$0x3FB8];
	_ =	sdelay $0x3  }
0x37: {  	[smem:$0x3FB8] =	sst s10  }
0x38: {  	s10 =	sld [smem:$0x3FB9]  }
0x39: {  	_ = 	snop;
	(pc) =	sbr.ind lr, $3  }
0x3a: {  	_ = 	snop  }
0x3b: {  	_ = 	snop  }
0x3c: {  	p2 =	seq.s32 s10, $0x1;
	s10 =	sld [smem:$0x3FB8]  }
0x3d: {  	_ =	shalt  }
0x3e: {  	_ =	shalt  }
0x3f: {  	_ =	shalt  }
0x40: {  	_ =	shalt  }
0x41: {  	_ =	shalt  }
0x42: {  	_ =	shalt  }
0x43: {  	_ =	shalt  }
0x44: {  	_ =	shalt  }
0x45: {  	_ =	shalt  }
0x46: {  	_ =	shalt  }
0x47: {  	_ =	shalt  }
0x48: {  	_ =	shalt  }
0x49: {  	_ =	shalt  }
0x4a: {  	_ =	shalt  }
0x4b: {  	_ =	shalt  }
0x4c: {  	_ =	shalt  }
0x4d: {  	_ =	shalt  }
0x4e: {  	_ =	shalt  }
0x4f: {  	_ =	shalt  }
0x50: {  	_ =	shalt  }
0x51: {  	_ =	shalt  }
0x52: {  	_ =	shalt  }
0x53: {  	_ =	shalt  }
0x54: {  	_ =	shalt  }
0x55: {  	_ =	shalt  }
0x56: {  	_ =	shalt  }
0x57: {  	_ =	shalt  }
0x58: {  	_ =	shalt  }
0x59: {  	_ =	shalt  }
0x5a: {  	_ =	shalt  }
0x5b: {  	_ =	shalt  }
0x5c: {  	_ =	shalt  }
0x5d: {  	_ =	shalt  }
0x5e: {  	_ =	shalt  }
0x5f: {  	_ =	shalt  }
0x60: {  	_ =	shalt  }
0x61: {  	_ =	shalt  }
0x62: {  	_ =	shalt  }
0x63: {  	_ =	shalt  }
0x64: {  	_ =	shalt  }
0x65: {  	_ =	shalt  }
0x66: {  	_ =	shalt  }
0x67: {  	_ =	shalt  }
0x68: {  	_ =	shalt  }
0x69: {  	_ =	shalt  }
0x6a: {  	_ =	shalt  }
0x6b: {  	_ =	shalt  }
0x6c: {  	_ =	shalt  }
0x6d: {  	_ =	shalt  }
0x6e: {  	_ =	shalt  }
0x6f: {  	_ =	shalt  }
0x70: {  	_ =	shalt  }
0x71: {  	_ =	shalt  }
0x72: {  	_ =	shalt  }
0x73: {  	_ =	shalt  }
0x74: {  	_ =	shalt  }
0x75: {  	_ =	shalt  }
0x76: {  	_ =	shalt  }
0x77: {  	_ =	shalt  }
0x78: {  	_ =	shalt  }
0x79: {  	_ =	shalt  }
0x7a: {  	_ =	shalt  }
0x7b: {  	_ =	shalt  }
0x7c: {  	_ =	shalt  }
0x7d: {  	_ =	shalt  }
0x7e: {  	_ =	shalt  }
0x7f: {  	_ =	shalt  }
0x80: {  	_ =	shalt  }
0x81: {  	_ =	shalt  }
0x82: {  	_ =	shalt  }
0x83: {  	_ =	shalt  }
0x84: {  	_ =	shalt  }
0x85: {  	_ =	shalt  }
0x86: {  	_ =	shalt  }
0x87: {  	_ =	shalt  }
.Lfunc_end0:
.L_simem_size_0:
called_computation_lowered:
.L_overlay_start_0:
0x88: {  	s2 =	sld [smem:$0x3FD9]  }
0x89: {  	s3 =	sld [smem:$0x3FFE];
	_ =	sdelay $0x1  }
0x8a: {  	s1 =	srdreg.scid  }
0x8b: {  	s0 =	sand.u32 $0x1, s1  }
0x8c: {  	s18 =	sshll.u32 s0, $0xA;
	s2 =	sadd.s32 s3, s2  }
0x8d: {  	s2 =	sadd.s32 s2, s18  }
0x8e: {  	[smem:$0x3FC4] =	sst s2  }
0x8f: {  	_ = 	snop  }
0x90: {  	s2 =	sld [smem:$0x3FC9]  }
0x91: {  	s19 =	sld [smem:$0x3FC8]  }
0x92: {  	s4 =	sld [smem:$0x3FC7]  }
0x93: {  	s5 =	sld [smem:$0x3FC6]  }
0x94: {  	s6 =	sld [smem:$0x3FD0];
	(tm) =	ssettm $0x1  }
0x95: {  	s7 =	sld [smem:$0x3FFB];
	_ =	sdelay $0x3  }
0x96: {  	_ =	strace s7  }
0x97: {  	s7 =	sld [smem:$0x3FFC];
	_ =	sdelay $0x3  }
0x98: {  	_ =	strace s7  }
0x99: {  	s7 =	sld [smem:$0x3FFD];
	_ =	sdelay $0x3  }
0x9a: {  	_ =	strace s7  }
0x9b: {  	_ =	strace $0x8FFFFFFF  }
0x9c: {  	s20 =	sld [smem:$0x3FDB];
	_ =	sdelay $0x1  }
0x9d: {  	s8 =	simm.s32 $_scs_section_size  }
0x9e: {  	s9 =	simm.s32 $_size__tile_overlayer_lowered;
	s10 =	simm.s32 $_tile_overlayer_lowered  }
0x9f: {  	s23 =	simm.s32 $0x1BFF;
	s22 =	sshll.u32 s10, $0x1;
	s7 =	sadd.s32 s8, s20  }
0xa0: {  	s11 =	simm.s32 $0x0;
	s21 =	sshll.u32 s9, $0x1;
	s9 =	sadd.s32 s22, s7  }
0xa1: {  	[timem:s11], [sflag:s23] =	dma.local [hbm:s9], s21  }
0xa2: {  	_ =	swait.ge [sflag:s23], s21  }
0xa3: {  	s8 =	ssub.s32 $0x0, s21;
	[sflag:s23] =	ssyncset.done $0x0  }
0xa4: {  	[sflag:s23] =	ssyncadd.s32 s8;
	_ =	sdelay $0x1  }
0xa5: {  	s24 =	simm.s32 $0x1B8B  }
0xa6: {  	_ =	swait.ge [sflag:s24], $0x1  }
0xa7: {  	[sflag:s24] =	ssyncset.done $0x0  }
0xa8: {  	s25 =	simm.s32 $0x1B8E;
	[sflag:s24] =	ssyncadd.s32 $0xFFFFFFFF  }
0xa9: {  	s26 =	simm.s32 $execute0_lowered;
	[smem:$0x3FD2] =	sst s25  }
0xaa: {  	s8 =	sshll.u32 s26, $0x1;
	_ =	strace $0x80000046;
	[dreg:$0x1] =	wrdreg $0xFFFFFFFF  }
0xab: {  	s28 =	simm.s32 $_size_execute0_lowered;
	s7 =	sadd.s32 s7, s8;
	[dreg:$0x0] =	wrdreg $0x0  }
0xac: {  	s8 =	sshll.u32 s28, $0x1;
	[dreg:$0x2] =	wrdreg s7  }
0xad: {  	[dreg:$0x3] =	wrdreg s8  }
0xae: {  	[dreg:$0x4] =	wrdreg $0xC0  }
0xaf: {  	_ =	task [dreg:s11], $0x5FFFF  }
0xb0: {  	[dreg:$0x1] =	wrdreg $0xFFFFFFFF  }
0xb1: {  	[dreg:$0x0] =	wrdreg $0x60  }
0xb2: {  	[dreg:$0x2] =	wrdreg s2  }
0xb3: {  	[dreg:$0x3] =	wrdreg s19  }
0xb4: {  	[dreg:$0x4] =	wrdreg s4  }
0xb5: {  	[dreg:$0x5] =	wrdreg s5  }
0xb6: {  	[dreg:$0x6] =	wrdreg s6  }
0xb7: {  	[dreg:$0x7] =	wrdreg $0x9  }
0xb8: {  	_ =	task.clear_ibuf [dreg:s11], $0x8FFFF;
	_ =	strace $0x90000046  }
0xb9: {  	s29 =	simm.s32 $0x9;
	_ =	strace $0x80000048  }
0xba: {  	_ =	swait.ge [sflag:s29], $0x1  }
0xbb: {  	[sflag:s29] =	ssyncadd.s32 $0xFFFFFFFF  }
0xbc: {  	_ =	strace $0x90000048  }
0xbd: {  	_ =	sfence  }
0xbe: {  	s30 =	sld [smem:$0x0];
	_ =	sdelay $0x2  }
0xbf: {  	s31 =	sshll.u32 s1, $0xD;
	s1 =	sshrl.u32 s1, $0x2  }
0xc0: {  	s3 =	sand.u32 $0x4000, s31;
	s1 =	sadd.s32 s1, s30  }
0xc1: {  	s0 =	sor.u32 s3, s0;
	s1 =	sshll.u32 s1, $0x11  }
0xc2: {  	s0 =	sor.u32 s1, s0  }
0xc3: {  	s0 =	sadd.s32 $0x8F2B, s0  }
0xc4: {  	[sflag:s0] =	ssyncadd.remote.s32 $0x1  }
0xc5: {  	_ =	sfence.sel $0xFFFF  }
0xc6: {  	[dreg:$0x0] =	wrdreg $0xFFFFFFFF;
	(pc) =	sbr.abs _section_cstart, $3  }
0xc7: {  	[dreg:$0x1] =	wrdreg $0xFFFFFFFF  }
0xc8: {  	_ =	task.clear_ibuf [dreg:s11], $0x2FFFF;
	_ =	strace $0x9FFFFFFF  }
0xc9: {  	(tm) =	ssettm $0x7FFFFFFF  }
tec
execute0_lowered:
.L_overlay_start_1:
0x0: {  	(tag) =	ssettag $0x1  }
0x1: {  	s0 =	rddreg [dreg:$0x0]  }
0x2: {  	s3 =	rddreg [dreg:$0x1]  }
0x3: {  	s1 =	rddreg [dreg:$0x2]  }
0x4: {  	s2 =	rddreg [dreg:$0x3]  }
0x5: {  	s4 =	rddreg [dreg:$0x4];
	s5 =	srdreg.scid;
	s9 =	simm.s32 $0x0  }
0x6: {  	s8 =	stileid.u32;
	s10 =	simm.s32 $0x7A1400;
	s11 =	simm.s32 $0x400  }
0x7: {  	v0 =	vlaneseq.u32;
	vm0 =	vmmov $0x1;
	s12 =	simm.s32 $0x8400;
	s18 =	simm.s32 $0x4400;
	s19 =	simm.s32 $0xC400  }
0x8: {  	vm1 =	vmmov $0x3;
	vm2 =	vmmov $0x7;
	s15 =	simm.s32 $0x6400;
	vm3 =	vmmov $0xf;
	s20 =	simm.s32 $0x1;
	s21 =	simm.s32 $0x5  }
0x9: {  	vm4 =	vmmov $0x1f;
	vm5 =	vmmov $0x3f;
	vm6 =	vmmov $0x7f;
	s22 =	simm.s32 $0x2;
	s23 =	simm.s32 $0x6;
	s24 =	simm.s32 $0x3  }
0xa: {  	vm7 =	vmmov $0xff;
	vm8 =	vmmov $0x1ff;
	vm9 =	vmmov $0x3ff;
	s25 =	simm.s32 $0x7;
	s26 =	simm.s32 $0x4;
	s5 =	sand.u32 $0x1, s5  }
0xb: {  	vm10 =	vmmov $0x7ff;
	vm11 =	vmmov $0xfff;
	v0 =	vmul.u32 $0x80, v0;
	s8 =	sshll.u32 s8, $0x7;
	s6 =	ssub.s32 $0x2, s5;
	s5 =	sshll.u32 s5, $0x6  }
0xc: {  	vm12 =	vcmask $0x3734;
	vm13 =	vcmask $0x3B38;
	vm14 =	vmmov $0x7fff;
	s16 =	simm.s32 $0x8;
	[smem:$0x7FF] =	sst s9;
	s5 =	sor.u32 s5, s8  }
.Ltmp0:
0xd: {  	_ =	strace $0x80000047;
	v1 =	vor.u32 $0x800, v0;
	v2 =	vor.u32 $0x1000, v0;
	v3 =	vor.u32 $0x1800, v0;
	s0 =	sadd.s32 s0, s5;
	(pc) =	sbr.rel .LBB2_1-.Ltmp0, $4  }
0xe: {  	s7 =	sshrl.u32 s6, $0x1;
	v4 =	vor.u32 $0x2000, v0;
	v5 =	vor.u32 $0x2800, v0;
	v6 =	vor.u32 $0x3000, v0;
	s29 =	sadd.s32 s3, s5;
	[dreg:$0x6] =	wrdreg s0  }
0xf: {  	v7 =	vor.u32 $0x3800, v0;
	v8 =	vor.u32 $0x4000, v0;
	v9 =	vor.u32 $0x4800, v0;
	s6 =	ssub.s32 s6, s7;
	s30 =	sadd.s32 s4, s5;
	[dreg:$0x7] =	wrdreg s29  }
0x10: {  	v10 =	vor.u32 $0x5000, v0;
	v11 =	vor.u32 $0x5800, v0;
	v12 =	vor.u32 $0x6000, v0;
	s3 =	simm.s32 $0x9;
	[dreg:$0x8] =	wrdreg s30;
	s31 =	smax.u32 s6, $0x1  }
0x11: {  	v13 =	vor.u32 $0x6800, v0;
	v14 =	vor.u32 $0x7000, v0;
	v15 =	vor.u32 $0x7800, v0;
	s4 =	simm.s32 $0xE400;
	s5 =	simm.s32 $0x0;
	[dreg:$0x9] =	wrdreg s31  }
.LBB2_3:
0x12: {  	[tilespmem:s0+$0x0] =	vst v18;
	s15 =	simm.s32 $0x6400;
	s4 =	simm.s32 $0xE400  }
.LBB2_5:
0x13: {  	s9 =	simm.s32 $0x0;
	s0 =	rddreg [dreg:$0x8];
	s3 =	simm.s32 $0x10400  }
0x14: {  	[hbm4b:s0+s9] =	stream.linear.scatter [tilespmem:s3], [sflag:$0x9], $0x200, $0x38;
	[tilespmem:$0x10600] =	vst v63  }
0x15: {  	s3 =	simm.s32 $0x9  }
0x16: {  	_ =	swait.ge [sflag:s3], $0x200  }
0x17: {  	s5 =	rddreg [dreg:$0xa]  }
0x18: {  	s31 =	rddreg [dreg:$0x9];
	s5 =	sadd.s32 $0x1, s5  }
0x19: {  	p0 =	sne.s32 s5, s31  }
.Ltmp1:
0x1a: {  	_ = 	snop;
	(pc) =	sbr.rel @!p0 .LBB2_6-.Ltmp1, $3  }
0x1b: {  	_ =	sdelay $0x1  }
0x1c: {  	[sflag:s3] =	ssyncset.done $0x0  }
0x1d: {  	[sflag:s3] =	ssyncadd.s32 $0xFFFFFE00  }
.LBB2_1:
0x1e: {  	[dreg:$0xa] =	wrdreg s5  }
0x1f: {  	s0 =	rddreg [dreg:$0x6]  }
0x20: {  	[tilespmem:s9], [sflag:$0x9] =	stream.linear.gather [hbm4b:s0+s9], $0x200, $0x38;
	[tilespmem:$0x10600] =	vst v63  }
0x21: {  	_ =	swait.ge [sflag:s3], $0x200  }
0x22: {  	[sflag:s3] =	ssyncset.done $0x0  }
0x23: {  	s6 =	simm.s32 $0x200;
	s14 =	rddreg [dreg:$0x7];
	[sflag:s3] =	ssyncadd.s32 $0xFFFFFE00  }
0x24: {  	[tilespmem:s6], [sflag:$0x9] =	stream.linear.gather [hbm4b:s14+s9], $0x200, $0x38;
	[tilespmem:$0x10600] =	vst v63  }
0x25: {  	_ =	swait.ge [sflag:s3], $0x200  }
0x26: {  	[sflag:s3] =	ssyncset.done $0x0  }
0x27: {  	[sflag:s3] =	ssyncadd.s32 $0xFFFFFE00  }
0x28: {  	v16 =	vld [tilespmem:$0x0]  }
0x29: {  	v17 =	vld [tilespmem:$0x200];
	_ =	sdelay $0x3  }
0x2a: {  	(v2sf) =	vpush v16, $0x0  }
0x2b: {  	(v2sf) =	vpush v17, $0x0;
	_ =	sdelay $0x1  }
0x2c: {  	(v2sf) =	vpush v16, $0x1;
	_ =	sdelay $0x4  }
0x2d: {  	(v2sf) =	vpush v17, $0x1  }
0x2e: {  	(v2sf) =	vpush v16, $0x2;
	_ =	sdelay $0x5  }
0x2f: {  	s17 =	spop (v2sf);
	(v2sf) =	vpush v17, $0x2  }
0x30: {  	s28 =	spop (v2sf);
	(v2sf) =	vpush v16, $0x3  }
0x31: {  	s0 =	sand.u32 $0xFFFFF80, s17  }
0x32: {  	s0 =	sadd.s32 s1, s0;
	s29 =	spop (v2sf)  }
0x33: {  	(v2sf) =	vpush v17, $0x3;
	[tilespmem:s11], [sflag:$0x1] =	stream.strided.gather [hbm4b:s0+s11], $0x2000, s10, s11, $0x38;
	[tilespmem:$0x10600] =	vst v63  }
0x34: {  	s0 =	sand.u32 $0xFFFFF80, s28  }
0x35: {  	s0 =	sadd.s32 s2, s0  }
0x36: {  	[tilespmem:s12], [sflag:$0x5] =	stream.strided.gather [hbm4b:s0+s11], $0x2000, s10, s11, $0x38;
	[tilespmem:$0x10600] =	vst v63  }
0x37: {  	s7 =	simm.s32 $0x2400;
	s30 =	spop (v2sf);
	s0 =	sand.u32 $0xFFFFF80, s29  }
0x38: {  	s8 =	sand.u32 $0xFFFFF80, s30;
	s9 =	spop (v2sf);
	s0 =	sadd.s32 s1, s0  }
0x39: {  	[tilespmem:s7], [sflag:$0x2] =	stream.strided.gather [hbm4b:s0+s11], $0x2000, s10, s11, $0x38;
	[tilespmem:$0x10600] =	vst v63  }
0x3a: {  	s13 =	simm.s32 $0xA400;
	s14 =	sand.u32 $0xFFFFF80, s9;
	s0 =	sadd.s32 s2, s8  }
0x3b: {  	[tilespmem:s13], [sflag:$0x6] =	stream.strided.gather [hbm4b:s0+s11], $0x2000, s10, s11, $0x38;
	[tilespmem:$0x10600] =	vst v63  }
0x3c: {  	s0 =	sadd.s32 s1, s14  }
0x3d: {  	[tilespmem:s18], [sflag:$0x3] =	stream.strided.gather [hbm4b:s0+s11], $0x2000, s10, s11, $0x38;
	[tilespmem:$0x10600] =	vst v63  }
0x3e: {  	s17 =	spop (v2sf)  }
0x3f: {  	s18 =	sand.u32 $0xFFFFF80, s17;
	s28 =	spop (v2sf)  }
0x40: {  	s0 =	sadd.s32 s2, s18;
	s29 =	sand.u32 $0xFFFFF80, s28  }
0x41: {  	[tilespmem:s19], [sflag:$0x7] =	stream.strided.gather [hbm4b:s0+s11], $0x2000, s10, s11, $0x38;
	[tilespmem:$0x10600] =	vst v63  }
0x42: {  	s30 =	spop (v2sf);
	s0 =	sadd.s32 s1, s29  }
0x43: {  	[tilespmem:s15], [sflag:$0x4] =	stream.strided.gather [hbm4b:s0+s11], $0x2000, s10, s11, $0x38;
	[tilespmem:$0x10600] =	vst v63  }
0x44: {  	s0 =	sand.u32 $0xFFFFF80, s30  }
0x45: {  	s0 =	sadd.s32 s2, s0  }
0x46: {  	[tilespmem:s4], [sflag:$0x8] =	stream.strided.gather [hbm4b:s0+s11], $0x2000, s10, s11, $0x38;
	[tilespmem:$0x10600] =	vst v63  }
0x47: {  	s31 =	simm.s32 $0x10;
	s3 =	simm.s32 $0x0;
	s0 =	simm.s32 $0x10400  }
.LBB2_2:
0x48: {  	v23 =	vld [tilespmem:s3+$0x0]  }
0x49: {  	v22 =	vld [tilespmem:s6+$0x0];
	s4 =	smin.u32 s31, $0x1F0  }
0x4a: {  	[dreg:$0xb] =	wrdreg s6;
	v16 =	vld [tilespmem:s4+$0x0]  }
0x4b: {  	v17 =	vld [tilespmem:s4+$0x200];
	_ =	swait.ge [sflag:s20], $0x2000  }
0x4c: {  	[sflag:s20] =	ssyncset.done $0x0  }
0x4d: {  	[sflag:s20] =	ssyncadd.s32 $0xFFFFE000  }
0x4e: {  	_ =	swait.ge [sflag:s21], $0x2000  }
0x4f: {  	(v2sf) =	vpush v23, $0x0;
	_ =	sdelay $0x1  }
0x50: {  	(v2sf) =	vpush v22, $0x0;
	_ =	sdelay $0xc  }
0x51: {  	s29 =	spop (v2sf)  }
0x52: {  	s4 =	sand.u32 $0x7F, s29  }
0x53: {  	s5 =	spop (v2sf);
	v18 =	vor.u32 s4, v0  }
0x54: {  	s5 =	sand.u32 $0x7F, s5;
	v20 =	vor.u32 s4, v1  }
0x55: {  	v19 =	vor.u32 s5, v0  }
0x56: {  	[sflag:s21] =	ssyncset.done $0x0;
	v21 =	vor.u32 s5, v1  }
0x57: {  	[sflag:s21] =	ssyncadd.s32 $0xFFFFE000;
	v24 =	vor.u32 s4, v2  }
0x58: {  	v25 =	vor.u32 s5, v2;
	v18 =	vld.idx.msk [tilespmem:v18+s11+$0x0], $0xffff  }
0x59: {  	v26 =	vor.u32 s4, v3;
	v20 =	vld.idx.msk [tilespmem:v20+s11+$0x0], $0xffff  }
0x5a: {  	v27 =	vor.u32 s5, v3;
	v19 =	vld.idx.msk [tilespmem:v19+s12+$0x0], $0xffff  }
0x5b: {  	v21 =	vld.idx.msk [tilespmem:v21+s12+$0x0], $0xffff  }
0x5c: {  	v24 =	vld.idx.msk [tilespmem:v24+s11+$0x0], $0xffff  }
0x5d: {  	v25 =	vld.idx.msk [tilespmem:v25+s12+$0x0], $0xffff  }
0x5e: {  	v26 =	vld.idx.msk [tilespmem:v26+s11+$0x0], $0xffff  }
0x5f: {  	v27 =	vld.idx.msk [tilespmem:v27+s12+$0x0], $0xffff  }
0x60: {  	v18 =	vmul.f32 v19, v18;
	v19 =	vmul.f32 v21, v20;
	_ =	sdelay $0x1  }
0x61: {  	v18 =	vadd.f32 v19, v18;
	v19 =	vmul.f32 v25, v24;
	_ =	sdelay $0x1  }
0x62: {  	v18 =	vadd.f32 v19, v18;
	v19 =	vmul.f32 v27, v26;
	_ =	sdelay $0x1  }
0x63: {  	v18 =	vadd.f32 v19, v18;
	_ =	sdelay $0x1  }
0x64: {  	(xrf2) =	vadd.scan.msk.f32 $0xffff, v18;
	_ =	sdelay $0x9  }
0x65: {  	(v2sf) =	vpush v23, $0x4;
	v18, _, _ =	vpop (xrf2)  }
0x66: {  	(v2sf) =	vpush v18, $0xF;
	_ =	sdelay $0x4  }
0x67: {  	(v2sf) =	vpush v22, $0x4;
	_ =	sdelay $0x8  }
0x68: {  	s28 =	spop (v2sf)  }
0x69: {  	s5 =	spop (v2sf)  }
0x6a: {  	p0 =	sne.f32 s5, s5  }
0x6b: {  	s4 =	simm.s32 $0x80  }
0x6c: {  	s4 =	simm.s32 @!p0 $0x0  }
0x6d: {  	s6 =	sadd.s32 s28, s4  }
0x6e: {  	s5 =	sand.u32 $0xFFFFF80, s6;
	s6 =	spop (v2sf)  }
0x6f: {  	s5 =	sadd.s32 s1, s5;
	s4 =	sadd.s32 s6, s4  }
0x70: {  	[tilespmem:s11], [sflag:$0x1] =	stream.strided.gather [hbm4b:s5+s11], $0x2000, s10, s11, $0x38;
	[tilespmem:$0x10600] =	vst v63  }
0x71: {  	s4 =	sand.u32 $0xFFFFF80, s4  }
0x72: {  	s4 =	sadd.s32 s2, s4  }
0x73: {  	[tilespmem:s12], [sflag:$0x5] =	stream.strided.gather [hbm4b:s4+s11], $0x2000, s10, s11, $0x38;
	[tilespmem:$0x10600] =	vst v63  }
0x74: {  	_ =	swait.ge [sflag:s22], $0x2000  }
0x75: {  	[sflag:s22] =	ssyncset.done $0x0  }
0x76: {  	[sflag:s22] =	ssyncadd.s32 $0xFFFFE000  }
0x77: {  	_ =	swait.ge [sflag:s23], $0x2000  }
0x78: {  	(v2sf) =	vpush v23, $0x1;
	_ =	sdelay $0x1  }
0x79: {  	(v2sf) =	vpush v22, $0x1;
	_ =	sdelay $0xc  }
0x7a: {  	s7 =	spop (v2sf)  }
0x7b: {  	s4 =	sand.u32 $0x7F, s7  }
0x7c: {  	s8 =	spop (v2sf);
	v19 =	vor.u32 s4, v4  }
0x7d: {  	s5 =	sand.u32 $0x7F, s8;
	v55 =	vor.u32 s4, v5  }
0x7e: {  	v20 =	vor.u32 s5, v4  }
0x7f: {  	[sflag:s23] =	ssyncset.done $0x0;
	v56 =	vor.u32 s5, v5  }
0x80: {  	[sflag:s23] =	ssyncadd.s32 $0xFFFFE000;
	v57 =	vor.u32 s4, v6  }
0x81: {  	v58 =	vor.u32 s5, v6;
	v19 =	vld.idx.msk [tilespmem:v19+s11+$0x0], $0xffff  }
0x82: {  	v59 =	vor.u32 s4, v7;
	v21 =	vld.idx.msk [tilespmem:v55+s11+$0x0], $0xffff  }
0x83: {  	v28 =	vor.u32 s5, v7;
	v20 =	vld.idx.msk [tilespmem:v20+s12+$0x0], $0xffff  }
0x84: {  	v24 =	vld.idx.msk [tilespmem:v56+s12+$0x0], $0xffff  }
0x85: {  	v25 =	vld.idx.msk [tilespmem:v57+s11+$0x0], $0xffff  }
0x86: {  	v26 =	vld.idx.msk [tilespmem:v58+s12+$0x0], $0xffff  }
0x87: {  	v27 =	vld.idx.msk [tilespmem:v59+s11+$0x0], $0xffff  }
0x88: {  	v28 =	vld.idx.msk [tilespmem:v28+s12+$0x0], $0xffff  }
0x89: {  	v19 =	vmul.f32 v20, v19;
	v20 =	vmul.f32 v24, v21;
	_ =	sdelay $0x1  }
0x8a: {  	v19 =	vadd.f32 v20, v19;
	v20 =	vmul.f32 v26, v25;
	_ =	sdelay $0x1  }
0x8b: {  	v19 =	vadd.f32 v20, v19;
	v20 =	vmul.f32 v28, v27;
	_ =	sdelay $0x1  }
0x8c: {  	v19 =	vadd.f32 v20, v19;
	_ =	sdelay $0x1  }
0x8d: {  	(xrf2) =	vadd.scan.msk.f32 $0xffff, v19;
	_ =	sdelay $0x9  }
0x8e: {  	(v2sf) =	vpush v23, $0x5;
	v19, _, _ =	vpop (xrf2)  }
0x8f: {  	(v2sf) =	vpush v19, $0xF;
	_ =	sdelay $0x3  }
0x90: {  	(v2sf) =	vpush v22, $0x5;
	_ =	sdelay $0x9  }
0x91: {  	s5 =	spop (v2sf)  }
0x92: {  	s9 =	spop (v2sf)  }
0x93: {  	p0 =	sne.f32 s9, s9  }
0x94: {  	s4 =	simm.s32 $0x80  }
0x95: {  	s4 =	simm.s32 @!p0 $0x0  }
0x96: {  	s8 =	spop (v2sf);
	s7 =	sadd.s32 s5, s4  }
0x97: {  	s4 =	sadd.s32 s8, s4;
	s7 =	sand.u32 $0xFFFFF80, s7  }
0x98: {  	s30 =	simm.s32 $0x2400;
	s4 =	sand.u32 $0xFFFFF80, s4;
	s7 =	sadd.s32 s1, s7  }
0x99: {  	[tilespmem:s30], [sflag:$0x2] =	stream.strided.gather [hbm4b:s7+s11], $0x2000, s10, s11, $0x38;
	[tilespmem:$0x10600] =	vst v63  }
0x9a: {  	s19 =	simm.s32 $0xA400;
	s4 =	sadd.s32 s2, s4  }
0x9b: {  	[tilespmem:s19], [sflag:$0x6] =	stream.strided.gather [hbm4b:s4+s11], $0x2000, s10, s11, $0x38;
	[tilespmem:$0x10600] =	vst v63  }
0x9c: {  	_ =	swait.ge [sflag:s24], $0x2000  }
0x9d: {  	[sflag:s24] =	ssyncset.done $0x0  }
0x9e: {  	[sflag:s24] =	ssyncadd.s32 $0xFFFFE000  }
0x9f: {  	_ =	swait.ge [sflag:s25], $0x2000  }
0xa0: {  	(v2sf) =	vpush v23, $0x2;
	_ =	sdelay $0x1  }
0xa1: {  	(v2sf) =	vpush v22, $0x2;
	_ =	sdelay $0xc  }
0xa2: {  	s13 =	spop (v2sf)  }
0xa3: {  	s4 =	sand.u32 $0x7F, s13  }
0xa4: {  	s14 =	spop (v2sf);
	v20 =	vor.u32 s4, v8  }
0xa5: {  	s7 =	sand.u32 $0x7F, s14;
	v61 =	vor.u32 s4, v9  }
0xa6: {  	v60 =	vor.u32 s7, v8  }
0xa7: {  	[sflag:s25] =	ssyncset.done $0x0;
	v62 =	vor.u32 s7, v9  }
0xa8: {  	[sflag:s25] =	ssyncadd.s32 $0xFFFFE000;
	v63 =	vor.u32 s4, v10  }
0xa9: {  	v32 =	vor.u32 s7, v10;
	v20 =	vld.idx.msk [tilespmem:v20+s11+$0x0], $0xffff  }
0xaa: {  	v33 =	vor.u32 s4, v11;
	v24 =	vld.idx.msk [tilespmem:v61+s11+$0x0], $0xffff  }
0xab: {  	v29 =	vor.u32 s7, v11;
	v21 =	vld.idx.msk [tilespmem:v60+s12+$0x0], $0xffff  }
0xac: {  	v25 =	vld.idx.msk [tilespmem:v62+s12+$0x0], $0xffff  }
0xad: {  	v26 =	vld.idx.msk [tilespmem:v63+s11+$0x0], $0xffff  }
0xae: {  	v27 =	vld.idx.msk [tilespmem:v32+s12+$0x0], $0xffff  }
0xaf: {  	v28 =	vld.idx.msk [tilespmem:v33+s11+$0x0], $0xffff  }
0xb0: {  	v29 =	vld.idx.msk [tilespmem:v29+s12+$0x0], $0xffff  }
0xb1: {  	v20 =	vmul.f32 v21, v20;
	v34 =	vmul.f32 v25, v24;
	_ =	sdelay $0x1  }
0xb2: {  	v35 =	vmul.f32 v27, v26;
	v20 =	vadd.f32 v34, v20;
	_ =	sdelay $0x1  }
0xb3: {  	v36 =	vmul.f32 v29, v28;
	v20 =	vadd.f32 v35, v20;
	_ =	sdelay $0x1  }
0xb4: {  	v20 =	vadd.f32 v36, v20;
	_ =	sdelay $0x1  }
0xb5: {  	(xrf2) =	vadd.scan.msk.f32 $0xffff, v20;
	_ =	sdelay $0x9  }
0xb6: {  	(v2sf) =	vpush v23, $0x6;
	v20, _, _ =	vpop (xrf2)  }
0xb7: {  	(v2sf) =	vpush v20, $0xF;
	_ =	sdelay $0x7  }
0xb8: {  	(v2sf) =	vpush v22, $0x6;
	_ =	sdelay $0x5  }
0xb9: {  	s7 =	spop (v2sf)  }
0xba: {  	s18 =	spop (v2sf)  }
0xbb: {  	p0 =	sne.f32 s18, s18  }
0xbc: {  	s4 =	simm.s32 $0x80  }
0xbd: {  	s4 =	simm.s32 @!p0 $0x0  }
0xbe: {  	s9 =	sadd.s32 s7, s4  }
0xbf: {  	s9 =	sand.u32 $0xFFFFF80, s9  }
0xc0: {  	s13 =	simm.s32 $0x4400;
	s9 =	sadd.s32 s1, s9  }
0xc1: {  	[tilespmem:s13], [sflag:$0x3] =	stream.strided.gather [hbm4b:s9+s11], $0x2000, s10, s11, $0x38;
	[tilespmem:$0x10600] =	vst v63  }
0xc2: {  	s9 =	spop (v2sf)  }
0xc3: {  	s4 =	sadd.s32 s9, s4  }
0xc4: {  	s4 =	sand.u32 $0xFFFFF80, s4  }
0xc5: {  	s29 =	simm.s32 $0xC400;
	s4 =	sadd.s32 s2, s4  }
0xc6: {  	[tilespmem:s29], [sflag:$0x7] =	stream.strided.gather [hbm4b:s4+s11], $0x2000, s10, s11, $0x38;
	[tilespmem:$0x10600] =	vst v63  }
0xc7: {  	_ =	swait.ge [sflag:s26], $0x2000  }
0xc8: {  	[sflag:s26] =	ssyncset.done $0x0  }
0xc9: {  	[sflag:s26] =	ssyncadd.s32 $0xFFFFE000  }
0xca: {  	_ =	swait.ge [sflag:s16], $0x2000  }
0xcb: {  	(v2sf) =	vpush v23, $0x3;
	_ =	sdelay $0x1  }
0xcc: {  	(v2sf) =	vpush v22, $0x3;
	_ =	sdelay $0xc  }
0xcd: {  	s14 =	spop (v2sf)  }
0xce: {  	s4 =	sand.u32 $0x7F, s14  }
0xcf: {  	s18 =	spop (v2sf);
	v37 =	vor.u32 s4, v12  }
0xd0: {  	s13 =	sand.u32 $0x7F, s18;
	v39 =	vor.u32 s4, v13  }
0xd1: {  	v38 =	vor.u32 s13, v12  }
0xd2: {  	[sflag:s16] =	ssyncset.done $0x0;
	v40 =	vor.u32 s13, v13  }
0xd3: {  	[sflag:s16] =	ssyncadd.s32 $0xFFFFE000;
	v41 =	vor.u32 s4, v14  }
0xd4: {  	v42 =	vor.u32 s13, v14;
	v21 =	vld.idx.msk [tilespmem:v37+s11+$0x0], $0xffff  }
0xd5: {  	v43 =	vor.u32 s4, v15;
	v25 =	vld.idx.msk [tilespmem:v39+s11+$0x0], $0xffff  }
0xd6: {  	v30 =	vor.u32 s13, v15;
	v24 =	vld.idx.msk [tilespmem:v38+s12+$0x0], $0xffff  }
0xd7: {  	v26 =	vld.idx.msk [tilespmem:v40+s12+$0x0], $0xffff  }
0xd8: {  	v27 =	vld.idx.msk [tilespmem:v41+s11+$0x0], $0xffff  }
0xd9: {  	v28 =	vld.idx.msk [tilespmem:v42+s12+$0x0], $0xffff  }
0xda: {  	v29 =	vld.idx.msk [tilespmem:v43+s11+$0x0], $0xffff  }
0xdb: {  	v30 =	vld.idx.msk [tilespmem:v30+s12+$0x0], $0xffff  }
0xdc: {  	v21 =	vmul.f32 v24, v21;
	v44 =	vmul.f32 v26, v25;
	_ =	sdelay $0x1  }
0xdd: {  	v45 =	vmul.f32 v28, v27;
	v21 =	vadd.f32 v44, v21;
	_ =	sdelay $0x1  }
0xde: {  	v46 =	vmul.f32 v30, v29;
	v21 =	vadd.f32 v45, v21;
	_ =	sdelay $0x1  }
0xdf: {  	v21 =	vadd.f32 v46, v21;
	_ =	sdelay $0x1  }
0xe0: {  	(xrf2) =	vadd.scan.msk.f32 $0xffff, v21;
	_ =	sdelay $0x9  }
0xe1: {  	(v2sf) =	vpush v23, $0x7;
	v21, _, _ =	vpop (xrf2)  }
0xe2: {  	(v2sf) =	vpush v21, $0xF;
	_ =	sdelay $0x3  }
0xe3: {  	(v2sf) =	vpush v22, $0x7;
	_ =	sdelay $0x9  }
0xe4: {  	s4 =	spop (v2sf)  }
0xe5: {  	s29 =	spop (v2sf)  }
0xe6: {  	p0 =	sne.f32 s29, s29  }
0xe7: {  	s13 =	simm.s32 $0x80  }
0xe8: {  	s13 =	simm.s32 @!p0 $0x0  }
0xe9: {  	s29 =	spop (v2sf);
	s14 =	sadd.s32 s4, s13  }
0xea: {  	s13 =	sadd.s32 s29, s13;
	s14 =	sand.u32 $0xFFFFF80, s14  }
0xeb: {  	s13 =	sand.u32 $0xFFFFF80, s13;
	s14 =	sadd.s32 s1, s14  }
0xec: {  	[tilespmem:s15], [sflag:$0x4] =	stream.strided.gather [hbm4b:s14+s11], $0x2000, s10, s11, $0x38;
	[tilespmem:$0x10600] =	vst v63  }
0xed: {  	s17 =	simm.s32 $0xE400;
	s13 =	sadd.s32 s2, s13  }
0xee: {  	[tilespmem:s17], [sflag:$0x8] =	stream.strided.gather [hbm4b:s13+s11], $0x2000, s10, s11, $0x38;
	[tilespmem:$0x10600] =	vst v63  }
0xef: {  	s14 =	sand.u32 $0x7F, s28;
	_ =	swait.ge [sflag:s20], $0x2000  }
0xf0: {  	s6 =	sand.u32 $0x7F, s6;
	v47 =	vor.u32 s14, v0;
	[sflag:s20] =	ssyncset.done $0x0  }
0xf1: {  	v48 =	vor.u32 s6, v0;
	[sflag:s20] =	ssyncadd.s32 $0xFFFFE000  }
0xf2: {  	v49 =	vor.u32 s14, v1;
	_ =	swait.ge [sflag:s21], $0x2000  }
0xf3: {  	v50 =	vor.u32 s6, v1;
	[sflag:s21] =	ssyncset.done $0x0  }
0xf4: {  	v51 =	vor.u32 s14, v2;
	[sflag:s21] =	ssyncadd.s32 $0xFFFFE000  }
0xf5: {  	v52 =	vor.u32 s6, v2;
	v24 =	vld.idx.msk [tilespmem:v47+s11+$0x0], $0xffff  }
0xf6: {  	v53 =	vor.u32 s14, v3;
	v25 =	vld.idx.msk [tilespmem:v48+s12+$0x0], $0xffff  }
0xf7: {  	v31 =	vor.u32 s6, v3;
	v26 =	vld.idx.msk [tilespmem:v49+s11+$0x0], $0xffff  }
0xf8: {  	v27 =	vld.idx.msk [tilespmem:v50+s12+$0x0], $0xffff  }
0xf9: {  	v28 =	vld.idx.msk [tilespmem:v51+s11+$0x0], $0xffff  }
0xfa: {  	v29 =	vld.idx.msk [tilespmem:v52+s12+$0x0], $0xffff  }
0xfb: {  	v30 =	vld.idx.msk [tilespmem:v53+s11+$0x0], $0xffff  }
0xfc: {  	v31 =	vld.idx.msk [tilespmem:v31+s12+$0x0], $0xffff  }
0xfd: {  	v24 =	vmul.f32 v25, v24;
	v54 =	vmul.f32 v27, v26;
	_ =	sdelay $0x1  }
0xfe: {  	v55 =	vmul.f32 v29, v28;
	v24 =	vadd.f32 v54, v24;
	_ =	sdelay $0x1  }
0xff: {  	v56 =	vmul.f32 v31, v30;
	v24 =	vadd.f32 v55, v24;
	_ =	sdelay $0x1  }
0x100: {  	v24 =	vadd.f32 v56, v24;
	_ =	sdelay $0x1  }
0x101: {  	(xrf2) =	vadd.scan.msk.f32 $0xffff, v24;
	_ =	sdelay $0x9  }
0x102: {  	(v2sf) =	vpush v23, $0x8;
	v24, _, _ =	vpop (xrf2)  }
0x103: {  	(v2sf) =	vpush v24, $0xF;
	_ =	sdelay $0x4  }
0x104: {  	(v2sf) =	vpush v22, $0x8;
	_ =	sdelay $0x8  }
0x105: {  	s6 =	spop (v2sf)  }
0x106: {  	s17 =	spop (v2sf)  }
0x107: {  	p0 =	sne.f32 s17, s17  }
0x108: {  	s13 =	simm.s32 $0x80  }
0x109: {  	s13 =	simm.s32 @!p0 $0x0  }
0x10a: {  	s28 =	sadd.s32 s6, s13  }
0x10b: {  	s14 =	sand.u32 $0xFFFFF80, s28;
	s28 =	spop (v2sf)  }
0x10c: {  	s14 =	sadd.s32 s1, s14;
	s13 =	sadd.s32 s28, s13  }
0x10d: {  	[tilespmem:s11], [sflag:$0x1] =	stream.strided.gather [hbm4b:s14+s11], $0x2000, s10, s11, $0x38;
	[tilespmem:$0x10600] =	vst v63  }
0x10e: {  	s13 =	sand.u32 $0xFFFFF80, s13  }
0x10f: {  	s13 =	sadd.s32 s2, s13  }
0x110: {  	[tilespmem:s12], [sflag:$0x5] =	stream.strided.gather [hbm4b:s13+s11], $0x2000, s10, s11, $0x38;
	[tilespmem:$0x10600] =	vst v63  }
0x111: {  	s5 =	sand.u32 $0x7F, s5;
	_ =	swait.ge [sflag:s22], $0x2000  }
0x112: {  	s8 =	sand.u32 $0x7F, s8;
	v57 =	vor.u32 s5, v4;
	[sflag:s22] =	ssyncset.done $0x0  }
0x113: {  	v58 =	vor.u32 s8, v4;
	[sflag:s22] =	ssyncadd.s32 $0xFFFFE000  }
0x114: {  	v59 =	vor.u32 s5, v5;
	_ =	swait.ge [sflag:s23], $0x2000  }
0x115: {  	v60 =	vor.u32 s8, v5;
	[sflag:s23] =	ssyncset.done $0x0  }
0x116: {  	v61 =	vor.u32 s5, v6;
	[sflag:s23] =	ssyncadd.s32 $0xFFFFE000  }
0x117: {  	v62 =	vor.u32 s8, v6;
	v25 =	vld.idx.msk [tilespmem:v57+s11+$0x0], $0xffff  }
0x118: {  	v63 =	vor.u32 s5, v7;
	v26 =	vld.idx.msk [tilespmem:v58+s12+$0x0], $0xffff  }
0x119: {  	v32 =	vor.u32 s8, v7;
	v27 =	vld.idx.msk [tilespmem:v59+s11+$0x0], $0xffff  }
0x11a: {  	v28 =	vld.idx.msk [tilespmem:v60+s12+$0x0], $0xffff  }
0x11b: {  	v29 =	vld.idx.msk [tilespmem:v61+s11+$0x0], $0xffff  }
0x11c: {  	v30 =	vld.idx.msk [tilespmem:v62+s12+$0x0], $0xffff  }
0x11d: {  	v31 =	vld.idx.msk [tilespmem:v63+s11+$0x0], $0xffff  }
0x11e: {  	v32 =	vld.idx.msk [tilespmem:v32+s12+$0x0], $0xffff  }
0x11f: {  	v25 =	vmul.f32 v26, v25;
	v34 =	vmul.f32 v28, v27;
	_ =	sdelay $0x1  }
0x120: {  	v35 =	vmul.f32 v30, v29;
	v25 =	vadd.f32 v34, v25;
	_ =	sdelay $0x1  }
0x121: {  	v36 =	vmul.f32 v32, v31;
	v25 =	vadd.f32 v35, v25;
	_ =	sdelay $0x1  }
0x122: {  	v25 =	vadd.f32 v36, v25;
	_ =	sdelay $0x1  }
0x123: {  	(xrf2) =	vadd.scan.msk.f32 $0xffff, v25;
	_ =	sdelay $0x9  }
0x124: {  	(v2sf) =	vpush v23, $0x9;
	v25, _, _ =	vpop (xrf2)  }
0x125: {  	(v2sf) =	vpush v25, $0xF;
	_ =	sdelay $0x7  }
0x126: {  	(v2sf) =	vpush v22, $0x9;
	_ =	sdelay $0x5  }
0x127: {  	s5 =	spop (v2sf)  }
0x128: {  	s14 =	spop (v2sf)  }
0x129: {  	p0 =	sne.f32 s14, s14  }
0x12a: {  	s13 =	simm.s32 $0x80  }
0x12b: {  	s13 =	simm.s32 @!p0 $0x0  }
0x12c: {  	s17 =	sadd.s32 s5, s13  }
0x12d: {  	s8 =	sand.u32 $0xFFFFF80, s17  }
0x12e: {  	s8 =	sadd.s32 s1, s8  }
0x12f: {  	[tilespmem:s30], [sflag:$0x2] =	stream.strided.gather [hbm4b:s8+s11], $0x2000, s10, s11, $0x38;
	[tilespmem:$0x10600] =	vst v63  }
0x130: {  	s8 =	spop (v2sf)  }
0x131: {  	s13 =	sadd.s32 s8, s13  }
0x132: {  	s13 =	sand.u32 $0xFFFFF80, s13  }
0x133: {  	s13 =	sadd.s32 s2, s13  }
0x134: {  	[tilespmem:s19], [sflag:$0x6] =	stream.strided.gather [hbm4b:s13+s11], $0x2000, s10, s11, $0x38;
	[tilespmem:$0x10600] =	vst v63  }
0x135: {  	s7 =	sand.u32 $0x7F, s7;
	_ =	swait.ge [sflag:s24], $0x2000  }
0x136: {  	s9 =	sand.u32 $0x7F, s9;
	v37 =	vor.u32 s7, v8;
	[sflag:s24] =	ssyncset.done $0x0  }
0x137: {  	v38 =	vor.u32 s9, v8;
	[sflag:s24] =	ssyncadd.s32 $0xFFFFE000  }
0x138: {  	v39 =	vor.u32 s7, v9;
	_ =	swait.ge [sflag:s25], $0x2000  }
0x139: {  	v40 =	vor.u32 s9, v9;
	[sflag:s25] =	ssyncset.done $0x0  }
0x13a: {  	v41 =	vor.u32 s7, v10;
	[sflag:s25] =	ssyncadd.s32 $0xFFFFE000  }
0x13b: {  	v42 =	vor.u32 s9, v10;
	v26 =	vld.idx.msk [tilespmem:v37+s11+$0x0], $0xffff  }
0x13c: {  	v43 =	vor.u32 s7, v11;
	v27 =	vld.idx.msk [tilespmem:v38+s12+$0x0], $0xffff  }
0x13d: {  	v33 =	vor.u32 s9, v11;
	v28 =	vld.idx.msk [tilespmem:v39+s11+$0x0], $0xffff  }
0x13e: {  	v29 =	vld.idx.msk [tilespmem:v40+s12+$0x0], $0xffff  }
0x13f: {  	v30 =	vld.idx.msk [tilespmem:v41+s11+$0x0], $0xffff  }
0x140: {  	v31 =	vld.idx.msk [tilespmem:v42+s12+$0x0], $0xffff  }
0x141: {  	v32 =	vld.idx.msk [tilespmem:v43+s11+$0x0], $0xffff  }
0x142: {  	v33 =	vld.idx.msk [tilespmem:v33+s12+$0x0], $0xffff  }
0x143: {  	v26 =	vmul.f32 v27, v26;
	v44 =	vmul.f32 v29, v28;
	_ =	sdelay $0x1  }
0x144: {  	v45 =	vmul.f32 v31, v30;
	v26 =	vadd.f32 v44, v26;
	_ =	sdelay $0x1  }
0x145: {  	v46 =	vmul.f32 v33, v32;
	v26 =	vadd.f32 v45, v26;
	_ =	sdelay $0x1  }
0x146: {  	v26 =	vadd.f32 v46, v26;
	_ =	sdelay $0x1  }
0x147: {  	(xrf2) =	vadd.scan.msk.f32 $0xffff, v26;
	_ =	sdelay $0x9  }
0x148: {  	(v2sf) =	vpush v23, $0xA;
	v26, _, _ =	vpop (xrf2)  }
0x149: {  	(v2sf) =	vpush v26, $0xF;
	_ =	sdelay $0x7  }
0x14a: {  	(v2sf) =	vpush v22, $0xA;
	_ =	sdelay $0x5  }
0x14b: {  	s7 =	spop (v2sf)  }
0x14c: {  	s13 =	spop (v2sf)  }
0x14d: {  	p0 =	sne.f32 s13, s13  }
0x14e: {  	s9 =	simm.s32 $0x80  }
0x14f: {  	s9 =	simm.s32 @!p0 $0x0  }
0x150: {  	s14 =	sadd.s32 s7, s9  }
0x151: {  	s13 =	sand.u32 $0xFFFFF80, s14  }
0x152: {  	s17 =	simm.s32 $0x4400;
	s13 =	sadd.s32 s1, s13  }
0x153: {  	[tilespmem:s17], [sflag:$0x3] =	stream.strided.gather [hbm4b:s13+s11], $0x2000, s10, s11, $0x38;
	[tilespmem:$0x10600] =	vst v63  }
0x154: {  	s13 =	spop (v2sf)  }
0x155: {  	s9 =	sadd.s32 s13, s9  }
0x156: {  	s9 =	sand.u32 $0xFFFFF80, s9  }
0x157: {  	s17 =	simm.s32 $0xC400;
	s9 =	sadd.s32 s2, s9  }
0x158: {  	[tilespmem:s17], [sflag:$0x7] =	stream.strided.gather [hbm4b:s9+s11], $0x2000, s10, s11, $0x38;
	[tilespmem:$0x10600] =	vst v63  }
0x159: {  	s4 =	sand.u32 $0x7F, s4;
	_ =	swait.ge [sflag:s26], $0x2000  }
0x15a: {  	s29 =	sand.u32 $0x7F, s29;
	v47 =	vor.u32 s4, v12;
	[sflag:s26] =	ssyncset.done $0x0  }
0x15b: {  	v48 =	vor.u32 s29, v12;
	[sflag:s26] =	ssyncadd.s32 $0xFFFFE000  }
0x15c: {  	v49 =	vor.u32 s4, v13;
	_ =	swait.ge [sflag:s16], $0x2000  }
0x15d: {  	v50 =	vor.u32 s29, v13;
	[sflag:s16] =	ssyncset.done $0x0  }
0x15e: {  	v51 =	vor.u32 s4, v14;
	[sflag:s16] =	ssyncadd.s32 $0xFFFFE000  }
0x15f: {  	v52 =	vor.u32 s29, v14;
	v27 =	vld.idx.msk [tilespmem:v47+s11+$0x0], $0xffff  }
0x160: {  	v53 =	vor.u32 s4, v15;
	v28 =	vld.idx.msk [tilespmem:v48+s12+$0x0], $0xffff  }
0x161: {  	v34 =	vor.u32 s29, v15;
	v29 =	vld.idx.msk [tilespmem:v49+s11+$0x0], $0xffff  }
0x162: {  	v30 =	vld.idx.msk [tilespmem:v50+s12+$0x0], $0xffff  }
0x163: {  	v31 =	vld.idx.msk [tilespmem:v51+s11+$0x0], $0xffff  }
0x164: {  	v32 =	vld.idx.msk [tilespmem:v52+s12+$0x0], $0xffff  }
0x165: {  	v33 =	vld.idx.msk [tilespmem:v53+s11+$0x0], $0xffff  }
0x166: {  	v34 =	vld.idx.msk [tilespmem:v34+s12+$0x0], $0xffff  }
0x167: {  	v27 =	vmul.f32 v28, v27;
	v54 =	vmul.f32 v30, v29;
	_ =	sdelay $0x1  }
0x168: {  	v55 =	vmul.f32 v32, v31;
	v27 =	vadd.f32 v54, v27;
	_ =	sdelay $0x1  }
0x169: {  	v56 =	vmul.f32 v34, v33;
	v27 =	vadd.f32 v55, v27;
	_ =	sdelay $0x1  }
0x16a: {  	v27 =	vadd.f32 v56, v27;
	_ =	sdelay $0x1  }
0x16b: {  	(xrf2) =	vadd.scan.msk.f32 $0xffff, v27;
	_ =	sdelay $0x9  }
0x16c: {  	(v2sf) =	vpush v23, $0xB;
	v27, _, _ =	vpop (xrf2)  }
0x16d: {  	(v2sf) =	vpush v27, $0xF;
	_ =	sdelay $0x7  }
0x16e: {  	(v2sf) =	vpush v22, $0xB;
	_ =	sdelay $0x5  }
0x16f: {  	s4 =	spop (v2sf)  }
0x170: {  	s14 =	spop (v2sf)  }
0x171: {  	p0 =	sne.f32 s14, s14  }
0x172: {  	s9 =	simm.s32 $0x80  }
0x173: {  	s9 =	simm.s32 @!p0 $0x0  }
0x174: {  	s17 =	sadd.s32 s4, s9  }
0x175: {  	s14 =	sand.u32 $0xFFFFF80, s17  }
0x176: {  	s14 =	sadd.s32 s1, s14  }
0x177: {  	[tilespmem:s15], [sflag:$0x4] =	stream.strided.gather [hbm4b:s14+s11], $0x2000, s10, s11, $0x38;
	[tilespmem:$0x10600] =	vst v63  }
0x178: {  	s14 =	spop (v2sf)  }
0x179: {  	s9 =	sadd.s32 s14, s9  }
0x17a: {  	s9 =	sand.u32 $0xFFFFF80, s9  }
0x17b: {  	s18 =	simm.s32 $0xE400;
	s9 =	sadd.s32 s2, s9  }
0x17c: {  	[tilespmem:s18], [sflag:$0x8] =	stream.strided.gather [hbm4b:s9+s11], $0x2000, s10, s11, $0x38;
	[tilespmem:$0x10600] =	vst v63  }
0x17d: {  	s6 =	sand.u32 $0x7F, s6;
	_ =	swait.ge [sflag:s20], $0x2000  }
0x17e: {  	v57 =	vor.u32 s6, v0;
	s18 =	sand.u32 $0x7F, s28;
	[sflag:s20] =	ssyncset.done $0x0  }
0x17f: {  	v58 =	vor.u32 s18, v0;
	[sflag:s20] =	ssyncadd.s32 $0xFFFFE000  }
0x180: {  	v59 =	vor.u32 s6, v1;
	_ =	swait.ge [sflag:s21], $0x2000  }
0x181: {  	v60 =	vor.u32 s18, v1;
	[sflag:s21] =	ssyncset.done $0x0  }
0x182: {  	v61 =	vor.u32 s6, v2;
	[sflag:s21] =	ssyncadd.s32 $0xFFFFE000  }
0x183: {  	v62 =	vor.u32 s18, v2;
	v28 =	vld.idx.msk [tilespmem:v57+s11+$0x0], $0xffff  }
0x184: {  	v63 =	vor.u32 s6, v3;
	v29 =	vld.idx.msk [tilespmem:v58+s12+$0x0], $0xffff  }
0x185: {  	v35 =	vor.u32 s18, v3;
	v30 =	vld.idx.msk [tilespmem:v59+s11+$0x0], $0xffff  }
0x186: {  	v31 =	vld.idx.msk [tilespmem:v60+s12+$0x0], $0xffff  }
0x187: {  	v32 =	vld.idx.msk [tilespmem:v61+s11+$0x0], $0xffff  }
0x188: {  	v33 =	vld.idx.msk [tilespmem:v62+s12+$0x0], $0xffff  }
0x189: {  	v34 =	vld.idx.msk [tilespmem:v63+s11+$0x0], $0xffff  }
0x18a: {  	v35 =	vld.idx.msk [tilespmem:v35+s12+$0x0], $0xffff  }
0x18b: {  	v28 =	vmul.f32 v29, v28;
	v36 =	vmul.f32 v31, v30;
	_ =	sdelay $0x1  }
0x18c: {  	v37 =	vmul.f32 v33, v32;
	v28 =	vadd.f32 v36, v28;
	_ =	sdelay $0x1  }
0x18d: {  	v38 =	vmul.f32 v35, v34;
	v28 =	vadd.f32 v37, v28;
	_ =	sdelay $0x1  }
0x18e: {  	v28 =	vadd.f32 v38, v28;
	_ =	sdelay $0x1  }
0x18f: {  	(xrf2) =	vadd.scan.msk.f32 $0xffff, v28;
	_ =	sdelay $0x9  }
0x190: {  	(v2sf) =	vpush v23, $0xC;
	v28, _, _ =	vpop (xrf2)  }
0x191: {  	(v2sf) =	vpush v28, $0xF;
	_ =	sdelay $0x7  }
0x192: {  	(v2sf) =	vpush v22, $0xC;
	_ =	sdelay $0x5  }
0x193: {  	s9 =	spop (v2sf)  }
0x194: {  	s28 =	spop (v2sf)  }
0x195: {  	p0 =	sne.f32 s28, s28  }
0x196: {  	s6 =	simm.s32 $0x80  }
0x197: {  	s6 =	simm.s32 @!p0 $0x0  }
0x198: {  	s29 =	sadd.s32 s9, s6  }
0x199: {  	s15 =	sand.u32 $0xFFFFF80, s29  }
0x19a: {  	s15 =	sadd.s32 s1, s15  }
0x19b: {  	[tilespmem:s11], [sflag:$0x1] =	stream.strided.gather [hbm4b:s15+s11], $0x2000, s10, s11, $0x38;
	[tilespmem:$0x10600] =	vst v63  }
0x19c: {  	s15 =	spop (v2sf)  }
0x19d: {  	s6 =	sadd.s32 s15, s6  }
0x19e: {  	s6 =	sand.u32 $0xFFFFF80, s6  }
0x19f: {  	s6 =	sadd.s32 s2, s6  }
0x1a0: {  	[tilespmem:s12], [sflag:$0x5] =	stream.strided.gather [hbm4b:s6+s11], $0x2000, s10, s11, $0x38;
	[tilespmem:$0x10600] =	vst v63  }
0x1a1: {  	s5 =	sand.u32 $0x7F, s5;
	_ =	swait.ge [sflag:s22], $0x2000  }
0x1a2: {  	v39 =	vor.u32 s5, v4;
	s18 =	sand.u32 $0x7F, s8;
	[sflag:s22] =	ssyncset.done $0x0  }
0x1a3: {  	v40 =	vor.u32 s18, v4;
	[sflag:s22] =	ssyncadd.s32 $0xFFFFE000  }
0x1a4: {  	v41 =	vor.u32 s5, v5;
	_ =	swait.ge [sflag:s23], $0x2000  }
0x1a5: {  	v42 =	vor.u32 s18, v5;
	[sflag:s23] =	ssyncset.done $0x0  }
0x1a6: {  	v43 =	vor.u32 s5, v6;
	[sflag:s23] =	ssyncadd.s32 $0xFFFFE000  }
0x1a7: {  	v44 =	vor.u32 s18, v6;
	v29 =	vld.idx.msk [tilespmem:v39+s11+$0x0], $0xffff  }
0x1a8: {  	v45 =	vor.u32 s5, v7;
	v30 =	vld.idx.msk [tilespmem:v40+s12+$0x0], $0xffff  }
0x1a9: {  	v36 =	vor.u32 s18, v7;
	v31 =	vld.idx.msk [tilespmem:v41+s11+$0x0], $0xffff  }
0x1aa: {  	v32 =	vld.idx.msk [tilespmem:v42+s12+$0x0], $0xffff  }
0x1ab: {  	v33 =	vld.idx.msk [tilespmem:v43+s11+$0x0], $0xffff  }
0x1ac: {  	v34 =	vld.idx.msk [tilespmem:v44+s12+$0x0], $0xffff  }
0x1ad: {  	v35 =	vld.idx.msk [tilespmem:v45+s11+$0x0], $0xffff  }
0x1ae: {  	v36 =	vld.idx.msk [tilespmem:v36+s12+$0x0], $0xffff  }
0x1af: {  	v29 =	vmul.f32 v30, v29;
	v46 =	vmul.f32 v32, v31;
	_ =	sdelay $0x1  }
0x1b0: {  	v47 =	vmul.f32 v34, v33;
	v29 =	vadd.f32 v46, v29;
	_ =	sdelay $0x1  }
0x1b1: {  	v48 =	vmul.f32 v36, v35;
	v29 =	vadd.f32 v47, v29;
	_ =	sdelay $0x1  }
0x1b2: {  	v29 =	vadd.f32 v48, v29;
	_ =	sdelay $0x1  }
0x1b3: {  	(xrf2) =	vadd.scan.msk.f32 $0xffff, v29;
	_ =	sdelay $0x9  }
0x1b4: {  	(v2sf) =	vpush v23, $0xD;
	v29, _, _ =	vpop (xrf2)  }
0x1b5: {  	(v2sf) =	vpush v29, $0xF;
	_ =	sdelay $0x4  }
0x1b6: {  	(v2sf) =	vpush v22, $0xD;
	_ =	sdelay $0x8  }
0x1b7: {  	s6 =	spop (v2sf)  }
0x1b8: {  	s28 =	spop (v2sf)  }
0x1b9: {  	p0 =	sne.f32 s28, s28  }
0x1ba: {  	s5 =	simm.s32 $0x80  }
0x1bb: {  	s5 =	simm.s32 @!p0 $0x0  }
0x1bc: {  	s29 =	sadd.s32 s6, s5  }
0x1bd: {  	s8 =	sand.u32 $0xFFFFF80, s29;
	s29 =	spop (v2sf)  }
0x1be: {  	s8 =	sadd.s32 s1, s8;
	s5 =	sadd.s32 s29, s5  }
0x1bf: {  	[tilespmem:s30], [sflag:$0x2] =	stream.strided.gather [hbm4b:s8+s11], $0x2000, s10, s11, $0x38;
	[tilespmem:$0x10600] =	vst v63  }
0x1c0: {  	s5 =	sand.u32 $0xFFFFF80, s5  }
0x1c1: {  	s5 =	sadd.s32 s2, s5  }
0x1c2: {  	[tilespmem:s19], [sflag:$0x6] =	stream.strided.gather [hbm4b:s5+s11], $0x2000, s10, s11, $0x38;
	[tilespmem:$0x10600] =	vst v63  }
0x1c3: {  	s7 =	sand.u32 $0x7F, s7;
	_ =	swait.ge [sflag:s24], $0x2000  }
0x1c4: {  	v49 =	vor.u32 s7, v8;
	s8 =	sand.u32 $0x7F, s13;
	[sflag:s24] =	ssyncset.done $0x0  }
0x1c5: {  	v50 =	vor.u32 s8, v8;
	[sflag:s24] =	ssyncadd.s32 $0xFFFFE000  }
0x1c6: {  	v51 =	vor.u32 s7, v9;
	_ =	swait.ge [sflag:s25], $0x2000  }
0x1c7: {  	v52 =	vor.u32 s8, v9;
	[sflag:s25] =	ssyncset.done $0x0  }
0x1c8: {  	v53 =	vor.u32 s7, v10;
	[sflag:s25] =	ssyncadd.s32 $0xFFFFE000  }
0x1c9: {  	v54 =	vor.u32 s8, v10;
	v30 =	vld.idx.msk [tilespmem:v49+s11+$0x0], $0xffff  }
0x1ca: {  	v55 =	vor.u32 s7, v11;
	v31 =	vld.idx.msk [tilespmem:v50+s12+$0x0], $0xffff  }
0x1cb: {  	v37 =	vor.u32 s8, v11;
	v32 =	vld.idx.msk [tilespmem:v51+s11+$0x0], $0xffff  }
0x1cc: {  	v33 =	vld.idx.msk [tilespmem:v52+s12+$0x0], $0xffff  }
0x1cd: {  	v34 =	vld.idx.msk [tilespmem:v53+s11+$0x0], $0xffff  }
0x1ce: {  	v35 =	vld.idx.msk [tilespmem:v54+s12+$0x0], $0xffff  }
0x1cf: {  	v36 =	vld.idx.msk [tilespmem:v55+s11+$0x0], $0xffff  }
0x1d0: {  	v37 =	vld.idx.msk [tilespmem:v37+s12+$0x0], $0xffff  }
0x1d1: {  	v30 =	vmul.f32 v31, v30;
	v56 =	vmul.f32 v33, v32;
	_ =	sdelay $0x1  }
0x1d2: {  	v57 =	vmul.f32 v35, v34;
	v30 =	vadd.f32 v56, v30;
	_ =	sdelay $0x1  }
0x1d3: {  	v58 =	vmul.f32 v37, v36;
	v30 =	vadd.f32 v57, v30;
	_ =	sdelay $0x1  }
0x1d4: {  	v30 =	vadd.f32 v58, v30;
	_ =	sdelay $0x1  }
0x1d5: {  	(xrf2) =	vadd.scan.msk.f32 $0xffff, v30;
	_ =	sdelay $0x9  }
0x1d6: {  	(v2sf) =	vpush v23, $0xE;
	v30, _, _ =	vpop (xrf2)  }
0x1d7: {  	(v2sf) =	vpush v30, $0xF;
	_ =	sdelay $0x7  }
0x1d8: {  	(v2sf) =	vpush v22, $0xE;
	_ =	sdelay $0x5  }
0x1d9: {  	s5 =	spop (v2sf)  }
0x1da: {  	s13 =	spop (v2sf)  }
0x1db: {  	p0 =	sne.f32 s13, s13  }
0x1dc: {  	s7 =	simm.s32 $0x80  }
0x1dd: {  	s7 =	simm.s32 @!p0 $0x0  }
0x1de: {  	s18 =	sadd.s32 s5, s7  }
0x1df: {  	s8 =	sand.u32 $0xFFFFF80, s18  }
0x1e0: {  	s19 =	simm.s32 $0x4400;
	s8 =	sadd.s32 s1, s8  }
0x1e1: {  	[tilespmem:s19], [sflag:$0x3] =	stream.strided.gather [hbm4b:s8+s11], $0x2000, s10, s11, $0x38;
	[tilespmem:$0x10600] =	vst v63  }
0x1e2: {  	s8 =	spop (v2sf)  }
0x1e3: {  	s7 =	sadd.s32 s8, s7  }
0x1e4: {  	s7 =	sand.u32 $0xFFFFF80, s7  }
0x1e5: {  	s28 =	simm.s32 $0xC400;
	s7 =	sadd.s32 s2, s7  }
0x1e6: {  	[tilespmem:s28], [sflag:$0x7] =	stream.strided.gather [hbm4b:s7+s11], $0x2000, s10, s11, $0x38;
	[tilespmem:$0x10600] =	vst v63  }
0x1e7: {  	s4 =	sand.u32 $0x7F, s4;
	_ =	swait.ge [sflag:s26], $0x2000  }
0x1e8: {  	v59 =	vor.u32 s4, v12;
	s28 =	sand.u32 $0x7F, s14;
	[sflag:s26] =	ssyncset.done $0x0  }
0x1e9: {  	v60 =	vor.u32 s28, v12;
	[sflag:s26] =	ssyncadd.s32 $0xFFFFE000  }
0x1ea: {  	v61 =	vor.u32 s4, v13;
	_ =	swait.ge [sflag:s16], $0x2000  }
0x1eb: {  	v62 =	vor.u32 s28, v13;
	[sflag:s16] =	ssyncset.done $0x0  }
0x1ec: {  	v63 =	vor.u32 s4, v14;
	[sflag:s16] =	ssyncadd.s32 $0xFFFFE000  }
0x1ed: {  	v40 =	vor.u32 s28, v14;
	v31 =	vld.idx.msk [tilespmem:v59+s11+$0x0], $0xffff  }
0x1ee: {  	v41 =	vor.u32 s4, v15;
	v32 =	vld.idx.msk [tilespmem:v60+s12+$0x0], $0xffff  }
0x1ef: {  	v38 =	vor.u32 s28, v15;
	v33 =	vld.idx.msk [tilespmem:v61+s11+$0x0], $0xffff  }
0x1f0: {  	v34 =	vld.idx.msk [tilespmem:v62+s12+$0x0], $0xffff  }
0x1f1: {  	v35 =	vld.idx.msk [tilespmem:v63+s11+$0x0], $0xffff  }
0x1f2: {  	v36 =	vld.idx.msk [tilespmem:v40+s12+$0x0], $0xffff  }
0x1f3: {  	v37 =	vld.idx.msk [tilespmem:v41+s11+$0x0], $0xffff  }
0x1f4: {  	v38 =	vld.idx.msk [tilespmem:v38+s12+$0x0], $0xffff  }
0x1f5: {  	v31 =	vmul.f32 v32, v31;
	v42 =	vmul.f32 v34, v33;
	_ =	sdelay $0x1  }
0x1f6: {  	v43 =	vmul.f32 v36, v35;
	v31 =	vadd.f32 v42, v31;
	_ =	sdelay $0x1  }
0x1f7: {  	v44 =	vmul.f32 v38, v37;
	v31 =	vadd.f32 v43, v31;
	_ =	sdelay $0x1  }
0x1f8: {  	v31 =	vadd.f32 v44, v31;
	_ =	sdelay $0x1  }
0x1f9: {  	(xrf2) =	vadd.scan.msk.f32 $0xffff, v31;
	_ =	sdelay $0x9  }
0x1fa: {  	(v2sf) =	vpush v23, $0xF;
	v31, _, _ =	vpop (xrf2)  }
0x1fb: {  	(v2sf) =	vpush v31, $0xF;
	_ =	sdelay $0x7  }
0x1fc: {  	(v2sf) =	vpush v22, $0xF;
	_ =	sdelay $0x5  }
0x1fd: {  	s28 =	spop (v2sf)  }
0x1fe: {  	s7 =	spop (v2sf)  }
0x1ff: {  	p0 =	sne.f32 s7, s7  }
0x200: {  	s4 =	simm.s32 $0x80  }
0x201: {  	s4 =	simm.s32 @!p0 $0x0  }
0x202: {  	s13 =	sadd.s32 s28, s4  }
0x203: {  	s7 =	sand.u32 $0xFFFFF80, s13  }
0x204: {  	s17 =	simm.s32 $0x6400;
	s7 =	sadd.s32 s1, s7  }
0x205: {  	[tilespmem:s17], [sflag:$0x4] =	stream.strided.gather [hbm4b:s7+s11], $0x2000, s10, s11, $0x38;
	[tilespmem:$0x10600] =	vst v63  }
0x206: {  	s7 =	spop (v2sf)  }
0x207: {  	s4 =	sadd.s32 s7, s4  }
0x208: {  	s4 =	sand.u32 $0xFFFFF80, s4  }
0x209: {  	s14 =	simm.s32 $0xE400;
	s4 =	sadd.s32 s2, s4  }
0x20a: {  	[tilespmem:s14], [sflag:$0x8] =	stream.strided.gather [hbm4b:s4+s11], $0x2000, s10, s11, $0x38;
	[tilespmem:$0x10600] =	vst v63  }
0x20b: {  	s9 =	sand.u32 $0x7F, s9;
	_ =	swait.ge [sflag:s20], $0x2000  }
0x20c: {  	v45 =	vor.u32 s9, v0;
	s13 =	sand.u32 $0x7F, s15;
	[sflag:s20] =	ssyncset.done $0x0  }
0x20d: {  	v46 =	vor.u32 s13, v0;
	[sflag:s20] =	ssyncadd.s32 $0xFFFFE000  }
0x20e: {  	v47 =	vor.u32 s9, v1;
	_ =	swait.ge [sflag:s21], $0x2000  }
0x20f: {  	v48 =	vor.u32 s13, v1;
	[sflag:s21] =	ssyncset.done $0x0  }
0x210: {  	v49 =	vor.u32 s9, v2;
	[sflag:s21] =	ssyncadd.s32 $0xFFFFE000  }
0x211: {  	v50 =	vor.u32 s13, v2;
	v22 =	vld.idx.msk [tilespmem:v45+s11+$0x0], $0xffff  }
0x212: {  	v51 =	vor.u32 s9, v3;
	v23 =	vld.idx.msk [tilespmem:v46+s12+$0x0], $0xffff  }
0x213: {  	v52 =	vor.u32 s13, v3;
	v32 =	vld.idx.msk [tilespmem:v47+s11+$0x0], $0xffff  }
0x214: {  	v33 =	vld.idx.msk [tilespmem:v48+s12+$0x0], $0xffff  }
0x215: {  	v34 =	vld.idx.msk [tilespmem:v49+s11+$0x0], $0xffff  }
0x216: {  	v35 =	vld.idx.msk [tilespmem:v50+s12+$0x0], $0xffff  }
0x217: {  	v36 =	vld.idx.msk [tilespmem:v51+s11+$0x0], $0xffff  }
0x218: {  	v37 =	vld.idx.msk [tilespmem:v52+s12+$0x0], $0xffff  }
0x219: {  	v22 =	vmul.f32 v23, v22;
	v53 =	vmul.f32 v33, v32;
	_ =	sdelay $0x1  }
0x21a: {  	v54 =	vmul.f32 v35, v34;
	v22 =	vadd.f32 v53, v22;
	_ =	sdelay $0x1  }
0x21b: {  	v55 =	vmul.f32 v37, v36;
	v22 =	vadd.f32 v54, v22;
	_ =	sdelay $0x1  }
0x21c: {  	v22 =	vadd.f32 v55, v22;
	_ =	sdelay $0x1  }
0x21d: {  	(xrf2) =	vadd.scan.msk.f32 $0xffff, v22;
	_ =	sdelay $0x9  }
0x21e: {  	p0 =	seq.s32 s31, $0x200;
	v22, _, _ =	vpop (xrf2)  }
0x21f: {  	(v2sf) =	vpush @!p0 v22, $0xF;
	_ =	sdelay $0x3  }
0x220: {  	(v2sf) =	vpush @!p0 v16, $0x0;
	_ =	sdelay $0x4  }
0x221: {  	(v2sf) =	vpush @!p0 v17, $0x0;
	_ =	sdelay $0x5  }
0x222: {  	s4 =	spop @!p0 (v2sf)  }
0x223: {  	p1 =	sne.f32 @!p0 s4, s4;
	_ =	sdelay $0x1  }
0x224: {  	s13 =	simm.s32 @!p0 $0x80;
	p1 =	por !p1, p0  }
0x225: {  	s4 =	spop @!p0 (v2sf);
	s13 =	simm.s32 @p1 $0x0  }
0x226: {  	s4 =	sadd.s32 @!p0 s4, s13  }
0x227: {  	s4 =	sand.u32 @!p0 $0xFFFFF80, s4  }
0x228: {  	s9 =	simm.s32 @!p0 $0x400;
	s14 =	sadd.s32 @!p0 s1, s4;
	s4 =	simm.s32 @!p0 $0x7A1400  }
0x229: {  	[tilespmem:s9], [sflag:$0x1] =	stream.strided.gather @!p0 [hbm4b:s14+s9], $0x2000, s4, s9, $0x38;
	[tilespmem:$0x10600] =	vst v63  }
0x22a: {  	s14 =	spop @!p0 (v2sf)  }
0x22b: {  	s13 =	sadd.s32 @!p0 s14, s13  }
0x22c: {  	s13 =	sand.u32 @!p0 $0xFFFFF80, s13  }
0x22d: {  	s14 =	simm.s32 @!p0 $0x8400;
	s13 =	sadd.s32 @!p0 s2, s13  }
0x22e: {  	[tilespmem:s14], [sflag:$0x5] =	stream.strided.gather @!p0 [hbm4b:s13+s9], $0x2000, s4, s9, $0x38;
	[tilespmem:$0x10600] =	vst v63  }
0x22f: {  	s6 =	sand.u32 $0x7F, s6;
	_ =	swait.ge [sflag:s22], $0x2000  }
0x230: {  	v56 =	vor.u32 s6, v4;
	s14 =	sand.u32 $0x7F, s29;
	[sflag:s22] =	ssyncset.done $0x0  }
0x231: {  	v57 =	vor.u32 s14, v4;
	[sflag:s22] =	ssyncadd.s32 $0xFFFFE000  }
0x232: {  	v58 =	vor.u32 s6, v5;
	_ =	swait.ge [sflag:s23], $0x2000  }
0x233: {  	v59 =	vor.u32 s14, v5;
	[sflag:s23] =	ssyncset.done $0x0  }
0x234: {  	v60 =	vor.u32 s6, v6;
	[sflag:s23] =	ssyncadd.s32 $0xFFFFE000  }
0x235: {  	v61 =	vor.u32 s14, v6;
	v23 =	vld.idx.msk [tilespmem:v56+s11+$0x0], $0xffff  }
0x236: {  	v62 =	vor.u32 s6, v7;
	v32 =	vld.idx.msk [tilespmem:v57+s12+$0x0], $0xffff  }
0x237: {  	v63 =	vor.u32 s14, v7;
	v33 =	vld.idx.msk [tilespmem:v58+s11+$0x0], $0xffff  }
0x238: {  	v34 =	vld.idx.msk [tilespmem:v59+s12+$0x0], $0xffff  }
0x239: {  	v35 =	vld.idx.msk [tilespmem:v60+s11+$0x0], $0xffff  }
0x23a: {  	v36 =	vld.idx.msk [tilespmem:v61+s12+$0x0], $0xffff  }
0x23b: {  	v37 =	vld.idx.msk [tilespmem:v62+s11+$0x0], $0xffff  }
0x23c: {  	v38 =	vld.idx.msk [tilespmem:v63+s12+$0x0], $0xffff  }
0x23d: {  	v23 =	vmul.f32 v32, v23;
	v40 =	vmul.f32 v34, v33;
	_ =	sdelay $0x1  }
0x23e: {  	v41 =	vmul.f32 v36, v35;
	v23 =	vadd.f32 v40, v23;
	_ =	sdelay $0x1  }
0x23f: {  	v42 =	vmul.f32 v38, v37;
	v23 =	vadd.f32 v41, v23;
	_ =	sdelay $0x1  }
0x240: {  	v23 =	vadd.f32 v42, v23;
	_ =	sdelay $0x1  }
0x241: {  	(xrf2) =	vadd.scan.msk.f32 $0xffff, v23;
	_ =	sdelay $0x9  }
0x242: {  	v23, _, _ =	vpop (xrf2)  }
0x243: {  	(v2sf) =	vpush @!p0 v23, $0xF;
	_ =	sdelay $0x3  }
0x244: {  	(v2sf) =	vpush @!p0 v16, $0x1;
	_ =	sdelay $0x4  }
0x245: {  	(v2sf) =	vpush @!p0 v17, $0x1;
	_ =	sdelay $0x5  }
0x246: {  	s6 =	spop @!p0 (v2sf)  }
0x247: {  	p1 =	sne.f32 @!p0 s6, s6;
	_ =	sdelay $0x1  }
0x248: {  	s6 =	simm.s32 @!p0 $0x80;
	p1 =	por !p1, p0  }
0x249: {  	s13 =	spop @!p0 (v2sf);
	s6 =	simm.s32 @p1 $0x0  }
0x24a: {  	s13 =	sadd.s32 @!p0 s13, s6  }
0x24b: {  	s13 =	sand.u32 @!p0 $0xFFFFF80, s13  }
0x24c: {  	s14 =	simm.s32 @!p0 $0x2400;
	s13 =	sadd.s32 @!p0 s1, s13  }
0x24d: {  	[tilespmem:s14], [sflag:$0x2] =	stream.strided.gather @!p0 [hbm4b:s13+s9], $0x2000, s4, s9, $0x38;
	[tilespmem:$0x10600] =	vst v63  }
0x24e: {  	s13 =	spop @!p0 (v2sf)  }
0x24f: {  	s6 =	sadd.s32 @!p0 s13, s6  }
0x250: {  	s6 =	sand.u32 @!p0 $0xFFFFF80, s6  }
0x251: {  	s13 =	simm.s32 @!p0 $0xA400;
	s6 =	sadd.s32 @!p0 s2, s6  }
0x252: {  	[tilespmem:s13], [sflag:$0x6] =	stream.strided.gather @!p0 [hbm4b:s6+s9], $0x2000, s4, s9, $0x38;
	[tilespmem:$0x10600] =	vst v63  }
0x253: {  	s5 =	sand.u32 $0x7F, s5;
	_ =	swait.ge [sflag:s24], $0x2000  }
0x254: {  	v43 =	vor.u32 s5, v8;
	s15 =	sand.u32 $0x7F, s8;
	[sflag:s24] =	ssyncset.done $0x0  }
0x255: {  	v44 =	vor.u32 s15, v8;
	[sflag:s24] =	ssyncadd.s32 $0xFFFFE000  }
0x256: {  	v45 =	vor.u32 s5, v9;
	_ =	swait.ge [sflag:s25], $0x2000  }
0x257: {  	v46 =	vor.u32 s15, v9;
	[sflag:s25] =	ssyncset.done $0x0  }
0x258: {  	v47 =	vor.u32 s5, v10;
	[sflag:s25] =	ssyncadd.s32 $0xFFFFE000  }
0x259: {  	v48 =	vor.u32 s15, v10;
	v32 =	vld.idx.msk [tilespmem:v43+s11+$0x0], $0xffff  }
0x25a: {  	v49 =	vor.u32 s5, v11;
	v33 =	vld.idx.msk [tilespmem:v44+s12+$0x0], $0xffff  }
0x25b: {  	v39 =	vor.u32 s15, v11;
	v34 =	vld.idx.msk [tilespmem:v45+s11+$0x0], $0xffff  }
0x25c: {  	v35 =	vld.idx.msk [tilespmem:v46+s12+$0x0], $0xffff  }
0x25d: {  	v36 =	vld.idx.msk [tilespmem:v47+s11+$0x0], $0xffff  }
0x25e: {  	v37 =	vld.idx.msk [tilespmem:v48+s12+$0x0], $0xffff  }
0x25f: {  	v38 =	vld.idx.msk [tilespmem:v49+s11+$0x0], $0xffff  }
0x260: {  	v39 =	vld.idx.msk [tilespmem:v39+s12+$0x0], $0xffff  }
0x261: {  	v32 =	vmul.f32 v33, v32;
	v50 =	vmul.f32 v35, v34;
	_ =	sdelay $0x1  }
0x262: {  	v51 =	vmul.f32 v37, v36;
	v32 =	vadd.f32 v50, v32;
	_ =	sdelay $0x1  }
0x263: {  	v52 =	vmul.f32 v39, v38;
	v32 =	vadd.f32 v51, v32;
	_ =	sdelay $0x1  }
0x264: {  	v32 =	vadd.f32 v52, v32;
	_ =	sdelay $0x1  }
0x265: {  	(xrf2) =	vadd.scan.msk.f32 $0xffff, v32;
	_ =	sdelay $0x9  }
0x266: {  	v32, _, _ =	vpop (xrf2)  }
0x267: {  	(v2sf) =	vpush @!p0 v32, $0xF;
	_ =	sdelay $0x3  }
0x268: {  	(v2sf) =	vpush @!p0 v16, $0x2;
	_ =	sdelay $0x4  }
0x269: {  	(v2sf) =	vpush @!p0 v17, $0x2;
	_ =	sdelay $0x5  }
0x26a: {  	s5 =	spop @!p0 (v2sf)  }
0x26b: {  	p1 =	sne.f32 @!p0 s5, s5;
	_ =	sdelay $0x1  }
0x26c: {  	s5 =	simm.s32 @!p0 $0x80;
	p1 =	por !p1, p0  }
0x26d: {  	s6 =	spop @!p0 (v2sf);
	s5 =	simm.s32 @p1 $0x0  }
0x26e: {  	s6 =	sadd.s32 @!p0 s6, s5  }
0x26f: {  	s6 =	sand.u32 @!p0 $0xFFFFF80, s6  }
0x270: {  	s8 =	simm.s32 @!p0 $0x4400;
	s6 =	sadd.s32 @!p0 s1, s6  }
0x271: {  	[tilespmem:s8], [sflag:$0x3] =	stream.strided.gather @!p0 [hbm4b:s6+s9], $0x2000, s4, s9, $0x38;
	[tilespmem:$0x10600] =	vst v63  }
0x272: {  	s6 =	spop @!p0 (v2sf)  }
0x273: {  	s5 =	sadd.s32 @!p0 s6, s5  }
0x274: {  	s5 =	sand.u32 @!p0 $0xFFFFF80, s5  }
0x275: {  	s6 =	simm.s32 @!p0 $0xC400;
	s5 =	sadd.s32 @!p0 s2, s5  }
0x276: {  	[tilespmem:s6], [sflag:$0x7] =	stream.strided.gather @!p0 [hbm4b:s5+s9], $0x2000, s4, s9, $0x38;
	[tilespmem:$0x10600] =	vst v63  }
0x277: {  	s28 =	sand.u32 $0x7F, s28;
	_ =	swait.ge [sflag:s26], $0x2000  }
0x278: {  	v53 =	vor.u32 s28, v12;
	s29 =	sand.u32 $0x7F, s7;
	[sflag:s26] =	ssyncset.done $0x0  }
0x279: {  	v54 =	vor.u32 s29, v12;
	[sflag:s26] =	ssyncadd.s32 $0xFFFFE000  }
0x27a: {  	v55 =	vor.u32 s28, v13;
	_ =	swait.ge [sflag:s16], $0x2000  }
0x27b: {  	v56 =	vor.u32 s29, v13;
	[sflag:s16] =	ssyncset.done $0x0  }
0x27c: {  	v57 =	vor.u32 s28, v14;
	[sflag:s16] =	ssyncadd.s32 $0xFFFFE000  }
0x27d: {  	v58 =	vor.u32 s29, v14;
	v33 =	vld.idx.msk [tilespmem:v53+s11+$0x0], $0xffff  }
0x27e: {  	v59 =	vor.u32 s28, v15;
	v34 =	vld.idx.msk [tilespmem:v54+s12+$0x0], $0xffff  }
0x27f: {  	v40 =	vor.u32 s29, v15;
	v35 =	vld.idx.msk [tilespmem:v55+s11+$0x0], $0xffff  }
0x280: {  	v36 =	vld.idx.msk [tilespmem:v56+s12+$0x0], $0xffff  }
0x281: {  	v37 =	vld.idx.msk [tilespmem:v57+s11+$0x0], $0xffff  }
0x282: {  	v38 =	vld.idx.msk [tilespmem:v58+s12+$0x0], $0xffff  }
0x283: {  	v39 =	vld.idx.msk [tilespmem:v59+s11+$0x0], $0xffff  }
0x284: {  	v40 =	vld.idx.msk [tilespmem:v40+s12+$0x0], $0xffff  }
0x285: {  	v33 =	vmul.f32 v34, v33;
	v60 =	vmul.f32 v36, v35;
	_ =	sdelay $0x1  }
0x286: {  	v61 =	vmul.f32 v38, v37;
	v33 =	vadd.f32 v60, v33  }
0x287: {  	v18 =	vbroadcast v18, $0xF;
	v19 =	vbroadcast v19, $0xF  }
0x288: {  	v20 =	vbroadcast v20, $0xF;
	v62 =	vmul.f32 v40, v39;
	v33 =	vadd.f32 v61, v33  }
0x289: {  	v18 =	vsel vm0, v18, v19;
	v19 =	vbroadcast v21, $0xF  }
0x28a: {  	v18 =	vsel vm1, v18, v20;
	v63 =	vbroadcast v24, $0xF;
	v20 =	vadd.f32 v62, v33  }
0x28b: {  	v18 =	vsel vm2, v18, v19;
	v19 =	vbroadcast v25, $0xF  }
0x28c: {  	v18 =	vsel vm3, v18, v63;
	(xrf2) =	vadd.scan.msk.f32 $0xffff, v20;
	v20 =	vbroadcast v26, $0xF  }
0x28d: {  	v18 =	vsel vm4, v18, v19;
	v19 =	vbroadcast v27, $0xF  }
0x28e: {  	v18 =	vsel vm5, v18, v20;
	v20 =	vbroadcast v28, $0xF  }
0x28f: {  	v18 =	vsel vm6, v18, v19;
	v19 =	vbroadcast v29, $0xF  }
0x290: {  	v18 =	vsel vm7, v18, v20;
	v20 =	vbroadcast v30, $0xF  }
0x291: {  	v18 =	vsel vm8, v18, v19;
	v19 =	vbroadcast v31, $0xF  }
0x292: {  	v18 =	vsel vm9, v18, v20  }
0x293: {  	p0 =	sne.s32 s31, $0x200;
	v20 =	vbroadcast v22, $0xF;
	v18 =	vsel vm10, v18, v19;
	v19 =	vbroadcast v23, $0xF  }
.Ltmp2:
0x294: {  	_ = 	snop;
	(pc) =	sbr.rel @!p0 .LBB2_3-.Ltmp2, $4  }
0x295: {  	v18 =	vsel vm11, v18, v20;
	v20 =	vbroadcast v32, $0xF  }
0x296: {  	v18 =	vsel vm12, v19, v18  }
0x297: {  	s30 =	simm.s32 $0x6400;
	v18 =	vsel vm13, v20, v18;
	v19, _, _ =	vpop (xrf2)  }
0x298: {  	s18 =	simm.s32 $0x4400;
	s19 =	simm.s32 $0xC400;
	s17 =	simm.s32 $0xE400;
	v18 =	vsel vm14, v18, v19  }
0x299: {  	(v2sf) =	vpush v19, $0xF;
	_ =	sdelay $0x2  }
0x29a: {  	(v2sf) =	vpush v16, $0x3;
	_ =	sdelay $0x4  }
0x29b: {  	(v2sf) =	vpush v17, $0x3;
	_ =	sdelay $0x6  }
0x29c: {  	s4 =	spop (v2sf)  }
0x29d: {  	p0 =	sne.f32 s4, s4  }
0x29e: {  	s4 =	simm.s32 $0x80  }
0x29f: {  	s5 =	spop (v2sf);
	s4 =	simm.s32 @!p0 $0x0  }
0x2a0: {  	s5 =	sadd.s32 s5, s4  }
0x2a1: {  	s5 =	sand.u32 $0xFFFFF80, s5  }
0x2a2: {  	s31 =	sadd.s32 $0x10, s31;
	s5 =	sadd.s32 s1, s5  }
0x2a3: {  	[tilespmem:s30], [sflag:$0x4] =	stream.strided.gather [hbm4b:s5+s11], $0x2000, s10, s11, $0x38;
	[tilespmem:$0x10600] =	vst v63  }
0x2a4: {  	p0 =	sne.s32 s31, $0x210;
	s30 =	spop (v2sf)  }
.Ltmp3:
0x2a5: {  	s4 =	sadd.s32 s30, s4;
	(pc) =	sbr.rel @p0 .LBB2_2-.Ltmp3, $4  }
.Ltmp4:
0x2a6: {  	s3 =	sadd.s32 $0x10, s3;
	s4 =	sand.u32 $0xFFFFF80, s4;
	(pc) =	sbr.rel @!p0 .LBB2_5-.Ltmp4, $4  }
0x2a7: {  	s6 =	rddreg [dreg:$0xb];
	s15 =	simm.s32 $0x6400;
	s4 =	sadd.s32 s2, s4  }
0x2a8: {  	[tilespmem:s17], [sflag:$0x8] =	stream.strided.gather [hbm4b:s4+s11], $0x2000, s10, s11, $0x38;
	[tilespmem:$0x10600] =	vst v63  }
0x2a9: {  	s6 =	sadd.s32 $0x10, s6;
	s4 =	simm.s32 $0xE400;
	[tilespmem:s0+$0x0] =	vst v18;
	s0 =	sadd.s32 $0x10, s0  }
0x2aa: {  	_ = 	snop  }
.LBB2_6:
0x2ab: {  	_ =	sfence.sel $0x180000  }
0x2ac: {  	[bflag:$0x0] =	sbarrier.arrive $0xFFFF  }
0x2ad: {  	_ =	strace $0x90000047  }
0x2ae: {  	s0 =	stileid.u32;
	[bflag:$0x2] =	sbarrier.arrive $0xFFFF  }
0x2af: {  	p0 =	sne.s32 s0, $0x0;
	s0 =	rddreg [dreg:$0x5]  }
0x2b0: {  	s0 =	sadd.s32 @!p0 $0x100000, s0  }
0x2b1: {  	[sflag:s0] =	ssyncadd.tile.s32 @!p0 $0x1;
	_ =	shalt  }
.Lfunc_end2:
_tile_overlayer_lowered:
.L_overlay_start_2:
0x2b2: {  	(tag) =	ssettag $0x2  }
0x2b3: {  	s0 =	rddreg [dreg:$0x0];
	s2 =	stileid.u32  }
0x2b4: {  	s1 =	rddreg [dreg:$0x1];
	p0 =	sne.s32 s2, $0x0  }
0x2b5: {  	s3 =	rddreg [dreg:$0x2];
	[bflag:$0x3] =	sbarrier.arrive $0xFFFF;
	s2 =	simm.s32 @!p0 $0x1C09  }
0x2b6: {  	[timem:s3], [sflag:s2] =	dma.local @!p0 [hbm:s0], s1  }
0x2b7: {  	s0 =	simm.s32 @!p0 $0x9  }
0x2b8: {  	_ =	swait.ge @!p0 [sflag:s0], s1  }
0x2b9: {  	s1 =	ssub.s32 @!p0 $0x0, s1;
	[sflag:s0] =	ssyncset.done @!p0 $0x0  }
0x2ba: {  	[sflag:s0] =	ssyncadd.s32 @!p0 s1  }
0x2bb: {  	[bflag:$0x3] =	sbarrier.arrive $0xFFFF  }
0x2bc: {  	_ =	shalt  }

</sc_bundles>
